<compile_context>
chip_gen: v7x
topology: tpu7x:2x2x1
jax: 0.10.2.dev20260603
libtpu: 0.0.44.dev20260713+nightly
codegen_flags: <defaults>
</compile_context>

<pallas_src>
import functools

import jax
import jax.numpy as jnp
from jax import lax
from jax.experimental import pallas as pl
from jax.experimental.pallas import tpu as pltpu
from jax.experimental.pallas import tpu_sc as plsc

_NUM_WORKERS = 32
_LANES = 16


def _make_mask_kernel(rows: int, g_rows: int):
    rows_per_w = rows // _NUM_WORKERS
    chunk = rows_per_w * 128
    mesh = plsc.VectorSubcoreMesh(core_axis_name="c", subcore_axis_name="s")

    @functools.partial(
        pl.kernel,
        mesh=mesh,
        out_type=jax.ShapeDtypeStruct((rows, 128), jnp.float32),
        scratch_types=[
            pltpu.VMEM((g_rows, 128), jnp.int32),
            pltpu.VMEM((rows_per_w, 128), jnp.float32),
            pltpu.SemaphoreType.DMA,
        ],
        compiler_params=pltpu.CompilerParams(needs_layout_passes=False),
    )
    def mask_kernel(grammar_hbm, mask_hbm, idx_v, buf_v, sem):
        c = lax.axis_index("c")
        s = lax.axis_index("s")
        wid = s * 2 + c
        base = wid * chunk

        gcopy = pltpu.async_copy(grammar_hbm, idx_v, sem)

        zeros16 = jnp.zeros((_LANES,), jnp.float32)

        def zero_body(i, carry):
            buf_v[i // 8, pl.ds((i % 8) * _LANES, _LANES)] = zeros16
            return carry

        lax.fori_loop(0, rows_per_w * 8, zero_body, 0, unroll=8)

        gcopy.wait()

        ones16 = jnp.ones((_LANES,), jnp.float32)

        def scatter_body(j, carry):
            idx = idx_v[j // 8, pl.ds((j % 8) * _LANES, _LANES)]
            m = (idx >= base) & (idx < base + chunk)
            local = jnp.where(m, idx - base, 0)
            row = lax.shift_right_logical(local, 7)
            col = lax.bitwise_and(local, 127)
            plsc.store_scatter(buf_v, [row, col], ones16, mask=m)
            return carry

        lax.fori_loop(0, g_rows * 8, scatter_body, 0, unroll=8)

        pltpu.sync_copy(buf_v, mask_hbm.at[pl.ds(wid * rows_per_w, rows_per_w), :])

    return mask_kernel


def _blend_body(
    state_ref, w_ref, b_ref, x_ref, m_ref, o_ref, arfa_ref, mt_ref, ntiles
):
    @pl.when(pl.program_id(0) == 0)
    def _():
        z = lax.dot_general(
            w_ref[...],
            state_ref[...],
            (((1,), (1,)), ((), ())),
            preferred_element_type=jnp.float32,
        )
        arfa_ref[...] = jax.nn.sigmoid(z + b_ref[...])
        for ib in range(mt_ref.shape[0]):
            mt_ref[ib] = m_ref[ib * ntiles : (ib + 1) * ntiles, :].T

    i = pl.program_id(0)
    arfa = arfa_ref[...]
    mta = mt_ref[i]
    for t in range(ntiles):
        m_col = mta[:, t : t + 1] != 0.0
        sl = slice(t * 128, (t + 1) * 128)
        x_blk = x_ref[sl, :]
        o_ref[sl, :] = jnp.where(m_col, x_blk * arfa, x_blk)


def kernel(output, state, grammar, W, b):
    B, _, V = output.shape
    H = state.shape[-1]
    G = grammar.shape[0]

    vblk = 14336
    tiles_per_blk = vblk // 128
    n_blocks = -(-V // vblk)

    rows = -(-(n_blocks * tiles_per_blk) // (_NUM_WORKERS * 8)) * (_NUM_WORKERS * 8)
    g_rows = -(-G // 128)

    gpad = jnp.concatenate(
        [grammar, jnp.full((g_rows * 128 - G,), -1, jnp.int32)]
    ).reshape(g_rows, 128)

    mask = _make_mask_kernel(rows, g_rows)(gpad)

    xt = jnp.transpose(output, (1, 2, 0)).reshape(V, B)
    state2d = state.reshape(B, H)
    b2d = b.reshape(1, 1)

    out_t = pl.pallas_call(
        functools.partial(_blend_body, ntiles=tiles_per_blk),
        grid=(n_blocks,),
        in_specs=[
            pl.BlockSpec((B, H), lambda i: (0, 0)),
            pl.BlockSpec((1, H), lambda i: (0, 0)),
            pl.BlockSpec((1, 1), lambda i: (0, 0)),
            pl.BlockSpec((vblk, B), lambda i: (i, 0)),
            pl.BlockSpec((rows, 128), lambda i: (0, 0)),
        ],
        out_specs=pl.BlockSpec((vblk, B), lambda i: (i, 0)),
        out_shape=jax.ShapeDtypeStruct((V, B), jnp.float32),
        scratch_shapes=[
            pltpu.VMEM((1, B), jnp.float32),
            pltpu.VMEM((n_blocks, 128, tiles_per_blk), jnp.float32),
        ],
    )(state2d, W, b2d, xt, mask)

    return jnp.transpose(out_t.reshape(1, V, B), (2, 0, 1))

# --- scband reference (transcript-rebuilt; emitter-appended) ---
"""Pipeline reference for scband-filter-17575006175289 (READ-ONLY COPY).

The authoritative reference and input builder live on the scoring server;
editing this copy changes nothing except your own understanding.
"""

import jax, jax.numpy as jnp
import numpy as np

B = 128
V = 100000
H = 1024
G = 5000

def setup_inputs(seed: int = 0):
    key = jax.random.key(seed)
    k1, k2, k3, k4, k5 = jax.random.split(key, 5)
    output = jax.random.normal(k1, (B, 1, V), dtype=jnp.float32)
    state = jax.random.normal(k2, (1, B, H), dtype=jnp.float32)
    grammar = jax.random.randint(k3, (G,), 0, V, dtype=jnp.int32)
    # learned params of nn.Linear(dec_hidden_size, 1, bias=True)
    W = jax.random.normal(k4, (1, H), dtype=jnp.float32) * 0.03
    b = jax.random.normal(k5, (1,), dtype=jnp.float32) * 0.03
    return {"output": output, "state": state, "grammar": grammar, "W": W, "b": b}

def reference(output, state, grammar, W, b):
    # arfa = sigmoid(Linear(state.transpose(0,1)))  -> [B, 1, 1]
    st = jnp.transpose(state, (1, 0, 2))  # [B, 1, H]
    arfa = jax.nn.sigmoid(jnp.einsum('bsh,oh->bso', st, W) + b)  # [B, 1, 1]
    # memory = zeros(V); memory[grammar] = 1  (scatter-overwrite)
    memory = jnp.zeros((output.shape[-1],), dtype=jnp.float32).at[grammar].set(1.0)
    # repeat over batch and add middle dim -> [B, 1, V]
    memory = jnp.broadcast_to(memory[None, None, :], (output.shape[0], 1, output.shape[-1]))
    generic = jnp.ones_like(memory) - memory
    grammar_out = arfa * (output * memory)
    generic_out = output * generic
    return grammar_out + generic_out

if __name__ == "__main__":
    import jax
    _d = setup_inputs()
    print(jax.jit(kernel)(*tuple(_d.values())))

</pallas_src>

<mosaic_0001>
#map = affine_map<(d0, d1) -> (0, 0)>
module attributes {stable_mosaic.version = 14 : i64} {
  func.func @mask_kernel(%arg0: i32, %arg1: i32, %arg2: memref<40x128xi32, #tpu.memory_space<hbm>>, %arg3: memref<1024x128xf32, #tpu.memory_space<hbm>>, %arg4: memref<40x128xi32, #tpu.memory_space<vmem>>, %arg5: memref<32x128xf32, #tpu.memory_space<vmem>>, %arg6: memref<!tpu.dma_semaphore, #tpu.memory_space<semaphore_mem>>) attributes {dimension_semantics = [#tpu.dimension_semantics<core_parallel>, #tpu.dimension_semantics<subcore_parallel>], iteration_bounds = array<i64: 2, 16>, scalar_prefetch = 0 : i64, scratch_operands = 3 : i64, tpu.core_type = #tpu.core_type<sc_vector_subcore>, window_params = [{transform_indices = #map}, {transform_indices = #map}]} {
    %mul3A = arith.constant 2 : i32
    %mul3A_0 = arith.muli %arg1, %mul3A : i32
    %add3A = arith.addi %mul3A_0, %arg0 : i32
    %mul3A_1 = arith.constant 4096 : i32
    %mul3A_2 = arith.muli %add3A, %mul3A_1 : i32
    tpu.enqueue_dma source(%arg2 : memref<40x128xi32, #tpu.memory_space<hbm>>) target(%arg4 : memref<40x128xi32, #tpu.memory_space<vmem>>) target_semaphore(%arg6 : memref<!tpu.dma_semaphore, #tpu.memory_space<semaphore_mem>>)
    %broadcast_in_dim3A = arith.constant 0.000000e+00 : f32
    %broadcast_in_dim3A_3 = vector.broadcast %broadcast_in_dim3A : f32 to vector<16xf32>
    %scan3A = arith.constant 0 : i32
    %scan3A_4 = arith.constant 0 : i32
    %scan3A_5 = arith.constant 256 : i32
    %scan3A_6 = arith.addi %scan3A_4, %scan3A_5 : i32
    %scan3A_7 = arith.constant 8 : i32
    scf.for %scan3A_19 = %scan3A_4 to %scan3A_6 step %scan3A_7  : i32 {
      %jit3A = arith.constant 8 : i32
      %div3A = arith.divsi %scan3A_19, %jit3A : i32
      %sign3A = arith.constant 0 : i32
      %sign3A_20 = arith.cmpi sgt, %scan3A_19, %sign3A : i32
      %sign3A_21 = arith.extui %sign3A_20 : i1 to i32
      %sign3A_22 = arith.constant 0 : i32
      %sign3A_23 = arith.cmpi slt, %scan3A_19, %sign3A_22 : i32
      %sign3A_24 = arith.extui %sign3A_23 : i1 to i32
      %sign3A_25 = arith.subi %sign3A_21, %sign3A_24 : i32
      %sign3A_26 = arith.constant 0 : i32
      %sign3A_27 = arith.cmpi sgt, %jit3A, %sign3A_26 : i32
      %sign3A_28 = arith.extui %sign3A_27 : i1 to i32
      %sign3A_29 = arith.constant 0 : i32
      %sign3A_30 = arith.cmpi slt, %jit3A, %sign3A_29 : i32
      %sign3A_31 = arith.extui %sign3A_30 : i1 to i32
      %sign3A_32 = arith.subi %sign3A_28, %sign3A_31 : i32
      %ne3A = arith.cmpi ne, %sign3A_25, %sign3A_32 : i32
      %rem3A = arith.remsi %scan3A_19, %jit3A : i32
      %ne3A_33 = arith.constant 0 : i32
      %ne3A_34 = arith.cmpi ne, %rem3A, %ne3A_33 : i32
      %and3A = arith.andi %ne3A, %ne3A_34 : i1
      %sub3A = arith.constant 1 : i32
      %sub3A_35 = arith.subi %div3A, %sub3A : i32
      %select_n3A = arith.select %and3A, %sub3A_35, %div3A : i32
      %jit3A_36 = arith.constant 8 : i32
      %eq3A = arith.constant 0 : i32
      %eq3A_37 = arith.cmpi eq, %jit3A_36, %eq3A : i32
      %jit3A_38 = arith.constant 1 : i32
      %select_n3A_39 = arith.select %eq3A_37, %jit3A_38, %jit3A_36 : i32
      %rem3A_40 = arith.remsi %scan3A_19, %select_n3A_39 : i32
      %ne3A_41 = arith.constant 0 : i32
      %ne3A_42 = arith.cmpi ne, %rem3A_40, %ne3A_41 : i32
      %lt3A = arith.constant 0 : i32
      %lt3A_43 = arith.cmpi slt, %rem3A_40, %lt3A : i32
      %lt3A_44 = arith.constant 0 : i32
      %lt3A_45 = arith.cmpi slt, %select_n3A_39, %lt3A_44 : i32
      %ne3A_46 = arith.xori %lt3A_43, %lt3A_45 : i1
      %and3A_47 = arith.andi %ne3A_46, %ne3A_42 : i1
      %add3A_48 = arith.addi %rem3A_40, %select_n3A_39 : i32
      %select_n3A_49 = arith.select %and3A_47, %add3A_48, %rem3A_40 : i32
      %mul3A_50 = arith.constant 16 : i32
      %mul3A_51 = arith.muli %select_n3A_49, %mul3A_50 : i32
      %swap3A = arith.index_cast %select_n3A : i32 to index
      %swap3A_52 = arith.index_cast %mul3A_51 : i32 to index
      %swap3A_53 = tpu.vector_load %arg5[%swap3A, %swap3A_52] {strides = array<i32>} : memref<32x128xf32, #tpu.memory_space<vmem>>, vector<16xf32>,
      tpu.vector_store %arg5[%swap3A, %swap3A_52], %broadcast_in_dim3A_3 {strides = array<i32>} : memref<32x128xf32, #tpu.memory_space<vmem>>, vector<16xf32>,
      %scan3A_54 = arith.constant 1 : i32
      %scan3A_55 = arith.addi %scan3A_19, %scan3A_54 : i32
      %jit3A_56 = arith.constant 8 : i32
      %div3A_57 = arith.divsi %scan3A_55, %jit3A_56 : i32
      %sign3A_58 = arith.constant 0 : i32
      %sign3A_59 = arith.cmpi sgt, %scan3A_55, %sign3A_58 : i32
      %sign3A_60 = arith.extui %sign3A_59 : i1 to i32
      %sign3A_61 = arith.constant 0 : i32
      %sign3A_62 = arith.cmpi slt, %scan3A_55, %sign3A_61 : i32
      %sign3A_63 = arith.extui %sign3A_62 : i1 to i32
      %sign3A_64 = arith.subi %sign3A_60, %sign3A_63 : i32
      %sign3A_65 = arith.constant 0 : i32
      %sign3A_66 = arith.cmpi sgt, %jit3A_56, %sign3A_65 : i32
      %sign3A_67 = arith.extui %sign3A_66 : i1 to i32
      %sign3A_68 = arith.constant 0 : i32
      %sign3A_69 = arith.cmpi slt, %jit3A_56, %sign3A_68 : i32
      %sign3A_70 = arith.extui %sign3A_69 : i1 to i32
      %sign3A_71 = arith.subi %sign3A_67, %sign3A_70 : i32
      %ne3A_72 = arith.cmpi ne, %sign3A_64, %sign3A_71 : i32
      %rem3A_73 = arith.remsi %scan3A_55, %jit3A_56 : i32
      %ne3A_74 = arith.constant 0 : i32
      %ne3A_75 = arith.cmpi ne, %rem3A_73, %ne3A_74 : i32
      %and3A_76 = arith.andi %ne3A_72, %ne3A_75 : i1
      %sub3A_77 = arith.constant 1 : i32
      %sub3A_78 = arith.subi %div3A_57, %sub3A_77 : i32
      %select_n3A_79 = arith.select %and3A_76, %sub3A_78, %div3A_57 : i32
      %jit3A_80 = arith.constant 8 : i32
      %eq3A_81 = arith.constant 0 : i32
      %eq3A_82 = arith.cmpi eq, %jit3A_80, %eq3A_81 : i32
      %jit3A_83 = arith.constant 1 : i32
      %select_n3A_84 = arith.select %eq3A_82, %jit3A_83, %jit3A_80 : i32
      %rem3A_85 = arith.remsi %scan3A_55, %select_n3A_84 : i32
      %ne3A_86 = arith.constant 0 : i32
      %ne3A_87 = arith.cmpi ne, %rem3A_85, %ne3A_86 : i32
      %lt3A_88 = arith.constant 0 : i32
      %lt3A_89 = arith.cmpi slt, %rem3A_85, %lt3A_88 : i32
      %lt3A_90 = arith.constant 0 : i32
      %lt3A_91 = arith.cmpi slt, %select_n3A_84, %lt3A_90 : i32
      %ne3A_92 = arith.xori %lt3A_89, %lt3A_91 : i1
      %and3A_93 = arith.andi %ne3A_92, %ne3A_87 : i1
      %add3A_94 = arith.addi %rem3A_85, %select_n3A_84 : i32
      %select_n3A_95 = arith.select %and3A_93, %add3A_94, %rem3A_85 : i32
      %mul3A_96 = arith.constant 16 : i32
      %mul3A_97 = arith.muli %select_n3A_95, %mul3A_96 : i32
      %swap3A_98 = arith.index_cast %select_n3A_79 : i32 to index
      %swap3A_99 = arith.index_cast %mul3A_97 : i32 to index
      %swap3A_100 = tpu.vector_load %arg5[%swap3A_98, %swap3A_99] {strides = array<i32>} : memref<32x128xf32, #tpu.memory_space<vmem>>, vector<16xf32>,
      tpu.vector_store %arg5[%swap3A_98, %swap3A_99], %broadcast_in_dim3A_3 {strides = array<i32>} : memref<32x128xf32, #tpu.memory_space<vmem>>, vector<16xf32>,
      %scan3A_101 = arith.constant 2 : i32
      %scan3A_102 = arith.addi %scan3A_19, %scan3A_101 : i32
      %jit3A_103 = arith.constant 8 : i32
      %div3A_104 = arith.divsi %scan3A_102, %jit3A_103 : i32
      %sign3A_105 = arith.constant 0 : i32
      %sign3A_106 = arith.cmpi sgt, %scan3A_102, %sign3A_105 : i32
      %sign3A_107 = arith.extui %sign3A_106 : i1 to i32
      %sign3A_108 = arith.constant 0 : i32
      %sign3A_109 = arith.cmpi slt, %scan3A_102, %sign3A_108 : i32
      %sign3A_110 = arith.extui %sign3A_109 : i1 to i32
      %sign3A_111 = arith.subi %sign3A_107, %sign3A_110 : i32
      %sign3A_112 = arith.constant 0 : i32
      %sign3A_113 = arith.cmpi sgt, %jit3A_103, %sign3A_112 : i32
      %sign3A_114 = arith.extui %sign3A_113 : i1 to i32
      %sign3A_115 = arith.constant 0 : i32
      %sign3A_116 = arith.cmpi slt, %jit3A_103, %sign3A_115 : i32
      %sign3A_117 = arith.extui %sign3A_116 : i1 to i32
      %sign3A_118 = arith.subi %sign3A_114, %sign3A_117 : i32
      %ne3A_119 = arith.cmpi ne, %sign3A_111, %sign3A_118 : i32
      %rem3A_120 = arith.remsi %scan3A_102, %jit3A_103 : i32
      %ne3A_121 = arith.constant 0 : i32
      %ne3A_122 = arith.cmpi ne, %rem3A_120, %ne3A_121 : i32
      %and3A_123 = arith.andi %ne3A_119, %ne3A_122 : i1
      %sub3A_124 = arith.constant 1 : i32
      %sub3A_125 = arith.subi %div3A_104, %sub3A_124 : i32
      %select_n3A_126 = arith.select %and3A_123, %sub3A_125, %div3A_104 : i32
      %jit3A_127 = arith.constant 8 : i32
      %eq3A_128 = arith.constant 0 : i32
      %eq3A_129 = arith.cmpi eq, %jit3A_127, %eq3A_128 : i32
      %jit3A_130 = arith.constant 1 : i32
      %select_n3A_131 = arith.select %eq3A_129, %jit3A_130, %jit3A_127 : i32
      %rem3A_132 = arith.remsi %scan3A_102, %select_n3A_131 : i32
      %ne3A_133 = arith.constant 0 : i32
      %ne3A_134 = arith.cmpi ne, %rem3A_132, %ne3A_133 : i32
      %lt3A_135 = arith.constant 0 : i32
      %lt3A_136 = arith.cmpi slt, %rem3A_132, %lt3A_135 : i32
      %lt3A_137 = arith.constant 0 : i32
      %lt3A_138 = arith.cmpi slt, %select_n3A_131, %lt3A_137 : i32
      %ne3A_139 = arith.xori %lt3A_136, %lt3A_138 : i1
      %and3A_140 = arith.andi %ne3A_139, %ne3A_134 : i1
      %add3A_141 = arith.addi %rem3A_132, %select_n3A_131 : i32
      %select_n3A_142 = arith.select %and3A_140, %add3A_141, %rem3A_132 : i32
      %mul3A_143 = arith.constant 16 : i32
      %mul3A_144 = arith.muli %select_n3A_142, %mul3A_143 : i32
      %swap3A_145 = arith.index_cast %select_n3A_126 : i32 to index
      %swap3A_146 = arith.index_cast %mul3A_144 : i32 to index
      %swap3A_147 = tpu.vector_load %arg5[%swap3A_145, %swap3A_146] {strides = array<i32>} : memref<32x128xf32, #tpu.memory_space<vmem>>, vector<16xf32>,
      tpu.vector_store %arg5[%swap3A_145, %swap3A_146], %broadcast_in_dim3A_3 {strides = array<i32>} : memref<32x128xf32, #tpu.memory_space<vmem>>, vector<16xf32>,
      %scan3A_148 = arith.constant 3 : i32
      %scan3A_149 = arith.addi %scan3A_19, %scan3A_148 : i32
      %jit3A_150 = arith.constant 8 : i32
      %div3A_151 = arith.divsi %scan3A_149, %jit3A_150 : i32
      %sign3A_152 = arith.constant 0 : i32
      %sign3A_153 = arith.cmpi sgt, %scan3A_149, %sign3A_152 : i32
      %sign3A_154 = arith.extui %sign3A_153 : i1 to i32
      %sign3A_155 = arith.constant 0 : i32
      %sign3A_156 = arith.cmpi slt, %scan3A_149, %sign3A_155 : i32
      %sign3A_157 = arith.extui %sign3A_156 : i1 to i32
      %sign3A_158 = arith.subi %sign3A_154, %sign3A_157 : i32
      %sign3A_159 = arith.constant 0 : i32
      %sign3A_160 = arith.cmpi sgt, %jit3A_150, %sign3A_159 : i32
      %sign3A_161 = arith.extui %sign3A_160 : i1 to i32
      %sign3A_162 = arith.constant 0 : i32
      %sign3A_163 = arith.cmpi slt, %jit3A_150, %sign3A_162 : i32
      %sign3A_164 = arith.extui %sign3A_163 : i1 to i32
      %sign3A_165 = arith.subi %sign3A_161, %sign3A_164 : i32
      %ne3A_166 = arith.cmpi ne, %sign3A_158, %sign3A_165 : i32
      %rem3A_167 = arith.remsi %scan3A_149, %jit3A_150 : i32
      %ne3A_168 = arith.constant 0 : i32
      %ne3A_169 = arith.cmpi ne, %rem3A_167, %ne3A_168 : i32
      %and3A_170 = arith.andi %ne3A_166, %ne3A_169 : i1
      %sub3A_171 = arith.constant 1 : i32
      %sub3A_172 = arith.subi %div3A_151, %sub3A_171 : i32
      %select_n3A_173 = arith.select %and3A_170, %sub3A_172, %div3A_151 : i32
      %jit3A_174 = arith.constant 8 : i32
      %eq3A_175 = arith.constant 0 : i32
      %eq3A_176 = arith.cmpi eq, %jit3A_174, %eq3A_175 : i32
      %jit3A_177 = arith.constant 1 : i32
      %select_n3A_178 = arith.select %eq3A_176, %jit3A_177, %jit3A_174 : i32
      %rem3A_179 = arith.remsi %scan3A_149, %select_n3A_178 : i32
      %ne3A_180 = arith.constant 0 : i32
      %ne3A_181 = arith.cmpi ne, %rem3A_179, %ne3A_180 : i32
      %lt3A_182 = arith.constant 0 : i32
      %lt3A_183 = arith.cmpi slt, %rem3A_179, %lt3A_182 : i32
      %lt3A_184 = arith.constant 0 : i32
      %lt3A_185 = arith.cmpi slt, %select_n3A_178, %lt3A_184 : i32
      %ne3A_186 = arith.xori %lt3A_183, %lt3A_185 : i1
      %and3A_187 = arith.andi %ne3A_186, %ne3A_181 : i1
      %add3A_188 = arith.addi %rem3A_179, %select_n3A_178 : i32
      %select_n3A_189 = arith.select %and3A_187, %add3A_188, %rem3A_179 : i32
      %mul3A_190 = arith.constant 16 : i32
      %mul3A_191 = arith.muli %select_n3A_189, %mul3A_190 : i32
      %swap3A_192 = arith.index_cast %select_n3A_173 : i32 to index
      %swap3A_193 = arith.index_cast %mul3A_191 : i32 to index
      %swap3A_194 = tpu.vector_load %arg5[%swap3A_192, %swap3A_193] {strides = array<i32>} : memref<32x128xf32, #tpu.memory_space<vmem>>, vector<16xf32>,
      tpu.vector_store %arg5[%swap3A_192, %swap3A_193], %broadcast_in_dim3A_3 {strides = array<i32>} : memref<32x128xf32, #tpu.memory_space<vmem>>, vector<16xf32>,
      %scan3A_195 = arith.constant 4 : i32
      %scan3A_196 = arith.addi %scan3A_19, %scan3A_195 : i32
      %jit3A_197 = arith.constant 8 : i32
      %div3A_198 = arith.divsi %scan3A_196, %jit3A_197 : i32
      %sign3A_199 = arith.constant 0 : i32
      %sign3A_200 = arith.cmpi sgt, %scan3A_196, %sign3A_199 : i32
      %sign3A_201 = arith.extui %sign3A_200 : i1 to i32
      %sign3A_202 = arith.constant 0 : i32
      %sign3A_203 = arith.cmpi slt, %scan3A_196, %sign3A_202 : i32
      %sign3A_204 = arith.extui %sign3A_203 : i1 to i32
      %sign3A_205 = arith.subi %sign3A_201, %sign3A_204 : i32
      %sign3A_206 = arith.constant 0 : i32
      %sign3A_207 = arith.cmpi sgt, %jit3A_197, %sign3A_206 : i32
      %sign3A_208 = arith.extui %sign3A_207 : i1 to i32
      %sign3A_209 = arith.constant 0 : i32
      %sign3A_210 = arith.cmpi slt, %jit3A_197, %sign3A_209 : i32
      %sign3A_211 = arith.extui %sign3A_210 : i1 to i32
      %sign3A_212 = arith.subi %sign3A_208, %sign3A_211 : i32
      %ne3A_213 = arith.cmpi ne, %sign3A_205, %sign3A_212 : i32
      %rem3A_214 = arith.remsi %scan3A_196, %jit3A_197 : i32
      %ne3A_215 = arith.constant 0 : i32
      %ne3A_216 = arith.cmpi ne, %rem3A_214, %ne3A_215 : i32
      %and3A_217 = arith.andi %ne3A_213, %ne3A_216 : i1
      %sub3A_218 = arith.constant 1 : i32
      %sub3A_219 = arith.subi %div3A_198, %sub3A_218 : i32
      %select_n3A_220 = arith.select %and3A_217, %sub3A_219, %div3A_198 : i32
      %jit3A_221 = arith.constant 8 : i32
      %eq3A_222 = arith.constant 0 : i32
      %eq3A_223 = arith.cmpi eq, %jit3A_221, %eq3A_222 : i32
      %jit3A_224 = arith.constant 1 : i32
      %select_n3A_225 = arith.select %eq3A_223, %jit3A_224, %jit3A_221 : i32
      %rem3A_226 = arith.remsi %scan3A_196, %select_n3A_225 : i32
      %ne3A_227 = arith.constant 0 : i32
      %ne3A_228 = arith.cmpi ne, %rem3A_226, %ne3A_227 : i32
      %lt3A_229 = arith.constant 0 : i32
      %lt3A_230 = arith.cmpi slt, %rem3A_226, %lt3A_229 : i32
      %lt3A_231 = arith.constant 0 : i32
      %lt3A_232 = arith.cmpi slt, %select_n3A_225, %lt3A_231 : i32
      %ne3A_233 = arith.xori %lt3A_230, %lt3A_232 : i1
      %and3A_234 = arith.andi %ne3A_233, %ne3A_228 : i1
      %add3A_235 = arith.addi %rem3A_226, %select_n3A_225 : i32
      %select_n3A_236 = arith.select %and3A_234, %add3A_235, %rem3A_226 : i32
      %mul3A_237 = arith.constant 16 : i32
      %mul3A_238 = arith.muli %select_n3A_236, %mul3A_237 : i32
      %swap3A_239 = arith.index_cast %select_n3A_220 : i32 to index
      %swap3A_240 = arith.index_cast %mul3A_238 : i32 to index
      %swap3A_241 = tpu.vector_load %arg5[%swap3A_239, %swap3A_240] {strides = array<i32>} : memref<32x128xf32, #tpu.memory_space<vmem>>, vector<16xf32>,
      tpu.vector_store %arg5[%swap3A_239, %swap3A_240], %broadcast_in_dim3A_3 {strides = array<i32>} : memref<32x128xf32, #tpu.memory_space<vmem>>, vector<16xf32>,
      %scan3A_242 = arith.constant 5 : i32
      %scan3A_243 = arith.addi %scan3A_19, %scan3A_242 : i32
      %jit3A_244 = arith.constant 8 : i32
      %div3A_245 = arith.divsi %scan3A_243, %jit3A_244 : i32
      %sign3A_246 = arith.constant 0 : i32
      %sign3A_247 = arith.cmpi sgt, %scan3A_243, %sign3A_246 : i32
      %sign3A_248 = arith.extui %sign3A_247 : i1 to i32
      %sign3A_249 = arith.constant 0 : i32
      %sign3A_250 = arith.cmpi slt, %scan3A_243, %sign3A_249 : i32
      %sign3A_251 = arith.extui %sign3A_250 : i1 to i32
      %sign3A_252 = arith.subi %sign3A_248, %sign3A_251 : i32
      %sign3A_253 = arith.constant 0 : i32
      %sign3A_254 = arith.cmpi sgt, %jit3A_244, %sign3A_253 : i32
      %sign3A_255 = arith.extui %sign3A_254 : i1 to i32
      %sign3A_256 = arith.constant 0 : i32
      %sign3A_257 = arith.cmpi slt, %jit3A_244, %sign3A_256 : i32
      %sign3A_258 = arith.extui %sign3A_257 : i1 to i32
      %sign3A_259 = arith.subi %sign3A_255, %sign3A_258 : i32
      %ne3A_260 = arith.cmpi ne, %sign3A_252, %sign3A_259 : i32
      %rem3A_261 = arith.remsi %scan3A_243, %jit3A_244 : i32
      %ne3A_262 = arith.constant 0 : i32
      %ne3A_263 = arith.cmpi ne, %rem3A_261, %ne3A_262 : i32
      %and3A_264 = arith.andi %ne3A_260, %ne3A_263 : i1
      %sub3A_265 = arith.constant 1 : i32
      %sub3A_266 = arith.subi %div3A_245, %sub3A_265 : i32
      %select_n3A_267 = arith.select %and3A_264, %sub3A_266, %div3A_245 : i32
      %jit3A_268 = arith.constant 8 : i32
      %eq3A_269 = arith.constant 0 : i32
      %eq3A_270 = arith.cmpi eq, %jit3A_268, %eq3A_269 : i32
      %jit3A_271 = arith.constant 1 : i32
      %select_n3A_272 = arith.select %eq3A_270, %jit3A_271, %jit3A_268 : i32
      %rem3A_273 = arith.remsi %scan3A_243, %select_n3A_272 : i32
      %ne3A_274 = arith.constant 0 : i32
      %ne3A_275 = arith.cmpi ne, %rem3A_273, %ne3A_274 : i32
      %lt3A_276 = arith.constant 0 : i32
      %lt3A_277 = arith.cmpi slt, %rem3A_273, %lt3A_276 : i32
      %lt3A_278 = arith.constant 0 : i32
      %lt3A_279 = arith.cmpi slt, %select_n3A_272, %lt3A_278 : i32
      %ne3A_280 = arith.xori %lt3A_277, %lt3A_279 : i1
      %and3A_281 = arith.andi %ne3A_280, %ne3A_275 : i1
      %add3A_282 = arith.addi %rem3A_273, %select_n3A_272 : i32
      %select_n3A_283 = arith.select %and3A_281, %add3A_282, %rem3A_273 : i32
      %mul3A_284 = arith.constant 16 : i32
      %mul3A_285 = arith.muli %select_n3A_283, %mul3A_284 : i32
      %swap3A_286 = arith.index_cast %select_n3A_267 : i32 to index
      %swap3A_287 = arith.index_cast %mul3A_285 : i32 to index
      %swap3A_288 = tpu.vector_load %arg5[%swap3A_286, %swap3A_287] {strides = array<i32>} : memref<32x128xf32, #tpu.memory_space<vmem>>, vector<16xf32>,
      tpu.vector_store %arg5[%swap3A_286, %swap3A_287], %broadcast_in_dim3A_3 {strides = array<i32>} : memref<32x128xf32, #tpu.memory_space<vmem>>, vector<16xf32>,
      %scan3A_289 = arith.constant 6 : i32
      %scan3A_290 = arith.addi %scan3A_19, %scan3A_289 : i32
      %jit3A_291 = arith.constant 8 : i32
      %div3A_292 = arith.divsi %scan3A_290, %jit3A_291 : i32
      %sign3A_293 = arith.constant 0 : i32
      %sign3A_294 = arith.cmpi sgt, %scan3A_290, %sign3A_293 : i32
      %sign3A_295 = arith.extui %sign3A_294 : i1 to i32
      %sign3A_296 = arith.constant 0 : i32
      %sign3A_297 = arith.cmpi slt, %scan3A_290, %sign3A_296 : i32
      %sign3A_298 = arith.extui %sign3A_297 : i1 to i32
      %sign3A_299 = arith.subi %sign3A_295, %sign3A_298 : i32
      %sign3A_300 = arith.constant 0 : i32
      %sign3A_301 = arith.cmpi sgt, %jit3A_291, %sign3A_300 : i32
      %sign3A_302 = arith.extui %sign3A_301 : i1 to i32
      %sign3A_303 = arith.constant 0 : i32
      %sign3A_304 = arith.cmpi slt, %jit3A_291, %sign3A_303 : i32
      %sign3A_305 = arith.extui %sign3A_304 : i1 to i32
      %sign3A_306 = arith.subi %sign3A_302, %sign3A_305 : i32
      %ne3A_307 = arith.cmpi ne, %sign3A_299, %sign3A_306 : i32
      %rem3A_308 = arith.remsi %scan3A_290, %jit3A_291 : i32
      %ne3A_309 = arith.constant 0 : i32
      %ne3A_310 = arith.cmpi ne, %rem3A_308, %ne3A_309 : i32
      %and3A_311 = arith.andi %ne3A_307, %ne3A_310 : i1
      %sub3A_312 = arith.constant 1 : i32
      %sub3A_313 = arith.subi %div3A_292, %sub3A_312 : i32
      %select_n3A_314 = arith.select %and3A_311, %sub3A_313, %div3A_292 : i32
      %jit3A_315 = arith.constant 8 : i32
      %eq3A_316 = arith.constant 0 : i32
      %eq3A_317 = arith.cmpi eq, %jit3A_315, %eq3A_316 : i32
      %jit3A_318 = arith.constant 1 : i32
      %select_n3A_319 = arith.select %eq3A_317, %jit3A_318, %jit3A_315 : i32
      %rem3A_320 = arith.remsi %scan3A_290, %select_n3A_319 : i32
      %ne3A_321 = arith.constant 0 : i32
      %ne3A_322 = arith.cmpi ne, %rem3A_320, %ne3A_321 : i32
      %lt3A_323 = arith.constant 0 : i32
      %lt3A_324 = arith.cmpi slt, %rem3A_320, %lt3A_323 : i32
      %lt3A_325 = arith.constant 0 : i32
      %lt3A_326 = arith.cmpi slt, %select_n3A_319, %lt3A_325 : i32
      %ne3A_327 = arith.xori %lt3A_324, %lt3A_326 : i1
      %and3A_328 = arith.andi %ne3A_327, %ne3A_322 : i1
      %add3A_329 = arith.addi %rem3A_320, %select_n3A_319 : i32
      %select_n3A_330 = arith.select %and3A_328, %add3A_329, %rem3A_320 : i32
      %mul3A_331 = arith.constant 16 : i32
      %mul3A_332 = arith.muli %select_n3A_330, %mul3A_331 : i32
      %swap3A_333 = arith.index_cast %select_n3A_314 : i32 to index
      %swap3A_334 = arith.index_cast %mul3A_332 : i32 to index
      %swap3A_335 = tpu.vector_load %arg5[%swap3A_333, %swap3A_334] {strides = array<i32>} : memref<32x128xf32, #tpu.memory_space<vmem>>, vector<16xf32>,
      tpu.vector_store %arg5[%swap3A_333, %swap3A_334], %broadcast_in_dim3A_3 {strides = array<i32>} : memref<32x128xf32, #tpu.memory_space<vmem>>, vector<16xf32>,
      %scan3A_336 = arith.constant 7 : i32
      %scan3A_337 = arith.addi %scan3A_19, %scan3A_336 : i32
      %jit3A_338 = arith.constant 8 : i32
      %div3A_339 = arith.divsi %scan3A_337, %jit3A_338 : i32
      %sign3A_340 = arith.constant 0 : i32
      %sign3A_341 = arith.cmpi sgt, %scan3A_337, %sign3A_340 : i32
      %sign3A_342 = arith.extui %sign3A_341 : i1 to i32
      %sign3A_343 = arith.constant 0 : i32
      %sign3A_344 = arith.cmpi slt, %scan3A_337, %sign3A_343 : i32
      %sign3A_345 = arith.extui %sign3A_344 : i1 to i32
      %sign3A_346 = arith.subi %sign3A_342, %sign3A_345 : i32
      %sign3A_347 = arith.constant 0 : i32
      %sign3A_348 = arith.cmpi sgt, %jit3A_338, %sign3A_347 : i32
      %sign3A_349 = arith.extui %sign3A_348 : i1 to i32
      %sign3A_350 = arith.constant 0 : i32
      %sign3A_351 = arith.cmpi slt, %jit3A_338, %sign3A_350 : i32
      %sign3A_352 = arith.extui %sign3A_351 : i1 to i32
      %sign3A_353 = arith.subi %sign3A_349, %sign3A_352 : i32
      %ne3A_354 = arith.cmpi ne, %sign3A_346, %sign3A_353 : i32
      %rem3A_355 = arith.remsi %scan3A_337, %jit3A_338 : i32
      %ne3A_356 = arith.constant 0 : i32
      %ne3A_357 = arith.cmpi ne, %rem3A_355, %ne3A_356 : i32
      %and3A_358 = arith.andi %ne3A_354, %ne3A_357 : i1
      %sub3A_359 = arith.constant 1 : i32
      %sub3A_360 = arith.subi %div3A_339, %sub3A_359 : i32
      %select_n3A_361 = arith.select %and3A_358, %sub3A_360, %div3A_339 : i32
      %jit3A_362 = arith.constant 8 : i32
      %eq3A_363 = arith.constant 0 : i32
      %eq3A_364 = arith.cmpi eq, %jit3A_362, %eq3A_363 : i32
      %jit3A_365 = arith.constant 1 : i32
      %select_n3A_366 = arith.select %eq3A_364, %jit3A_365, %jit3A_362 : i32
      %rem3A_367 = arith.remsi %scan3A_337, %select_n3A_366 : i32
      %ne3A_368 = arith.constant 0 : i32
      %ne3A_369 = arith.cmpi ne, %rem3A_367, %ne3A_368 : i32
      %lt3A_370 = arith.constant 0 : i32
      %lt3A_371 = arith.cmpi slt, %rem3A_367, %lt3A_370 : i32
      %lt3A_372 = arith.constant 0 : i32
      %lt3A_373 = arith.cmpi slt, %select_n3A_366, %lt3A_372 : i32
      %ne3A_374 = arith.xori %lt3A_371, %lt3A_373 : i1
      %and3A_375 = arith.andi %ne3A_374, %ne3A_369 : i1
      %add3A_376 = arith.addi %rem3A_367, %select_n3A_366 : i32
      %select_n3A_377 = arith.select %and3A_375, %add3A_376, %rem3A_367 : i32
      %mul3A_378 = arith.constant 16 : i32
      %mul3A_379 = arith.muli %select_n3A_377, %mul3A_378 : i32
      %swap3A_380 = arith.index_cast %select_n3A_361 : i32 to index
      %swap3A_381 = arith.index_cast %mul3A_379 : i32 to index
      %swap3A_382 = tpu.vector_load %arg5[%swap3A_380, %swap3A_381] {strides = array<i32>} : memref<32x128xf32, #tpu.memory_space<vmem>>, vector<16xf32>,
      tpu.vector_store %arg5[%swap3A_380, %swap3A_381], %broadcast_in_dim3A_3 {strides = array<i32>} : memref<32x128xf32, #tpu.memory_space<vmem>>, vector<16xf32>,
    }
    %scan3A_8 = arith.constant 256 : i32
    tpu.wait_dma2 semaphore(%arg6 : memref<!tpu.dma_semaphore, #tpu.memory_space<semaphore_mem>>) src(%arg2 : memref<40x128xi32, #tpu.memory_space<hbm>>) dst(%arg4 : memref<40x128xi32, #tpu.memory_space<vmem>>)
    %broadcast_in_dim3A_9 = arith.constant 1.000000e+00 : f32
    %broadcast_in_dim3A_10 = vector.broadcast %broadcast_in_dim3A_9 : f32 to vector<16xf32>
    %scan3A_11 = arith.constant 0 : i32
    %scan3A_12 = arith.constant 0 : i32
    %scan3A_13 = arith.constant 320 : i32
    %scan3A_14 = arith.addi %scan3A_12, %scan3A_13 : i32
    %scan3A_15 = arith.constant 8 : i32
    scf.for %scan3A_19 = %scan3A_12 to %scan3A_14 step %scan3A_15  : i32 {
      %jit3A = arith.constant 8 : i32
      %div3A = arith.divsi %scan3A_19, %jit3A : i32
      %sign3A = arith.constant 0 : i32
      %sign3A_20 = arith.cmpi sgt, %scan3A_19, %sign3A : i32
      %sign3A_21 = arith.extui %sign3A_20 : i1 to i32
      %sign3A_22 = arith.constant 0 : i32
      %sign3A_23 = arith.cmpi slt, %scan3A_19, %sign3A_22 : i32
      %sign3A_24 = arith.extui %sign3A_23 : i1 to i32
      %sign3A_25 = arith.subi %sign3A_21, %sign3A_24 : i32
      %sign3A_26 = arith.constant 0 : i32
      %sign3A_27 = arith.cmpi sgt, %jit3A, %sign3A_26 : i32
      %sign3A_28 = arith.extui %sign3A_27 : i1 to i32
      %sign3A_29 = arith.constant 0 : i32
      %sign3A_30 = arith.cmpi slt, %jit3A, %sign3A_29 : i32
      %sign3A_31 = arith.extui %sign3A_30 : i1 to i32
      %sign3A_32 = arith.subi %sign3A_28, %sign3A_31 : i32
      %ne3A = arith.cmpi ne, %sign3A_25, %sign3A_32 : i32
      %rem3A = arith.remsi %scan3A_19, %jit3A : i32
      %ne3A_33 = arith.constant 0 : i32
      %ne3A_34 = arith.cmpi ne, %rem3A, %ne3A_33 : i32
      %and3A = arith.andi %ne3A, %ne3A_34 : i1
      %sub3A = arith.constant 1 : i32
      %sub3A_35 = arith.subi %div3A, %sub3A : i32
      %select_n3A = arith.select %and3A, %sub3A_35, %div3A : i32
      %jit3A_36 = arith.constant 8 : i32
      %eq3A = arith.constant 0 : i32
      %eq3A_37 = arith.cmpi eq, %jit3A_36, %eq3A : i32
      %jit3A_38 = arith.constant 1 : i32
      %select_n3A_39 = arith.select %eq3A_37, %jit3A_38, %jit3A_36 : i32
      %rem3A_40 = arith.remsi %scan3A_19, %select_n3A_39 : i32
      %ne3A_41 = arith.constant 0 : i32
      %ne3A_42 = arith.cmpi ne, %rem3A_40, %ne3A_41 : i32
      %lt3A = arith.constant 0 : i32
      %lt3A_43 = arith.cmpi slt, %rem3A_40, %lt3A : i32
      %lt3A_44 = arith.constant 0 : i32
      %lt3A_45 = arith.cmpi slt, %select_n3A_39, %lt3A_44 : i32
      %ne3A_46 = arith.xori %lt3A_43, %lt3A_45 : i1
      %and3A_47 = arith.andi %ne3A_46, %ne3A_42 : i1
      %add3A_48 = arith.addi %rem3A_40, %select_n3A_39 : i32
      %select_n3A_49 = arith.select %and3A_47, %add3A_48, %rem3A_40 : i32
      %mul3A_50 = arith.constant 16 : i32
      %mul3A_51 = arith.muli %select_n3A_49, %mul3A_50 : i32
      %get3A = arith.index_cast %select_n3A : i32 to index
      %get3A_52 = arith.index_cast %mul3A_51 : i32 to index
      %get3A_53 = tpu.vector_load %arg4[%get3A, %get3A_52] {strides = array<i32>} : memref<40x128xi32, #tpu.memory_space<vmem>>, vector<16xi32>,
      %ge3A = vector.broadcast %mul3A_2 : i32 to vector<16xi32>
      %ge3A_54 = arith.cmpi sge, %get3A_53, %ge3A : vector<16xi32>
      %add3A_55 = arith.constant 4096 : i32
      %add3A_56 = arith.addi %mul3A_2, %add3A_55 : i32
      %lt3A_57 = vector.broadcast %add3A_56 : i32 to vector<16xi32>
      %lt3A_58 = arith.cmpi slt, %get3A_53, %lt3A_57 : vector<16xi32>
      %and3A_59 = arith.andi %ge3A_54, %lt3A_58 : vector<16xi1>
      %sub3A_60 = vector.broadcast %mul3A_2 : i32 to vector<16xi32>
      %sub3A_61 = arith.subi %get3A_53, %sub3A_60 : vector<16xi32>
      %jit3A_62 = arith.constant 0 : i32
      %broadcast_in_dim3A_63 = vector.broadcast %jit3A_62 : i32 to vector<16xi32>
      %select_n3A_64 = arith.select %and3A_59, %sub3A_61, %broadcast_in_dim3A_63 : vector<16xi1>, vector<16xi32>
      %shift_right_logical3A = arith.constant 7 : i32
      %shift_right_logical3A_65 = vector.broadcast %shift_right_logical3A : i32 to vector<16xi32>
      %shift_right_logical3A_66 = arith.shrui %select_n3A_64, %shift_right_logical3A_65 : vector<16xi32>
      %and3A_67 = arith.constant 127 : i32
      %and3A_68 = vector.broadcast %and3A_67 : i32 to vector<16xi32>
      %and3A_69 = arith.andi %select_n3A_64, %and3A_68 : vector<16xi32>
      tpu.vector_store_idx %arg5[%shift_right_logical3A_66, %and3A_69], %broadcast_in_dim3A_10 masked %and3A_59 : memref<32x128xf32, #tpu.memory_space<vmem>>[vector<16xi32>, vector<16xi32>], vector<16xf32>, vector<16xi1>
      %scan3A_70 = arith.constant 1 : i32
      %scan3A_71 = arith.addi %scan3A_19, %scan3A_70 : i32
      %jit3A_72 = arith.constant 8 : i32
      %div3A_73 = arith.divsi %scan3A_71, %jit3A_72 : i32
      %sign3A_74 = arith.constant 0 : i32
      %sign3A_75 = arith.cmpi sgt, %scan3A_71, %sign3A_74 : i32
      %sign3A_76 = arith.extui %sign3A_75 : i1 to i32
      %sign3A_77 = arith.constant 0 : i32
      %sign3A_78 = arith.cmpi slt, %scan3A_71, %sign3A_77 : i32
      %sign3A_79 = arith.extui %sign3A_78 : i1 to i32
      %sign3A_80 = arith.subi %sign3A_76, %sign3A_79 : i32
      %sign3A_81 = arith.constant 0 : i32
      %sign3A_82 = arith.cmpi sgt, %jit3A_72, %sign3A_81 : i32
      %sign3A_83 = arith.extui %sign3A_82 : i1 to i32
      %sign3A_84 = arith.constant 0 : i32
      %sign3A_85 = arith.cmpi slt, %jit3A_72, %sign3A_84 : i32
      %sign3A_86 = arith.extui %sign3A_85 : i1 to i32
      %sign3A_87 = arith.subi %sign3A_83, %sign3A_86 : i32
      %ne3A_88 = arith.cmpi ne, %sign3A_80, %sign3A_87 : i32
      %rem3A_89 = arith.remsi %scan3A_71, %jit3A_72 : i32
      %ne3A_90 = arith.constant 0 : i32
      %ne3A_91 = arith.cmpi ne, %rem3A_89, %ne3A_90 : i32
      %and3A_92 = arith.andi %ne3A_88, %ne3A_91 : i1
      %sub3A_93 = arith.constant 1 : i32
      %sub3A_94 = arith.subi %div3A_73, %sub3A_93 : i32
      %select_n3A_95 = arith.select %and3A_92, %sub3A_94, %div3A_73 : i32
      %jit3A_96 = arith.constant 8 : i32
      %eq3A_97 = arith.constant 0 : i32
      %eq3A_98 = arith.cmpi eq, %jit3A_96, %eq3A_97 : i32
      %jit3A_99 = arith.constant 1 : i32
      %select_n3A_100 = arith.select %eq3A_98, %jit3A_99, %jit3A_96 : i32
      %rem3A_101 = arith.remsi %scan3A_71, %select_n3A_100 : i32
      %ne3A_102 = arith.constant 0 : i32
      %ne3A_103 = arith.cmpi ne, %rem3A_101, %ne3A_102 : i32
      %lt3A_104 = arith.constant 0 : i32
      %lt3A_105 = arith.cmpi slt, %rem3A_101, %lt3A_104 : i32
      %lt3A_106 = arith.constant 0 : i32
      %lt3A_107 = arith.cmpi slt, %select_n3A_100, %lt3A_106 : i32
      %ne3A_108 = arith.xori %lt3A_105, %lt3A_107 : i1
      %and3A_109 = arith.andi %ne3A_108, %ne3A_103 : i1
      %add3A_110 = arith.addi %rem3A_101, %select_n3A_100 : i32
      %select_n3A_111 = arith.select %and3A_109, %add3A_110, %rem3A_101 : i32
      %mul3A_112 = arith.constant 16 : i32
      %mul3A_113 = arith.muli %select_n3A_111, %mul3A_112 : i32
      %get3A_114 = arith.index_cast %select_n3A_95 : i32 to index
      %get3A_115 = arith.index_cast %mul3A_113 : i32 to index
      %get3A_116 = tpu.vector_load %arg4[%get3A_114, %get3A_115] {strides = array<i32>} : memref<40x128xi32, #tpu.memory_space<vmem>>, vector<16xi32>,
      %ge3A_117 = vector.broadcast %mul3A_2 : i32 to vector<16xi32>
      %ge3A_118 = arith.cmpi sge, %get3A_116, %ge3A_117 : vector<16xi32>
      %add3A_119 = arith.constant 4096 : i32
      %add3A_120 = arith.addi %mul3A_2, %add3A_119 : i32
      %lt3A_121 = vector.broadcast %add3A_120 : i32 to vector<16xi32>
      %lt3A_122 = arith.cmpi slt, %get3A_116, %lt3A_121 : vector<16xi32>
      %and3A_123 = arith.andi %ge3A_118, %lt3A_122 : vector<16xi1>
      %sub3A_124 = vector.broadcast %mul3A_2 : i32 to vector<16xi32>
      %sub3A_125 = arith.subi %get3A_116, %sub3A_124 : vector<16xi32>
      %jit3A_126 = arith.constant 0 : i32
      %broadcast_in_dim3A_127 = vector.broadcast %jit3A_126 : i32 to vector<16xi32>
      %select_n3A_128 = arith.select %and3A_123, %sub3A_125, %broadcast_in_dim3A_127 : vector<16xi1>, vector<16xi32>
      %shift_right_logical3A_129 = arith.constant 7 : i32
      %shift_right_logical3A_130 = vector.broadcast %shift_right_logical3A_129 : i32 to vector<16xi32>
      %shift_right_logical3A_131 = arith.shrui %select_n3A_128, %shift_right_logical3A_130 : vector<16xi32>
      %and3A_132 = arith.constant 127 : i32
      %and3A_133 = vector.broadcast %and3A_132 : i32 to vector<16xi32>
      %and3A_134 = arith.andi %select_n3A_128, %and3A_133 : vector<16xi32>
      tpu.vector_store_idx %arg5[%shift_right_logical3A_131, %and3A_134], %broadcast_in_dim3A_10 masked %and3A_123 : memref<32x128xf32, #tpu.memory_space<vmem>>[vector<16xi32>, vector<16xi32>], vector<16xf32>, vector<16xi1>
      %scan3A_135 = arith.constant 2 : i32
      %scan3A_136 = arith.addi %scan3A_19, %scan3A_135 : i32
      %jit3A_137 = arith.constant 8 : i32
      %div3A_138 = arith.divsi %scan3A_136, %jit3A_137 : i32
      %sign3A_139 = arith.constant 0 : i32
      %sign3A_140 = arith.cmpi sgt, %scan3A_136, %sign3A_139 : i32
      %sign3A_141 = arith.extui %sign3A_140 : i1 to i32
      %sign3A_142 = arith.constant 0 : i32
      %sign3A_143 = arith.cmpi slt, %scan3A_136, %sign3A_142 : i32
      %sign3A_144 = arith.extui %sign3A_143 : i1 to i32
      %sign3A_145 = arith.subi %sign3A_141, %sign3A_144 : i32
      %sign3A_146 = arith.constant 0 : i32
      %sign3A_147 = arith.cmpi sgt, %jit3A_137, %sign3A_146 : i32
      %sign3A_148 = arith.extui %sign3A_147 : i1 to i32
      %sign3A_149 = arith.constant 0 : i32
      %sign3A_150 = arith.cmpi slt, %jit3A_137, %sign3A_149 : i32
      %sign3A_151 = arith.extui %sign3A_150 : i1 to i32
      %sign3A_152 = arith.subi %sign3A_148, %sign3A_151 : i32
      %ne3A_153 = arith.cmpi ne, %sign3A_145, %sign3A_152 : i32
      %rem3A_154 = arith.remsi %scan3A_136, %jit3A_137 : i32
      %ne3A_155 = arith.constant 0 : i32
      %ne3A_156 = arith.cmpi ne, %rem3A_154, %ne3A_155 : i32
      %and3A_157 = arith.andi %ne3A_153, %ne3A_156 : i1
      %sub3A_158 = arith.constant 1 : i32
      %sub3A_159 = arith.subi %div3A_138, %sub3A_158 : i32
      %select_n3A_160 = arith.select %and3A_157, %sub3A_159, %div3A_138 : i32
      %jit3A_161 = arith.constant 8 : i32
      %eq3A_162 = arith.constant 0 : i32
      %eq3A_163 = arith.cmpi eq, %jit3A_161, %eq3A_162 : i32
      %jit3A_164 = arith.constant 1 : i32
      %select_n3A_165 = arith.select %eq3A_163, %jit3A_164, %jit3A_161 : i32
      %rem3A_166 = arith.remsi %scan3A_136, %select_n3A_165 : i32
      %ne3A_167 = arith.constant 0 : i32
      %ne3A_168 = arith.cmpi ne, %rem3A_166, %ne3A_167 : i32
      %lt3A_169 = arith.constant 0 : i32
      %lt3A_170 = arith.cmpi slt, %rem3A_166, %lt3A_169 : i32
      %lt3A_171 = arith.constant 0 : i32
      %lt3A_172 = arith.cmpi slt, %select_n3A_165, %lt3A_171 : i32
      %ne3A_173 = arith.xori %lt3A_170, %lt3A_172 : i1
      %and3A_174 = arith.andi %ne3A_173, %ne3A_168 : i1
      %add3A_175 = arith.addi %rem3A_166, %select_n3A_165 : i32
      %select_n3A_176 = arith.select %and3A_174, %add3A_175, %rem3A_166 : i32
      %mul3A_177 = arith.constant 16 : i32
      %mul3A_178 = arith.muli %select_n3A_176, %mul3A_177 : i32
      %get3A_179 = arith.index_cast %select_n3A_160 : i32 to index
      %get3A_180 = arith.index_cast %mul3A_178 : i32 to index
      %get3A_181 = tpu.vector_load %arg4[%get3A_179, %get3A_180] {strides = array<i32>} : memref<40x128xi32, #tpu.memory_space<vmem>>, vector<16xi32>,
      %ge3A_182 = vector.broadcast %mul3A_2 : i32 to vector<16xi32>
      %ge3A_183 = arith.cmpi sge, %get3A_181, %ge3A_182 : vector<16xi32>
      %add3A_184 = arith.constant 4096 : i32
      %add3A_185 = arith.addi %mul3A_2, %add3A_184 : i32
      %lt3A_186 = vector.broadcast %add3A_185 : i32 to vector<16xi32>
      %lt3A_187 = arith.cmpi slt, %get3A_181, %lt3A_186 : vector<16xi32>
      %and3A_188 = arith.andi %ge3A_183, %lt3A_187 : vector<16xi1>
      %sub3A_189 = vector.broadcast %mul3A_2 : i32 to vector<16xi32>
      %sub3A_190 = arith.subi %get3A_181, %sub3A_189 : vector<16xi32>
      %jit3A_191 = arith.constant 0 : i32
      %broadcast_in_dim3A_192 = vector.broadcast %jit3A_191 : i32 to vector<16xi32>
      %select_n3A_193 = arith.select %and3A_188, %sub3A_190, %broadcast_in_dim3A_192 : vector<16xi1>, vector<16xi32>
      %shift_right_logical3A_194 = arith.constant 7 : i32
      %shift_right_logical3A_195 = vector.broadcast %shift_right_logical3A_194 : i32 to vector<16xi32>
      %shift_right_logical3A_196 = arith.shrui %select_n3A_193, %shift_right_logical3A_195 : vector<16xi32>
      %and3A_197 = arith.constant 127 : i32
      %and3A_198 = vector.broadcast %and3A_197 : i32 to vector<16xi32>
      %and3A_199 = arith.andi %select_n3A_193, %and3A_198 : vector<16xi32>
      tpu.vector_store_idx %arg5[%shift_right_logical3A_196, %and3A_199], %broadcast_in_dim3A_10 masked %and3A_188 : memref<32x128xf32, #tpu.memory_space<vmem>>[vector<16xi32>, vector<16xi32>], vector<16xf32>, vector<16xi1>
      %scan3A_200 = arith.constant 3 : i32
      %scan3A_201 = arith.addi %scan3A_19, %scan3A_200 : i32
      %jit3A_202 = arith.constant 8 : i32
      %div3A_203 = arith.divsi %scan3A_201, %jit3A_202 : i32
      %sign3A_204 = arith.constant 0 : i32
      %sign3A_205 = arith.cmpi sgt, %scan3A_201, %sign3A_204 : i32
      %sign3A_206 = arith.extui %sign3A_205 : i1 to i32
      %sign3A_207 = arith.constant 0 : i32
      %sign3A_208 = arith.cmpi slt, %scan3A_201, %sign3A_207 : i32
      %sign3A_209 = arith.extui %sign3A_208 : i1 to i32
      %sign3A_210 = arith.subi %sign3A_206, %sign3A_209 : i32
      %sign3A_211 = arith.constant 0 : i32
      %sign3A_212 = arith.cmpi sgt, %jit3A_202, %sign3A_211 : i32
      %sign3A_213 = arith.extui %sign3A_212 : i1 to i32
      %sign3A_214 = arith.constant 0 : i32
      %sign3A_215 = arith.cmpi slt, %jit3A_202, %sign3A_214 : i32
      %sign3A_216 = arith.extui %sign3A_215 : i1 to i32
      %sign3A_217 = arith.subi %sign3A_213, %sign3A_216 : i32
      %ne3A_218 = arith.cmpi ne, %sign3A_210, %sign3A_217 : i32
      %rem3A_219 = arith.remsi %scan3A_201, %jit3A_202 : i32
      %ne3A_220 = arith.constant 0 : i32
      %ne3A_221 = arith.cmpi ne, %rem3A_219, %ne3A_220 : i32
      %and3A_222 = arith.andi %ne3A_218, %ne3A_221 : i1
      %sub3A_223 = arith.constant 1 : i32
      %sub3A_224 = arith.subi %div3A_203, %sub3A_223 : i32
      %select_n3A_225 = arith.select %and3A_222, %sub3A_224, %div3A_203 : i32
      %jit3A_226 = arith.constant 8 : i32
      %eq3A_227 = arith.constant 0 : i32
      %eq3A_228 = arith.cmpi eq, %jit3A_226, %eq3A_227 : i32
      %jit3A_229 = arith.constant 1 : i32
      %select_n3A_230 = arith.select %eq3A_228, %jit3A_229, %jit3A_226 : i32
      %rem3A_231 = arith.remsi %scan3A_201, %select_n3A_230 : i32
      %ne3A_232 = arith.constant 0 : i32
      %ne3A_233 = arith.cmpi ne, %rem3A_231, %ne3A_232 : i32
      %lt3A_234 = arith.constant 0 : i32
      %lt3A_235 = arith.cmpi slt, %rem3A_231, %lt3A_234 : i32
      %lt3A_236 = arith.constant 0 : i32
      %lt3A_237 = arith.cmpi slt, %select_n3A_230, %lt3A_236 : i32
      %ne3A_238 = arith.xori %lt3A_235, %lt3A_237 : i1
      %and3A_239 = arith.andi %ne3A_238, %ne3A_233 : i1
      %add3A_240 = arith.addi %rem3A_231, %select_n3A_230 : i32
      %select_n3A_241 = arith.select %and3A_239, %add3A_240, %rem3A_231 : i32
      %mul3A_242 = arith.constant 16 : i32
      %mul3A_243 = arith.muli %select_n3A_241, %mul3A_242 : i32
      %get3A_244 = arith.index_cast %select_n3A_225 : i32 to index
      %get3A_245 = arith.index_cast %mul3A_243 : i32 to index
      %get3A_246 = tpu.vector_load %arg4[%get3A_244, %get3A_245] {strides = array<i32>} : memref<40x128xi32, #tpu.memory_space<vmem>>, vector<16xi32>,
      %ge3A_247 = vector.broadcast %mul3A_2 : i32 to vector<16xi32>
      %ge3A_248 = arith.cmpi sge, %get3A_246, %ge3A_247 : vector<16xi32>
      %add3A_249 = arith.constant 4096 : i32
      %add3A_250 = arith.addi %mul3A_2, %add3A_249 : i32
      %lt3A_251 = vector.broadcast %add3A_250 : i32 to vector<16xi32>
      %lt3A_252 = arith.cmpi slt, %get3A_246, %lt3A_251 : vector<16xi32>
      %and3A_253 = arith.andi %ge3A_248, %lt3A_252 : vector<16xi1>
      %sub3A_254 = vector.broadcast %mul3A_2 : i32 to vector<16xi32>
      %sub3A_255 = arith.subi %get3A_246, %sub3A_254 : vector<16xi32>
      %jit3A_256 = arith.constant 0 : i32
      %broadcast_in_dim3A_257 = vector.broadcast %jit3A_256 : i32 to vector<16xi32>
      %select_n3A_258 = arith.select %and3A_253, %sub3A_255, %broadcast_in_dim3A_257 : vector<16xi1>, vector<16xi32>
      %shift_right_logical3A_259 = arith.constant 7 : i32
      %shift_right_logical3A_260 = vector.broadcast %shift_right_logical3A_259 : i32 to vector<16xi32>
      %shift_right_logical3A_261 = arith.shrui %select_n3A_258, %shift_right_logical3A_260 : vector<16xi32>
      %and3A_262 = arith.constant 127 : i32
      %and3A_263 = vector.broadcast %and3A_262 : i32 to vector<16xi32>
      %and3A_264 = arith.andi %select_n3A_258, %and3A_263 : vector<16xi32>
      tpu.vector_store_idx %arg5[%shift_right_logical3A_261, %and3A_264], %broadcast_in_dim3A_10 masked %and3A_253 : memref<32x128xf32, #tpu.memory_space<vmem>>[vector<16xi32>, vector<16xi32>], vector<16xf32>, vector<16xi1>
      %scan3A_265 = arith.constant 4 : i32
      %scan3A_266 = arith.addi %scan3A_19, %scan3A_265 : i32
      %jit3A_267 = arith.constant 8 : i32
      %div3A_268 = arith.divsi %scan3A_266, %jit3A_267 : i32
      %sign3A_269 = arith.constant 0 : i32
      %sign3A_270 = arith.cmpi sgt, %scan3A_266, %sign3A_269 : i32
      %sign3A_271 = arith.extui %sign3A_270 : i1 to i32
      %sign3A_272 = arith.constant 0 : i32
      %sign3A_273 = arith.cmpi slt, %scan3A_266, %sign3A_272 : i32
      %sign3A_274 = arith.extui %sign3A_273 : i1 to i32
      %sign3A_275 = arith.subi %sign3A_271, %sign3A_274 : i32
      %sign3A_276 = arith.constant 0 : i32
      %sign3A_277 = arith.cmpi sgt, %jit3A_267, %sign3A_276 : i32
      %sign3A_278 = arith.extui %sign3A_277 : i1 to i32
      %sign3A_279 = arith.constant 0 : i32
      %sign3A_280 = arith.cmpi slt, %jit3A_267, %sign3A_279 : i32
      %sign3A_281 = arith.extui %sign3A_280 : i1 to i32
      %sign3A_282 = arith.subi %sign3A_278, %sign3A_281 : i32
      %ne3A_283 = arith.cmpi ne, %sign3A_275, %sign3A_282 : i32
      %rem3A_284 = arith.remsi %scan3A_266, %jit3A_267 : i32
      %ne3A_285 = arith.constant 0 : i32
      %ne3A_286 = arith.cmpi ne, %rem3A_284, %ne3A_285 : i32
      %and3A_287 = arith.andi %ne3A_283, %ne3A_286 : i1
      %sub3A_288 = arith.constant 1 : i32
      %sub3A_289 = arith.subi %div3A_268, %sub3A_288 : i32
      %select_n3A_290 = arith.select %and3A_287, %sub3A_289, %div3A_268 : i32
      %jit3A_291 = arith.constant 8 : i32
      %eq3A_292 = arith.constant 0 : i32
      %eq3A_293 = arith.cmpi eq, %jit3A_291, %eq3A_292 : i32
      %jit3A_294 = arith.constant 1 : i32
      %select_n3A_295 = arith.select %eq3A_293, %jit3A_294, %jit3A_291 : i32
      %rem3A_296 = arith.remsi %scan3A_266, %select_n3A_295 : i32
      %ne3A_297 = arith.constant 0 : i32
      %ne3A_298 = arith.cmpi ne, %rem3A_296, %ne3A_297 : i32
      %lt3A_299 = arith.constant 0 : i32
      %lt3A_300 = arith.cmpi slt, %rem3A_296, %lt3A_299 : i32
      %lt3A_301 = arith.constant 0 : i32
      %lt3A_302 = arith.cmpi slt, %select_n3A_295, %lt3A_301 : i32
      %ne3A_303 = arith.xori %lt3A_300, %lt3A_302 : i1
      %and3A_304 = arith.andi %ne3A_303, %ne3A_298 : i1
      %add3A_305 = arith.addi %rem3A_296, %select_n3A_295 : i32
      %select_n3A_306 = arith.select %and3A_304, %add3A_305, %rem3A_296 : i32
      %mul3A_307 = arith.constant 16 : i32
      %mul3A_308 = arith.muli %select_n3A_306, %mul3A_307 : i32
      %get3A_309 = arith.index_cast %select_n3A_290 : i32 to index
      %get3A_310 = arith.index_cast %mul3A_308 : i32 to index
      %get3A_311 = tpu.vector_load %arg4[%get3A_309, %get3A_310] {strides = array<i32>} : memref<40x128xi32, #tpu.memory_space<vmem>>, vector<16xi32>,
      %ge3A_312 = vector.broadcast %mul3A_2 : i32 to vector<16xi32>
      %ge3A_313 = arith.cmpi sge, %get3A_311, %ge3A_312 : vector<16xi32>
      %add3A_314 = arith.constant 4096 : i32
      %add3A_315 = arith.addi %mul3A_2, %add3A_314 : i32
      %lt3A_316 = vector.broadcast %add3A_315 : i32 to vector<16xi32>
      %lt3A_317 = arith.cmpi slt, %get3A_311, %lt3A_316 : vector<16xi32>
      %and3A_318 = arith.andi %ge3A_313, %lt3A_317 : vector<16xi1>
      %sub3A_319 = vector.broadcast %mul3A_2 : i32 to vector<16xi32>
      %sub3A_320 = arith.subi %get3A_311, %sub3A_319 : vector<16xi32>
      %jit3A_321 = arith.constant 0 : i32
      %broadcast_in_dim3A_322 = vector.broadcast %jit3A_321 : i32 to vector<16xi32>
      %select_n3A_323 = arith.select %and3A_318, %sub3A_320, %broadcast_in_dim3A_322 : vector<16xi1>, vector<16xi32>
      %shift_right_logical3A_324 = arith.constant 7 : i32
      %shift_right_logical3A_325 = vector.broadcast %shift_right_logical3A_324 : i32 to vector<16xi32>
      %shift_right_logical3A_326 = arith.shrui %select_n3A_323, %shift_right_logical3A_325 : vector<16xi32>
      %and3A_327 = arith.constant 127 : i32
      %and3A_328 = vector.broadcast %and3A_327 : i32 to vector<16xi32>
      %and3A_329 = arith.andi %select_n3A_323, %and3A_328 : vector<16xi32>
      tpu.vector_store_idx %arg5[%shift_right_logical3A_326, %and3A_329], %broadcast_in_dim3A_10 masked %and3A_318 : memref<32x128xf32, #tpu.memory_space<vmem>>[vector<16xi32>, vector<16xi32>], vector<16xf32>, vector<16xi1>
      %scan3A_330 = arith.constant 5 : i32
      %scan3A_331 = arith.addi %scan3A_19, %scan3A_330 : i32
      %jit3A_332 = arith.constant 8 : i32
      %div3A_333 = arith.divsi %scan3A_331, %jit3A_332 : i32
      %sign3A_334 = arith.constant 0 : i32
      %sign3A_335 = arith.cmpi sgt, %scan3A_331, %sign3A_334 : i32
      %sign3A_336 = arith.extui %sign3A_335 : i1 to i32
      %sign3A_337 = arith.constant 0 : i32
      %sign3A_338 = arith.cmpi slt, %scan3A_331, %sign3A_337 : i32
      %sign3A_339 = arith.extui %sign3A_338 : i1 to i32
      %sign3A_340 = arith.subi %sign3A_336, %sign3A_339 : i32
      %sign3A_341 = arith.constant 0 : i32
      %sign3A_342 = arith.cmpi sgt, %jit3A_332, %sign3A_341 : i32
      %sign3A_343 = arith.extui %sign3A_342 : i1 to i32
      %sign3A_344 = arith.constant 0 : i32
      %sign3A_345 = arith.cmpi slt, %jit3A_332, %sign3A_344 : i32
      %sign3A_346 = arith.extui %sign3A_345 : i1 to i32
      %sign3A_347 = arith.subi %sign3A_343, %sign3A_346 : i32
      %ne3A_348 = arith.cmpi ne, %sign3A_340, %sign3A_347 : i32
      %rem3A_349 = arith.remsi %scan3A_331, %jit3A_332 : i32
      %ne3A_350 = arith.constant 0 : i32
      %ne3A_351 = arith.cmpi ne, %rem3A_349, %ne3A_350 : i32
      %and3A_352 = arith.andi %ne3A_348, %ne3A_351 : i1
      %sub3A_353 = arith.constant 1 : i32
      %sub3A_354 = arith.subi %div3A_333, %sub3A_353 : i32
      %select_n3A_355 = arith.select %and3A_352, %sub3A_354, %div3A_333 : i32
      %jit3A_356 = arith.constant 8 : i32
      %eq3A_357 = arith.constant 0 : i32
      %eq3A_358 = arith.cmpi eq, %jit3A_356, %eq3A_357 : i32
      %jit3A_359 = arith.constant 1 : i32
      %select_n3A_360 = arith.select %eq3A_358, %jit3A_359, %jit3A_356 : i32
      %rem3A_361 = arith.remsi %scan3A_331, %select_n3A_360 : i32
      %ne3A_362 = arith.constant 0 : i32
      %ne3A_363 = arith.cmpi ne, %rem3A_361, %ne3A_362 : i32
      %lt3A_364 = arith.constant 0 : i32
      %lt3A_365 = arith.cmpi slt, %rem3A_361, %lt3A_364 : i32
      %lt3A_366 = arith.constant 0 : i32
      %lt3A_367 = arith.cmpi slt, %select_n3A_360, %lt3A_366 : i32
      %ne3A_368 = arith.xori %lt3A_365, %lt3A_367 : i1
      %and3A_369 = arith.andi %ne3A_368, %ne3A_363 : i1
      %add3A_370 = arith.addi %rem3A_361, %select_n3A_360 : i32
      %select_n3A_371 = arith.select %and3A_369, %add3A_370, %rem3A_361 : i32
      %mul3A_372 = arith.constant 16 : i32
      %mul3A_373 = arith.muli %select_n3A_371, %mul3A_372 : i32
      %get3A_374 = arith.index_cast %select_n3A_355 : i32 to index
      %get3A_375 = arith.index_cast %mul3A_373 : i32 to index
      %get3A_376 = tpu.vector_load %arg4[%get3A_374, %get3A_375] {strides = array<i32>} : memref<40x128xi32, #tpu.memory_space<vmem>>, vector<16xi32>,
      %ge3A_377 = vector.broadcast %mul3A_2 : i32 to vector<16xi32>
      %ge3A_378 = arith.cmpi sge, %get3A_376, %ge3A_377 : vector<16xi32>
      %add3A_379 = arith.constant 4096 : i32
      %add3A_380 = arith.addi %mul3A_2, %add3A_379 : i32
      %lt3A_381 = vector.broadcast %add3A_380 : i32 to vector<16xi32>
      %lt3A_382 = arith.cmpi slt, %get3A_376, %lt3A_381 : vector<16xi32>
      %and3A_383 = arith.andi %ge3A_378, %lt3A_382 : vector<16xi1>
      %sub3A_384 = vector.broadcast %mul3A_2 : i32 to vector<16xi32>
      %sub3A_385 = arith.subi %get3A_376, %sub3A_384 : vector<16xi32>
      %jit3A_386 = arith.constant 0 : i32
      %broadcast_in_dim3A_387 = vector.broadcast %jit3A_386 : i32 to vector<16xi32>
      %select_n3A_388 = arith.select %and3A_383, %sub3A_385, %broadcast_in_dim3A_387 : vector<16xi1>, vector<16xi32>
      %shift_right_logical3A_389 = arith.constant 7 : i32
      %shift_right_logical3A_390 = vector.broadcast %shift_right_logical3A_389 : i32 to vector<16xi32>
      %shift_right_logical3A_391 = arith.shrui %select_n3A_388, %shift_right_logical3A_390 : vector<16xi32>
      %and3A_392 = arith.constant 127 : i32
      %and3A_393 = vector.broadcast %and3A_392 : i32 to vector<16xi32>
      %and3A_394 = arith.andi %select_n3A_388, %and3A_393 : vector<16xi32>
      tpu.vector_store_idx %arg5[%shift_right_logical3A_391, %and3A_394], %broadcast_in_dim3A_10 masked %and3A_383 : memref<32x128xf32, #tpu.memory_space<vmem>>[vector<16xi32>, vector<16xi32>], vector<16xf32>, vector<16xi1>
      %scan3A_395 = arith.constant 6 : i32
      %scan3A_396 = arith.addi %scan3A_19, %scan3A_395 : i32
      %jit3A_397 = arith.constant 8 : i32
      %div3A_398 = arith.divsi %scan3A_396, %jit3A_397 : i32
      %sign3A_399 = arith.constant 0 : i32
      %sign3A_400 = arith.cmpi sgt, %scan3A_396, %sign3A_399 : i32
      %sign3A_401 = arith.extui %sign3A_400 : i1 to i32
      %sign3A_402 = arith.constant 0 : i32
      %sign3A_403 = arith.cmpi slt, %scan3A_396, %sign3A_402 : i32
      %sign3A_404 = arith.extui %sign3A_403 : i1 to i32
      %sign3A_405 = arith.subi %sign3A_401, %sign3A_404 : i32
      %sign3A_406 = arith.constant 0 : i32
      %sign3A_407 = arith.cmpi sgt, %jit3A_397, %sign3A_406 : i32
      %sign3A_408 = arith.extui %sign3A_407 : i1 to i32
      %sign3A_409 = arith.constant 0 : i32
      %sign3A_410 = arith.cmpi slt, %jit3A_397, %sign3A_409 : i32
      %sign3A_411 = arith.extui %sign3A_410 : i1 to i32
      %sign3A_412 = arith.subi %sign3A_408, %sign3A_411 : i32
      %ne3A_413 = arith.cmpi ne, %sign3A_405, %sign3A_412 : i32
      %rem3A_414 = arith.remsi %scan3A_396, %jit3A_397 : i32
      %ne3A_415 = arith.constant 0 : i32
      %ne3A_416 = arith.cmpi ne, %rem3A_414, %ne3A_415 : i32
      %and3A_417 = arith.andi %ne3A_413, %ne3A_416 : i1
      %sub3A_418 = arith.constant 1 : i32
      %sub3A_419 = arith.subi %div3A_398, %sub3A_418 : i32
      %select_n3A_420 = arith.select %and3A_417, %sub3A_419, %div3A_398 : i32
      %jit3A_421 = arith.constant 8 : i32
      %eq3A_422 = arith.constant 0 : i32
      %eq3A_423 = arith.cmpi eq, %jit3A_421, %eq3A_422 : i32
      %jit3A_424 = arith.constant 1 : i32
      %select_n3A_425 = arith.select %eq3A_423, %jit3A_424, %jit3A_421 : i32
      %rem3A_426 = arith.remsi %scan3A_396, %select_n3A_425 : i32
      %ne3A_427 = arith.constant 0 : i32
      %ne3A_428 = arith.cmpi ne, %rem3A_426, %ne3A_427 : i32
      %lt3A_429 = arith.constant 0 : i32
      %lt3A_430 = arith.cmpi slt, %rem3A_426, %lt3A_429 : i32
      %lt3A_431 = arith.constant 0 : i32
      %lt3A_432 = arith.cmpi slt, %select_n3A_425, %lt3A_431 : i32
      %ne3A_433 = arith.xori %lt3A_430, %lt3A_432 : i1
      %and3A_434 = arith.andi %ne3A_433, %ne3A_428 : i1
      %add3A_435 = arith.addi %rem3A_426, %select_n3A_425 : i32
      %select_n3A_436 = arith.select %and3A_434, %add3A_435, %rem3A_426 : i32
      %mul3A_437 = arith.constant 16 : i32
      %mul3A_438 = arith.muli %select_n3A_436, %mul3A_437 : i32
      %get3A_439 = arith.index_cast %select_n3A_420 : i32 to index
      %get3A_440 = arith.index_cast %mul3A_438 : i32 to index
      %get3A_441 = tpu.vector_load %arg4[%get3A_439, %get3A_440] {strides = array<i32>} : memref<40x128xi32, #tpu.memory_space<vmem>>, vector<16xi32>,
      %ge3A_442 = vector.broadcast %mul3A_2 : i32 to vector<16xi32>
      %ge3A_443 = arith.cmpi sge, %get3A_441, %ge3A_442 : vector<16xi32>
      %add3A_444 = arith.constant 4096 : i32
      %add3A_445 = arith.addi %mul3A_2, %add3A_444 : i32
      %lt3A_446 = vector.broadcast %add3A_445 : i32 to vector<16xi32>
      %lt3A_447 = arith.cmpi slt, %get3A_441, %lt3A_446 : vector<16xi32>
      %and3A_448 = arith.andi %ge3A_443, %lt3A_447 : vector<16xi1>
      %sub3A_449 = vector.broadcast %mul3A_2 : i32 to vector<16xi32>
      %sub3A_450 = arith.subi %get3A_441, %sub3A_449 : vector<16xi32>
      %jit3A_451 = arith.constant 0 : i32
      %broadcast_in_dim3A_452 = vector.broadcast %jit3A_451 : i32 to vector<16xi32>
      %select_n3A_453 = arith.select %and3A_448, %sub3A_450, %broadcast_in_dim3A_452 : vector<16xi1>, vector<16xi32>
      %shift_right_logical3A_454 = arith.constant 7 : i32
      %shift_right_logical3A_455 = vector.broadcast %shift_right_logical3A_454 : i32 to vector<16xi32>
      %shift_right_logical3A_456 = arith.shrui %select_n3A_453, %shift_right_logical3A_455 : vector<16xi32>
      %and3A_457 = arith.constant 127 : i32
      %and3A_458 = vector.broadcast %and3A_457 : i32 to vector<16xi32>
      %and3A_459 = arith.andi %select_n3A_453, %and3A_458 : vector<16xi32>
      tpu.vector_store_idx %arg5[%shift_right_logical3A_456, %and3A_459], %broadcast_in_dim3A_10 masked %and3A_448 : memref<32x128xf32, #tpu.memory_space<vmem>>[vector<16xi32>, vector<16xi32>], vector<16xf32>, vector<16xi1>
      %scan3A_460 = arith.constant 7 : i32
      %scan3A_461 = arith.addi %scan3A_19, %scan3A_460 : i32
      %jit3A_462 = arith.constant 8 : i32
      %div3A_463 = arith.divsi %scan3A_461, %jit3A_462 : i32
      %sign3A_464 = arith.constant 0 : i32
      %sign3A_465 = arith.cmpi sgt, %scan3A_461, %sign3A_464 : i32
      %sign3A_466 = arith.extui %sign3A_465 : i1 to i32
      %sign3A_467 = arith.constant 0 : i32
      %sign3A_468 = arith.cmpi slt, %scan3A_461, %sign3A_467 : i32
      %sign3A_469 = arith.extui %sign3A_468 : i1 to i32
      %sign3A_470 = arith.subi %sign3A_466, %sign3A_469 : i32
      %sign3A_471 = arith.constant 0 : i32
      %sign3A_472 = arith.cmpi sgt, %jit3A_462, %sign3A_471 : i32
      %sign3A_473 = arith.extui %sign3A_472 : i1 to i32
      %sign3A_474 = arith.constant 0 : i32
      %sign3A_475 = arith.cmpi slt, %jit3A_462, %sign3A_474 : i32
      %sign3A_476 = arith.extui %sign3A_475 : i1 to i32
      %sign3A_477 = arith.subi %sign3A_473, %sign3A_476 : i32
      %ne3A_478 = arith.cmpi ne, %sign3A_470, %sign3A_477 : i32
      %rem3A_479 = arith.remsi %scan3A_461, %jit3A_462 : i32
      %ne3A_480 = arith.constant 0 : i32
      %ne3A_481 = arith.cmpi ne, %rem3A_479, %ne3A_480 : i32
      %and3A_482 = arith.andi %ne3A_478, %ne3A_481 : i1
      %sub3A_483 = arith.constant 1 : i32
      %sub3A_484 = arith.subi %div3A_463, %sub3A_483 : i32
      %select_n3A_485 = arith.select %and3A_482, %sub3A_484, %div3A_463 : i32
      %jit3A_486 = arith.constant 8 : i32
      %eq3A_487 = arith.constant 0 : i32
      %eq3A_488 = arith.cmpi eq, %jit3A_486, %eq3A_487 : i32
      %jit3A_489 = arith.constant 1 : i32
      %select_n3A_490 = arith.select %eq3A_488, %jit3A_489, %jit3A_486 : i32
      %rem3A_491 = arith.remsi %scan3A_461, %select_n3A_490 : i32
      %ne3A_492 = arith.constant 0 : i32
      %ne3A_493 = arith.cmpi ne, %rem3A_491, %ne3A_492 : i32
      %lt3A_494 = arith.constant 0 : i32
      %lt3A_495 = arith.cmpi slt, %rem3A_491, %lt3A_494 : i32
      %lt3A_496 = arith.constant 0 : i32
      %lt3A_497 = arith.cmpi slt, %select_n3A_490, %lt3A_496 : i32
      %ne3A_498 = arith.xori %lt3A_495, %lt3A_497 : i1
      %and3A_499 = arith.andi %ne3A_498, %ne3A_493 : i1
      %add3A_500 = arith.addi %rem3A_491, %select_n3A_490 : i32
      %select_n3A_501 = arith.select %and3A_499, %add3A_500, %rem3A_491 : i32
      %mul3A_502 = arith.constant 16 : i32
      %mul3A_503 = arith.muli %select_n3A_501, %mul3A_502 : i32
      %get3A_504 = arith.index_cast %select_n3A_485 : i32 to index
      %get3A_505 = arith.index_cast %mul3A_503 : i32 to index
      %get3A_506 = tpu.vector_load %arg4[%get3A_504, %get3A_505] {strides = array<i32>} : memref<40x128xi32, #tpu.memory_space<vmem>>, vector<16xi32>,
      %ge3A_507 = vector.broadcast %mul3A_2 : i32 to vector<16xi32>
      %ge3A_508 = arith.cmpi sge, %get3A_506, %ge3A_507 : vector<16xi32>
      %add3A_509 = arith.constant 4096 : i32
      %add3A_510 = arith.addi %mul3A_2, %add3A_509 : i32
      %lt3A_511 = vector.broadcast %add3A_510 : i32 to vector<16xi32>
      %lt3A_512 = arith.cmpi slt, %get3A_506, %lt3A_511 : vector<16xi32>
      %and3A_513 = arith.andi %ge3A_508, %lt3A_512 : vector<16xi1>
      %sub3A_514 = vector.broadcast %mul3A_2 : i32 to vector<16xi32>
      %sub3A_515 = arith.subi %get3A_506, %sub3A_514 : vector<16xi32>
      %jit3A_516 = arith.constant 0 : i32
      %broadcast_in_dim3A_517 = vector.broadcast %jit3A_516 : i32 to vector<16xi32>
      %select_n3A_518 = arith.select %and3A_513, %sub3A_515, %broadcast_in_dim3A_517 : vector<16xi1>, vector<16xi32>
      %shift_right_logical3A_519 = arith.constant 7 : i32
      %shift_right_logical3A_520 = vector.broadcast %shift_right_logical3A_519 : i32 to vector<16xi32>
      %shift_right_logical3A_521 = arith.shrui %select_n3A_518, %shift_right_logical3A_520 : vector<16xi32>
      %and3A_522 = arith.constant 127 : i32
      %and3A_523 = vector.broadcast %and3A_522 : i32 to vector<16xi32>
      %and3A_524 = arith.andi %select_n3A_518, %and3A_523 : vector<16xi32>
      tpu.vector_store_idx %arg5[%shift_right_logical3A_521, %and3A_524], %broadcast_in_dim3A_10 masked %and3A_513 : memref<32x128xf32, #tpu.memory_space<vmem>>[vector<16xi32>, vector<16xi32>], vector<16xf32>, vector<16xi1>
    }
    %scan3A_16 = arith.constant 320 : i32
    %mul3A_17 = arith.constant 32 : i32
    %mul3A_18 = arith.muli %add3A, %mul3A_17 : i32
    "tpu.region"() ({
      %run_scoped3A = tpu.sem_alloc : memref<!tpu.dma_semaphore, #tpu.memory_space<semaphore_mem>>
      %dma_start3A = arith.constant 0 : i32
      %dma_start3A_19 = tpu.memref_slice %arg3[%mul3A_18, %dma_start3A] : memref<1024x128xf32, #tpu.memory_space<hbm>> -> memref<32x128xf32, #tpu.memory_space<hbm>>
      %dma_start3A_20 = arith.constant 0 : i32
      %dma_start3A_21 = tpu.memref_slice %arg3[%mul3A_18, %dma_start3A_20] : memref<1024x128xf32, #tpu.memory_space<hbm>> -> memref<32x128xf32, #tpu.memory_space<hbm>>
      tpu.enqueue_dma source(%arg5 : memref<32x128xf32, #tpu.memory_space<vmem>>) target(%dma_start3A_21 : memref<32x128xf32, #tpu.memory_space<hbm>>) target_semaphore(%run_scoped3A : memref<!tpu.dma_semaphore, #tpu.memory_space<semaphore_mem>>)
      %dma_wait3A = arith.constant 0 : i32
      %dma_wait3A_22 = tpu.memref_slice %arg3[%mul3A_18, %dma_wait3A] : memref<1024x128xf32, #tpu.memory_space<hbm>> -> memref<32x128xf32, #tpu.memory_space<hbm>>
      %dma_wait3A_23 = arith.constant 0 : i32
      %dma_wait3A_24 = tpu.memref_slice %arg3[%mul3A_18, %dma_wait3A_23] : memref<1024x128xf32, #tpu.memory_space<hbm>> -> memref<32x128xf32, #tpu.memory_space<hbm>>
      tpu.wait_dma2 semaphore(%run_scoped3A : memref<!tpu.dma_semaphore, #tpu.memory_space<semaphore_mem>>) src(%arg5 : memref<32x128xf32, #tpu.memory_space<vmem>>) dst(%dma_wait3A_24 : memref<32x128xf32, #tpu.memory_space<hbm>>)
      tpu.yield
    }) : () -> ()
    return
  }
}

module attributes {stable_mosaic.version = 14 : i64} {
  func.func @_blend_body(%arg0: i32, %arg1: memref<128x1024xf32, #tpu.memory_space<vmem>>, %arg2: memref<1x1024xf32, #tpu.memory_space<vmem>>, %arg3: memref<1x1xf32, #tpu.memory_space<vmem>>, %arg4: memref<14336x128xf32, #tpu.memory_space<vmem>>, %arg5: memref<1024x128xf32, #tpu.memory_space<vmem>>, %arg6: memref<14336x128xf32, #tpu.memory_space<vmem>>, %arg7: memref<1x128xf32, #tpu.memory_space<vmem>>, %arg8: memref<7x128x112xf32, #tpu.memory_space<vmem>>) attributes {dimension_semantics = [#tpu.dimension_semantics<arbitrary>], iteration_bounds = array<i64: 7>, scalar_prefetch = 0 : i64, scratch_operands = 2 : i64, tpu.core_type = #tpu.core_type<tc>, window_params = [{pipeline_mode = #tpu.pipeline_mode<synchronous>, transform_indices = @transform_0, window_bounds = array<i64: 128, 1024>}, {pipeline_mode = #tpu.pipeline_mode<synchronous>, transform_indices = @transform_1, window_bounds = array<i64: 1, 1024>}, {pipeline_mode = #tpu.pipeline_mode<synchronous>, transform_indices = @transform_2, window_bounds = array<i64: 1, 1>}, {transform_indices = @transform_3, window_bounds = array<i64: 14336, 128>}, {pipeline_mode = #tpu.pipeline_mode<synchronous>, transform_indices = @transform_4, window_bounds = array<i64: 1024, 128>}, {transform_indices = @transform_5, window_bounds = array<i64: 14336, 128>}]} {
    %eq3A = arith.constant 0 : i32
    %eq3A_0 = arith.cmpi eq, %arg0, %eq3A : i32
    %convert_element_type3A = arith.extui %eq3A_0 : i1 to i32
    %cond3A = arith.constant 0 : i32
    %cond3A_1 = arith.cmpi ne, %convert_element_type3A, %cond3A : i32
    scf.if %cond3A_1 {
      %get3A_1683 = arith.constant 0 : index
      %get3A_1684 = arith.constant 0 : index
      %get3A_1685 = vector.load %arg2[%get3A_1683, %get3A_1684] : memref<1x1024xf32, #tpu.memory_space<vmem>>, vector<1x1024xf32>
      %get3A_1686 = arith.constant 0 : index
      %get3A_1687 = arith.constant 0 : index
      %get3A_1688 = vector.load %arg1[%get3A_1686, %get3A_1687] : memref<128x1024xf32, #tpu.memory_space<vmem>>, vector<128x1024xf32>
      %dot_general3A = arith.constant dense<0.000000e+00> : vector<1x128xf32>
      %dot_general3A_1689 = tpu.matmul %get3A_1685, %get3A_1688, %dot_general3A {dimension_numbers = #tpu.dot_dimension_numbers<[1], [1], [0], [0], [0, 0, 1, 0], [], []>, transpose_lhs_hint = false} : vector<1x1024xf32>, vector<128x1024xf32>, vector<1x128xf32> -> vector<1x128xf32>
      %get3A_1690 = arith.constant 0 : index
      %get3A_1691 = arith.constant 0 : index
      %get3A_1692 = vector.load %arg3[%get3A_1690, %get3A_1691] : memref<1x1xf32, #tpu.memory_space<vmem>>, vector<1x1xf32>
      %add3A = vector.broadcast %get3A_1692 : vector<1x1xf32> to vector<1x128xf32>
      %add3A_1693 = arith.addf %dot_general3A_1689, %add3A : vector<1x128xf32>
      %logistic3A = arith.negf %add3A_1693 : vector<1x128xf32>
      %logistic3A_1694 = math.exp %logistic3A : vector<1x128xf32>
      %logistic3A_1695 = arith.constant 1.000000e+00 : f32
      %logistic3A_1696 = vector.broadcast %logistic3A_1695 : f32 to vector<1x128xf32>
      %logistic3A_1697 = arith.addf %logistic3A_1696, %logistic3A_1694 : vector<1x128xf32>
      %logistic3A_1698 = arith.divf %logistic3A_1696, %logistic3A_1697 : vector<1x128xf32>
      %swap3A_1699 = arith.constant 0 : index
      %swap3A_1700 = arith.constant 0 : index
      %swap3A_1701 = vector.load %arg7[%swap3A_1699, %swap3A_1700] : memref<1x128xf32, #tpu.memory_space<vmem>>, vector<1x128xf32>
      tpu.vector_store %arg7[%swap3A_1699, %swap3A_1700], %logistic3A_1698 {strides = array<i32>} : memref<1x128xf32, #tpu.memory_space<vmem>>, vector<1x128xf32>,
      %get3A_1702 = arith.constant 0 : index
      %get3A_1703 = arith.constant 0 : index
      %get3A_1704 = vector.load %arg5[%get3A_1702, %get3A_1703] : memref<1024x128xf32, #tpu.memory_space<vmem>>, vector<112x128xf32>
      %transpose3A = tpu.transpose %get3A_1704, [1, 0] : vector<112x128xf32> -> vector<128x112xf32>
      %swap3A_1705 = arith.constant 0 : index
      %swap3A_1706 = arith.constant 0 : index
      %swap3A_1707 = arith.constant 0 : index
      %swap3A_1708 = vector.load %arg8[%swap3A_1705, %swap3A_1706, %swap3A_1707] : memref<7x128x112xf32, #tpu.memory_space<vmem>>, vector<1x128x112xf32>
      %swap3A_1709 = vector.shape_cast %swap3A_1708 : vector<1x128x112xf32> to vector<128x112xf32>
      %swap3A_1710 = vector.shape_cast %transpose3A : vector<128x112xf32> to vector<1x128x112xf32>
      tpu.vector_store %arg8[%swap3A_1705, %swap3A_1706, %swap3A_1707], %swap3A_1710 {strides = array<i32>} : memref<7x128x112xf32, #tpu.memory_space<vmem>>, vector<1x128x112xf32>,
      %get3A_1711 = arith.constant 112 : index
      %get3A_1712 = arith.constant 0 : index
      %get3A_1713 = vector.load %arg5[%get3A_1711, %get3A_1712] : memref<1024x128xf32, #tpu.memory_space<vmem>>, vector<112x128xf32>
      %transpose3A_1714 = tpu.transpose %get3A_1713, [1, 0] : vector<112x128xf32> -> vector<128x112xf32>
      %swap3A_1715 = arith.constant 1 : index
      %swap3A_1716 = arith.constant 0 : index
      %swap3A_1717 = arith.constant 0 : index
      %swap3A_1718 = vector.load %arg8[%swap3A_1715, %swap3A_1716, %swap3A_1717] : memref<7x128x112xf32, #tpu.memory_space<vmem>>, vector<1x128x112xf32>
      %swap3A_1719 = vector.shape_cast %swap3A_1718 : vector<1x128x112xf32> to vector<128x112xf32>
      %swap3A_1720 = vector.shape_cast %transpose3A_1714 : vector<128x112xf32> to vector<1x128x112xf32>
      tpu.vector_store %arg8[%swap3A_1715, %swap3A_1716, %swap3A_1717], %swap3A_1720 {strides = array<i32>} : memref<7x128x112xf32, #tpu.memory_space<vmem>>, vector<1x128x112xf32>,
      %get3A_1721 = arith.constant 224 : index
      %get3A_1722 = arith.constant 0 : index
      %get3A_1723 = vector.load %arg5[%get3A_1721, %get3A_1722] : memref<1024x128xf32, #tpu.memory_space<vmem>>, vector<112x128xf32>
      %transpose3A_1724 = tpu.transpose %get3A_1723, [1, 0] : vector<112x128xf32> -> vector<128x112xf32>
      %swap3A_1725 = arith.constant 2 : index
      %swap3A_1726 = arith.constant 0 : index
      %swap3A_1727 = arith.constant 0 : index
      %swap3A_1728 = vector.load %arg8[%swap3A_1725, %swap3A_1726, %swap3A_1727] : memref<7x128x112xf32, #tpu.memory_space<vmem>>, vector<1x128x112xf32>
      %swap3A_1729 = vector.shape_cast %swap3A_1728 : vector<1x128x112xf32> to vector<128x112xf32>
      %swap3A_1730 = vector.shape_cast %transpose3A_1724 : vector<128x112xf32> to vector<1x128x112xf32>
      tpu.vector_store %arg8[%swap3A_1725, %swap3A_1726, %swap3A_1727], %swap3A_1730 {strides = array<i32>} : memref<7x128x112xf32, #tpu.memory_space<vmem>>, vector<1x128x112xf32>,
      %get3A_1731 = arith.constant 336 : index
      %get3A_1732 = arith.constant 0 : index
      %get3A_1733 = vector.load %arg5[%get3A_1731, %get3A_1732] : memref<1024x128xf32, #tpu.memory_space<vmem>>, vector<112x128xf32>
      %transpose3A_1734 = tpu.transpose %get3A_1733, [1, 0] : vector<112x128xf32> -> vector<128x112xf32>
      %swap3A_1735 = arith.constant 3 : index
      %swap3A_1736 = arith.constant 0 : index
      %swap3A_1737 = arith.constant 0 : index
      %swap3A_1738 = vector.load %arg8[%swap3A_1735, %swap3A_1736, %swap3A_1737] : memref<7x128x112xf32, #tpu.memory_space<vmem>>, vector<1x128x112xf32>
      %swap3A_1739 = vector.shape_cast %swap3A_1738 : vector<1x128x112xf32> to vector<128x112xf32>
      %swap3A_1740 = vector.shape_cast %transpose3A_1734 : vector<128x112xf32> to vector<1x128x112xf32>
      tpu.vector_store %arg8[%swap3A_1735, %swap3A_1736, %swap3A_1737], %swap3A_1740 {strides = array<i32>} : memref<7x128x112xf32, #tpu.memory_space<vmem>>, vector<1x128x112xf32>,
      %get3A_1741 = arith.constant 448 : index
      %get3A_1742 = arith.constant 0 : index
      %get3A_1743 = vector.load %arg5[%get3A_1741, %get3A_1742] : memref<1024x128xf32, #tpu.memory_space<vmem>>, vector<112x128xf32>
      %transpose3A_1744 = tpu.transpose %get3A_1743, [1, 0] : vector<112x128xf32> -> vector<128x112xf32>
      %swap3A_1745 = arith.constant 4 : index
      %swap3A_1746 = arith.constant 0 : index
      %swap3A_1747 = arith.constant 0 : index
      %swap3A_1748 = vector.load %arg8[%swap3A_1745, %swap3A_1746, %swap3A_1747] : memref<7x128x112xf32, #tpu.memory_space<vmem>>, vector<1x128x112xf32>
      %swap3A_1749 = vector.shape_cast %swap3A_1748 : vector<1x128x112xf32> to vector<128x112xf32>
      %swap3A_1750 = vector.shape_cast %transpose3A_1744 : vector<128x112xf32> to vector<1x128x112xf32>
      tpu.vector_store %arg8[%swap3A_1745, %swap3A_1746, %swap3A_1747], %swap3A_1750 {strides = array<i32>} : memref<7x128x112xf32, #tpu.memory_space<vmem>>, vector<1x128x112xf32>,
      %get3A_1751 = arith.constant 560 : index
      %get3A_1752 = arith.constant 0 : index
      %get3A_1753 = vector.load %arg5[%get3A_1751, %get3A_1752] : memref<1024x128xf32, #tpu.memory_space<vmem>>, vector<112x128xf32>
      %transpose3A_1754 = tpu.transpose %get3A_1753, [1, 0] : vector<112x128xf32> -> vector<128x112xf32>
      %swap3A_1755 = arith.constant 5 : index
      %swap3A_1756 = arith.constant 0 : index
      %swap3A_1757 = arith.constant 0 : index
      %swap3A_1758 = vector.load %arg8[%swap3A_1755, %swap3A_1756, %swap3A_1757] : memref<7x128x112xf32, #tpu.memory_space<vmem>>, vector<1x128x112xf32>
      %swap3A_1759 = vector.shape_cast %swap3A_1758 : vector<1x128x112xf32> to vector<128x112xf32>
      %swap3A_1760 = vector.shape_cast %transpose3A_1754 : vector<128x112xf32> to vector<1x128x112xf32>
      tpu.vector_store %arg8[%swap3A_1755, %swap3A_1756, %swap3A_1757], %swap3A_1760 {strides = array<i32>} : memref<7x128x112xf32, #tpu.memory_space<vmem>>, vector<1x128x112xf32>,
      %get3A_1761 = arith.constant 672 : index
      %get3A_1762 = arith.constant 0 : index
      %get3A_1763 = vector.load %arg5[%get3A_1761, %get3A_1762] : memref<1024x128xf32, #tpu.memory_space<vmem>>, vector<112x128xf32>
      %transpose3A_1764 = tpu.transpose %get3A_1763, [1, 0] : vector<112x128xf32> -> vector<128x112xf32>
      %swap3A_1765 = arith.constant 6 : index
      %swap3A_1766 = arith.constant 0 : index
      %swap3A_1767 = arith.constant 0 : index
      %swap3A_1768 = vector.load %arg8[%swap3A_1765, %swap3A_1766, %swap3A_1767] : memref<7x128x112xf32, #tpu.memory_space<vmem>>, vector<1x128x112xf32>
      %swap3A_1769 = vector.shape_cast %swap3A_1768 : vector<1x128x112xf32> to vector<128x112xf32>
      %swap3A_1770 = vector.shape_cast %transpose3A_1764 : vector<128x112xf32> to vector<1x128x112xf32>
      tpu.vector_store %arg8[%swap3A_1765, %swap3A_1766, %swap3A_1767], %swap3A_1770 {strides = array<i32>} : memref<7x128x112xf32, #tpu.memory_space<vmem>>, vector<1x128x112xf32>,
    } else {
    }
    %get3A = arith.constant 0 : index
    %get3A_2 = arith.constant 0 : index
    %get3A_3 = vector.load %arg7[%get3A, %get3A_2] : memref<1x128xf32, #tpu.memory_space<vmem>>, vector<1x128xf32>
    %get3A_4 = arith.index_cast %arg0 : i32 to index
    %get3A_5 = arith.constant 0 : index
    %get3A_6 = arith.constant 0 : index
    %get3A_7 = vector.load %arg8[%get3A_4, %get3A_5, %get3A_6] : memref<7x128x112xf32, #tpu.memory_space<vmem>>, vector<1x128x112xf32>
    %get3A_8 = vector.shape_cast %get3A_7 : vector<1x128x112xf32> to vector<128x112xf32>
    %slice3A = vector.extract_strided_slice %get3A_8 {offsets = [0, 0], sizes = [128, 1], strides = [1, 1]} : vector<128x112xf32> to vector<128x1xf32>
    %ne3A = arith.constant 0.000000e+00 : f32
    %ne3A_9 = vector.broadcast %ne3A : f32 to vector<128x1xf32>
    %ne3A_10 = arith.cmpf one, %slice3A, %ne3A_9 : vector<128x1xf32>
    %get3A_11 = arith.constant 0 : index
    %get3A_12 = arith.constant 0 : index
    %get3A_13 = vector.load %arg4[%get3A_11, %get3A_12] : memref<14336x128xf32, #tpu.memory_space<vmem>>, vector<128x128xf32>
    %mul3A = vector.broadcast %get3A_3 : vector<1x128xf32> to vector<128x128xf32>
    %mul3A_14 = arith.mulf %get3A_13, %mul3A : vector<128x128xf32>
    %broadcast_in_dim3A = vector.shape_cast %ne3A_10 : vector<128x1xi1> to vector<128x1xi1>
    %broadcast_in_dim3A_15 = vector.broadcast %broadcast_in_dim3A : vector<128x1xi1> to vector<128x128xi1>
    %select_n3A = arith.select %broadcast_in_dim3A_15, %mul3A_14, %get3A_13 : vector<128x128xi1>, vector<128x128xf32>
    %swap3A = arith.constant 0 : index
    %swap3A_16 = arith.constant 0 : index
    %swap3A_17 = vector.load %arg6[%swap3A, %swap3A_16] : memref<14336x128xf32, #tpu.memory_space<vmem>>, vector<128x128xf32>
    tpu.vector_store %arg6[%swap3A, %swap3A_16], %select_n3A {strides = array<i32>} : memref<14336x128xf32, #tpu.memory_space<vmem>>, vector<128x128xf32>,
    %slice3A_18 = vector.extract_strided_slice %get3A_8 {offsets = [0, 1], sizes = [128, 1], strides = [1, 1]} : vector<128x112xf32> to vector<128x1xf32>
    %ne3A_19 = arith.constant 0.000000e+00 : f32
    %ne3A_20 = vector.broadcast %ne3A_19 : f32 to vector<128x1xf32>
    %ne3A_21 = arith.cmpf one, %slice3A_18, %ne3A_20 : vector<128x1xf32>
    %get3A_22 = arith.constant 128 : index
    %get3A_23 = arith.constant 0 : index
    %get3A_24 = vector.load %arg4[%get3A_22, %get3A_23] : memref<14336x128xf32, #tpu.memory_space<vmem>>, vector<128x128xf32>
    %mul3A_25 = vector.broadcast %get3A_3 : vector<1x128xf32> to vector<128x128xf32>
    %mul3A_26 = arith.mulf %get3A_24, %mul3A_25 : vector<128x128xf32>
    %broadcast_in_dim3A_27 = vector.shape_cast %ne3A_21 : vector<128x1xi1> to vector<128x1xi1>
    %broadcast_in_dim3A_28 = vector.broadcast %broadcast_in_dim3A_27 : vector<128x1xi1> to vector<128x128xi1>
    %select_n3A_29 = arith.select %broadcast_in_dim3A_28, %mul3A_26, %get3A_24 : vector<128x128xi1>, vector<128x128xf32>
    %swap3A_30 = arith.constant 128 : index
    %swap3A_31 = arith.constant 0 : index
    %swap3A_32 = vector.load %arg6[%swap3A_30, %swap3A_31] : memref<14336x128xf32, #tpu.memory_space<vmem>>, vector<128x128xf32>
    tpu.vector_store %arg6[%swap3A_30, %swap3A_31], %select_n3A_29 {strides = array<i32>} : memref<14336x128xf32, #tpu.memory_space<vmem>>, vector<128x128xf32>,
    %slice3A_33 = vector.extract_strided_slice %get3A_8 {offsets = [0, 2], sizes = [128, 1], strides = [1, 1]} : vector<128x112xf32> to vector<128x1xf32>
    %ne3A_34 = arith.constant 0.000000e+00 : f32
    %ne3A_35 = vector.broadcast %ne3A_34 : f32 to vector<128x1xf32>
    %ne3A_36 = arith.cmpf one, %slice3A_33, %ne3A_35 : vector<128x1xf32>
    %get3A_37 = arith.constant 256 : index
    %get3A_38 = arith.constant 0 : index
    %get3A_39 = vector.load %arg4[%get3A_37, %get3A_38] : memref<14336x128xf32, #tpu.memory_space<vmem>>, vector<128x128xf32>
    %mul3A_40 = vector.broadcast %get3A_3 : vector<1x128xf32> to vector<128x128xf32>
    %mul3A_41 = arith.mulf %get3A_39, %mul3A_40 : vector<128x128xf32>
    %broadcast_in_dim3A_42 = vector.shape_cast %ne3A_36 : vector<128x1xi1> to vector<128x1xi1>
    %broadcast_in_dim3A_43 = vector.broadcast %broadcast_in_dim3A_42 : vector<128x1xi1> to vector<128x128xi1>
    %select_n3A_44 = arith.select %broadcast_in_dim3A_43, %mul3A_41, %get3A_39 : vector<128x128xi1>, vector<128x128xf32>
    %swap3A_45 = arith.constant 256 : index
    %swap3A_46 = arith.constant 0 : index
    %swap3A_47 = vector.load %arg6[%swap3A_45, %swap3A_46] : memref<14336x128xf32, #tpu.memory_space<vmem>>, vector<128x128xf32>
    tpu.vector_store %arg6[%swap3A_45, %swap3A_46], %select_n3A_44 {strides = array<i32>} : memref<14336x128xf32, #tpu.memory_space<vmem>>, vector<128x128xf32>,
    %slice3A_48 = vector.extract_strided_slice %get3A_8 {offsets = [0, 3], sizes = [128, 1], strides = [1, 1]} : vector<128x112xf32> to vector<128x1xf32>
    %ne3A_49 = arith.constant 0.000000e+00 : f32
    %ne3A_50 = vector.broadcast %ne3A_49 : f32 to vector<128x1xf32>
    %ne3A_51 = arith.cmpf one, %slice3A_48, %ne3A_50 : vector<128x1xf32>
    %get3A_52 = arith.constant 384 : index
    %get3A_53 = arith.constant 0 : index
    %get3A_54 = vector.load %arg4[%get3A_52, %get3A_53] : memref<14336x128xf32, #tpu.memory_space<vmem>>, vector<128x128xf32>
    %mul3A_55 = vector.broadcast %get3A_3 : vector<1x128xf32> to vector<128x128xf32>
    %mul3A_56 = arith.mulf %get3A_54, %mul3A_55 : vector<128x128xf32>
    %broadcast_in_dim3A_57 = vector.shape_cast %ne3A_51 : vector<128x1xi1> to vector<128x1xi1>
    %broadcast_in_dim3A_58 = vector.broadcast %broadcast_in_dim3A_57 : vector<128x1xi1> to vector<128x128xi1>
    %select_n3A_59 = arith.select %broadcast_in_dim3A_58, %mul3A_56, %get3A_54 : vector<128x128xi1>, vector<128x128xf32>
    %swap3A_60 = arith.constant 384 : index
    %swap3A_61 = arith.constant 0 : index
    %swap3A_62 = vector.load %arg6[%swap3A_60, %swap3A_61] : memref<14336x128xf32, #tpu.memory_space<vmem>>, vector<128x128xf32>
    tpu.vector_store %arg6[%swap3A_60, %swap3A_61], %select_n3A_59 {strides = array<i32>} : memref<14336x128xf32, #tpu.memory_space<vmem>>, vector<128x128xf32>,
    %slice3A_63 = vector.extract_strided_slice %get3A_8 {offsets = [0, 4], sizes = [128, 1], strides = [1, 1]} : vector<128x112xf32> to vector<128x1xf32>
    %ne3A_64 = arith.constant 0.000000e+00 : f32
    %ne3A_65 = vector.broadcast %ne3A_64 : f32 to vector<128x1xf32>
    %ne3A_66 = arith.cmpf one, %slice3A_63, %ne3A_65 : vector<128x1xf32>
    %get3A_67 = arith.constant 512 : index
    %get3A_68 = arith.constant 0 : index
    %get3A_69 = vector.load %arg4[%get3A_67, %get3A_68] : memref<14336x128xf32, #tpu.memory_space<vmem>>, vector<128x128xf32>
    %mul3A_70 = vector.broadcast %get3A_3 : vector<1x128xf32> to vector<128x128xf32>
    %mul3A_71 = arith.mulf %get3A_69, %mul3A_70 : vector<128x128xf32>
    %broadcast_in_dim3A_72 = vector.shape_cast %ne3A_66 : vector<128x1xi1> to vector<128x1xi1>
    %broadcast_in_dim3A_73 = vector.broadcast %broadcast_in_dim3A_72 : vector<128x1xi1> to vector<128x128xi1>
    %select_n3A_74 = arith.select %broadcast_in_dim3A_73, %mul3A_71, %get3A_69 : vector<128x128xi1>, vector<128x128xf32>
    %swap3A_75 = arith.constant 512 : index
    %swap3A_76 = arith.constant 0 : index
    %swap3A_77 = vector.load %arg6[%swap3A_75, %swap3A_76] : memref<14336x128xf32, #tpu.memory_space<vmem>>, vector<128x128xf32>
    tpu.vector_store %arg6[%swap3A_75, %swap3A_76], %select_n3A_74 {strides = array<i32>} : memref<14336x128xf32, #tpu.memory_space<vmem>>, vector<128x128xf32>,
    %slice3A_78 = vector.extract_strided_slice %get3A_8 {offsets = [0, 5], sizes = [128, 1], strides = [1, 1]} : vector<128x112xf32> to vector<128x1xf32>
    %ne3A_79 = arith.constant 0.000000e+00 : f32
    %ne3A_80 = vector.broadcast %ne3A_79 : f32 to vector<128x1xf32>
    %ne3A_81 = arith.cmpf one, %slice3A_78, %ne3A_80 : vector<128x1xf32>
    %get3A_82 = arith.constant 640 : index
    %get3A_83 = arith.constant 0 : index
    %get3A_84 = vector.load %arg4[%get3A_82, %get3A_83] : memref<14336x128xf32, #tpu.memory_space<vmem>>, vector<128x128xf32>
    %mul3A_85 = vector.broadcast %get3A_3 : vector<1x128xf32> to vector<128x128xf32>
    %mul3A_86 = arith.mulf %get3A_84, %mul3A_85 : vector<128x128xf32>
    %broadcast_in_dim3A_87 = vector.shape_cast %ne3A_81 : vector<128x1xi1> to vector<128x1xi1>
    %broadcast_in_dim3A_88 = vector.broadcast %broadcast_in_dim3A_87 : vector<128x1xi1> to vector<128x128xi1>
    %select_n3A_89 = arith.select %broadcast_in_dim3A_88, %mul3A_86, %get3A_84 : vector<128x128xi1>, vector<128x128xf32>
    %swap3A_90 = arith.constant 640 : index
    %swap3A_91 = arith.constant 0 : index
    %swap3A_92 = vector.load %arg6[%swap3A_90, %swap3A_91] : memref<14336x128xf32, #tpu.memory_space<vmem>>, vector<128x128xf32>
    tpu.vector_store %arg6[%swap3A_90, %swap3A_91], %select_n3A_89 {strides = array<i32>} : memref<14336x128xf32, #tpu.memory_space<vmem>>, vector<128x128xf32>,
    %slice3A_93 = vector.extract_strided_slice %get3A_8 {offsets = [0, 6], sizes = [128, 1], strides = [1, 1]} : vector<128x112xf32> to vector<128x1xf32>
    %ne3A_94 = arith.constant 0.000000e+00 : f32
    %ne3A_95 = vector.broadcast %ne3A_94 : f32 to vector<128x1xf32>
    %ne3A_96 = arith.cmpf one, %slice3A_93, %ne3A_95 : vector<128x1xf32>
    %get3A_97 = arith.constant 768 : index
    %get3A_98 = arith.constant 0 : index
    %get3A_99 = vector.load %arg4[%get3A_97, %get3A_98] : memref<14336x128xf32, #tpu.memory_space<vmem>>, vector<128x128xf32>
    %mul3A_100 = vector.broadcast %get3A_3 : vector<1x128xf32> to vector<128x128xf32>
    %mul3A_101 = arith.mulf %get3A_99, %mul3A_100 : vector<128x128xf32>
    %broadcast_in_dim3A_102 = vector.shape_cast %ne3A_96 : vector<128x1xi1> to vector<128x1xi1>
    %broadcast_in_dim3A_103 = vector.broadcast %broadcast_in_dim3A_102 : vector<128x1xi1> to vector<128x128xi1>
    %select_n3A_104 = arith.select %broadcast_in_dim3A_103, %mul3A_101, %get3A_99 : vector<128x128xi1>, vector<128x128xf32>
    %swap3A_105 = arith.constant 768 : index
    %swap3A_106 = arith.constant 0 : index
    %swap3A_107 = vector.load %arg6[%swap3A_105, %swap3A_106] : memref<14336x128xf32, #tpu.memory_space<vmem>>, vector<128x128xf32>
    tpu.vector_store %arg6[%swap3A_105, %swap3A_106], %select_n3A_104 {strides = array<i32>} : memref<14336x128xf32, #tpu.memory_space<vmem>>, vector<128x128xf32>,
    %slice3A_108 = vector.extract_strided_slice %get3A_8 {offsets = [0, 7], sizes = [128, 1], strides = [1, 1]} : vector<128x112xf32> to vector<128x1xf32>
    %ne3A_109 = arith.constant 0.000000e+00 : f32
    %ne3A_110 = vector.broadcast %ne3A_109 : f32 to vector<128x1xf32>
    %ne3A_111 = arith.cmpf one, %slice3A_108, %ne3A_110 : vector<128x1xf32>
    %get3A_112 = arith.constant 896 : index
    %get3A_113 = arith.constant 0 : index
    %get3A_114 = vector.load %arg4[%get3A_112, %get3A_113] : memref<14336x128xf32, #tpu.memory_space<vmem>>, vector<128x128xf32>
    %mul3A_115 = vector.broadcast %get3A_3 : vector<1x128xf32> to vector<128x128xf32>
    %mul3A_116 = arith.mulf %get3A_114, %mul3A_115 : vector<128x128xf32>
    %broadcast_in_dim3A_117 = vector.shape_cast %ne3A_111 : vector<128x1xi1> to vector<128x1xi1>
    %broadcast_in_dim3A_118 = vector.broadcast %broadcast_in_dim3A_117 : vector<128x1xi1> to vector<128x128xi1>
    %select_n3A_119 = arith.select %broadcast_in_dim3A_118, %mul3A_116, %get3A_114 : vector<128x128xi1>, vector<128x128xf32>
    %swap3A_120 = arith.constant 896 : index
    %swap3A_121 = arith.constant 0 : index
    %swap3A_122 = vector.load %arg6[%swap3A_120, %swap3A_121] : memref<14336x128xf32, #tpu.memory_space<vmem>>, vector<128x128xf32>
    tpu.vector_store %arg6[%swap3A_120, %swap3A_121], %select_n3A_119 {strides = array<i32>} : memref<14336x128xf32, #tpu.memory_space<vmem>>, vector<128x128xf32>,
    %slice3A_123 = vector.extract_strided_slice %get3A_8 {offsets = [0, 8], sizes = [128, 1], strides = [1, 1]} : vector<128x112xf32> to vector<128x1xf32>
    %ne3A_124 = arith.constant 0.000000e+00 : f32
    %ne3A_125 = vector.broadcast %ne3A_124 : f32 to vector<128x1xf32>
    %ne3A_126 = arith.cmpf one, %slice3A_123, %ne3A_125 : vector<128x1xf32>
    %get3A_127 = arith.constant 1024 : index
    %get3A_128 = arith.constant 0 : index
    %get3A_129 = vector.load %arg4[%get3A_127, %get3A_128] : memref<14336x128xf32, #tpu.memory_space<vmem>>, vector<128x128xf32>
    %mul3A_130 = vector.broadcast %get3A_3 : vector<1x128xf32> to vector<128x128xf32>
    %mul3A_131 = arith.mulf %get3A_129, %mul3A_130 : vector<128x128xf32>
    %broadcast_in_dim3A_132 = vector.shape_cast %ne3A_126 : vector<128x1xi1> to vector<128x1xi1>
    %broadcast_in_dim3A_133 = vector.broadcast %broadcast_in_dim3A_132 : vector<128x1xi1> to vector<128x128xi1>
    %select_n3A_134 = arith.select %broadcast_in_dim3A_133, %mul3A_131, %get3A_129 : vector<128x128xi1>, vector<128x128xf32>
    %swap3A_135 = arith.constant 1024 : index
    %swap3A_136 = arith.constant 0 : index
    %swap3A_137 = vector.load %arg6[%swap3A_135, %swap3A_136] : memref<14336x128xf32, #tpu.memory_space<vmem>>, vector<128x128xf32>
    tpu.vector_store %arg6[%swap3A_135, %swap3A_136], %select_n3A_134 {strides = array<i32>} : memref<14336x128xf32, #tpu.memory_space<vmem>>, vector<128x128xf32>,
    %slice3A_138 = vector.extract_strided_slice %get3A_8 {offsets = [0, 9], sizes = [128, 1], strides = [1, 1]} : vector<128x112xf32> to vector<128x1xf32>
    %ne3A_139 = arith.constant 0.000000e+00 : f32
    %ne3A_140 = vector.broadcast %ne3A_139 : f32 to vector<128x1xf32>
    %ne3A_141 = arith.cmpf one, %slice3A_138, %ne3A_140 : vector<128x1xf32>
    %get3A_142 = arith.constant 1152 : index
    %get3A_143 = arith.constant 0 : index
    %get3A_144 = vector.load %arg4[%get3A_142, %get3A_143] : memref<14336x128xf32, #tpu.memory_space<vmem>>, vector<128x128xf32>
    %mul3A_145 = vector.broadcast %get3A_3 : vector<1x128xf32> to vector<128x128xf32>
    %mul3A_146 = arith.mulf %get3A_144, %mul3A_145 : vector<128x128xf32>
    %broadcast_in_dim3A_147 = vector.shape_cast %ne3A_141 : vector<128x1xi1> to vector<128x1xi1>
    %broadcast_in_dim3A_148 = vector.broadcast %broadcast_in_dim3A_147 : vector<128x1xi1> to vector<128x128xi1>
    %select_n3A_149 = arith.select %broadcast_in_dim3A_148, %mul3A_146, %get3A_144 : vector<128x128xi1>, vector<128x128xf32>
    %swap3A_150 = arith.constant 1152 : index
    %swap3A_151 = arith.constant 0 : index
    %swap3A_152 = vector.load %arg6[%swap3A_150, %swap3A_151] : memref<14336x128xf32, #tpu.memory_space<vmem>>, vector<128x128xf32>
    tpu.vector_store %arg6[%swap3A_150, %swap3A_151], %select_n3A_149 {strides = array<i32>} : memref<14336x128xf32, #tpu.memory_space<vmem>>, vector<128x128xf32>,
    %slice3A_153 = vector.extract_strided_slice %get3A_8 {offsets = [0, 10], sizes = [128, 1], strides = [1, 1]} : vector<128x112xf32> to vector<128x1xf32>
    %ne3A_154 = arith.constant 0.000000e+00 : f32
    %ne3A_155 = vector.broadcast %ne3A_154 : f32 to vector<128x1xf32>
    %ne3A_156 = arith.cmpf one, %slice3A_153, %ne3A_155 : vector<128x1xf32>
    %get3A_157 = arith.constant 1280 : index
    %get3A_158 = arith.constant 0 : index
    %get3A_159 = vector.load %arg4[%get3A_157, %get3A_158] : memref<14336x128xf32, #tpu.memory_space<vmem>>, vector<128x128xf32>
    %mul3A_160 = vector.broadcast %get3A_3 : vector<1x128xf32> to vector<128x128xf32>
    %mul3A_161 = arith.mulf %get3A_159, %mul3A_160 : vector<128x128xf32>
    %broadcast_in_dim3A_162 = vector.shape_cast %ne3A_156 : vector<128x1xi1> to vector<128x1xi1>
    %broadcast_in_dim3A_163 = vector.broadcast %broadcast_in_dim3A_162 : vector<128x1xi1> to vector<128x128xi1>
    %select_n3A_164 = arith.select %broadcast_in_dim3A_163, %mul3A_161, %get3A_159 : vector<128x128xi1>, vector<128x128xf32>
    %swap3A_165 = arith.constant 1280 : index
    %swap3A_166 = arith.constant 0 : index
    %swap3A_167 = vector.load %arg6[%swap3A_165, %swap3A_166] : memref<14336x128xf32, #tpu.memory_space<vmem>>, vector<128x128xf32>
    tpu.vector_store %arg6[%swap3A_165, %swap3A_166], %select_n3A_164 {strides = array<i32>} : memref<14336x128xf32, #tpu.memory_space<vmem>>, vector<128x128xf32>,
    %slice3A_168 = vector.extract_strided_slice %get3A_8 {offsets = [0, 11], sizes = [128, 1], strides = [1, 1]} : vector<128x112xf32> to vector<128x1xf32>
    %ne3A_169 = arith.constant 0.000000e+00 : f32
    %ne3A_170 = vector.broadcast %ne3A_169 : f32 to vector<128x1xf32>
    %ne3A_171 = arith.cmpf one, %slice3A_168, %ne3A_170 : vector<128x1xf32>
    %get3A_172 = arith.constant 1408 : index
    %get3A_173 = arith.constant 0 : index
    %get3A_174 = vector.load %arg4[%get3A_172, %get3A_173] : memref<14336x128xf32, #tpu.memory_space<vmem>>, vector<128x128xf32>
    %mul3A_175 = vector.broadcast %get3A_3 : vector<1x128xf32> to vector<128x128xf32>
    %mul3A_176 = arith.mulf %get3A_174, %mul3A_175 : vector<128x128xf32>
    %broadcast_in_dim3A_177 = vector.shape_cast %ne3A_171 : vector<128x1xi1> to vector<128x1xi1>
    %broadcast_in_dim3A_178 = vector.broadcast %broadcast_in_dim3A_177 : vector<128x1xi1> to vector<128x128xi1>
    %select_n3A_179 = arith.select %broadcast_in_dim3A_178, %mul3A_176, %get3A_174 : vector<128x128xi1>, vector<128x128xf32>
    %swap3A_180 = arith.constant 1408 : index
    %swap3A_181 = arith.constant 0 : index
    %swap3A_182 = vector.load %arg6[%swap3A_180, %swap3A_181] : memref<14336x128xf32, #tpu.memory_space<vmem>>, vector<128x128xf32>
    tpu.vector_store %arg6[%swap3A_180, %swap3A_181], %select_n3A_179 {strides = array<i32>} : memref<14336x128xf32, #tpu.memory_space<vmem>>, vector<128x128xf32>,
    %slice3A_183 = vector.extract_strided_slice %get3A_8 {offsets = [0, 12], sizes = [128, 1], strides = [1, 1]} : vector<128x112xf32> to vector<128x1xf32>
    %ne3A_184 = arith.constant 0.000000e+00 : f32
    %ne3A_185 = vector.broadcast %ne3A_184 : f32 to vector<128x1xf32>
    %ne3A_186 = arith.cmpf one, %slice3A_183, %ne3A_185 : vector<128x1xf32>
    %get3A_187 = arith.constant 1536 : index
    %get3A_188 = arith.constant 0 : index
    %get3A_189 = vector.load %arg4[%get3A_187, %get3A_188] : memref<14336x128xf32, #tpu.memory_space<vmem>>, vector<128x128xf32>
    %mul3A_190 = vector.broadcast %get3A_3 : vector<1x128xf32> to vector<128x128xf32>
    %mul3A_191 = arith.mulf %get3A_189, %mul3A_190 : vector<128x128xf32>
    %broadcast_in_dim3A_192 = vector.shape_cast %ne3A_186 : vector<128x1xi1> to vector<128x1xi1>
    %broadcast_in_dim3A_193 = vector.broadcast %broadcast_in_dim3A_192 : vector<128x1xi1> to vector<128x128xi1>
    %select_n3A_194 = arith.select %broadcast_in_dim3A_193, %mul3A_191, %get3A_189 : vector<128x128xi1>, vector<128x128xf32>
    %swap3A_195 = arith.constant 1536 : index
    %swap3A_196 = arith.constant 0 : index
    %swap3A_197 = vector.load %arg6[%swap3A_195, %swap3A_196] : memref<14336x128xf32, #tpu.memory_space<vmem>>, vector<128x128xf32>
    tpu.vector_store %arg6[%swap3A_195, %swap3A_196], %select_n3A_194 {strides = array<i32>} : memref<14336x128xf32, #tpu.memory_space<vmem>>, vector<128x128xf32>,
    %slice3A_198 = vector.extract_strided_slice %get3A_8 {offsets = [0, 13], sizes = [128, 1], strides = [1, 1]} : vector<128x112xf32> to vector<128x1xf32>
    %ne3A_199 = arith.constant 0.000000e+00 : f32
    %ne3A_200 = vector.broadcast %ne3A_199 : f32 to vector<128x1xf32>
    %ne3A_201 = arith.cmpf one, %slice3A_198, %ne3A_200 : vector<128x1xf32>
    %get3A_202 = arith.constant 1664 : index
    %get3A_203 = arith.constant 0 : index
    %get3A_204 = vector.load %arg4[%get3A_202, %get3A_203] : memref<14336x128xf32, #tpu.memory_space<vmem>>, vector<128x128xf32>
    %mul3A_205 = vector.broadcast %get3A_3 : vector<1x128xf32> to vector<128x128xf32>
    %mul3A_206 = arith.mulf %get3A_204, %mul3A_205 : vector<128x128xf32>
    %broadcast_in_dim3A_207 = vector.shape_cast %ne3A_201 : vector<128x1xi1> to vector<128x1xi1>
    %broadcast_in_dim3A_208 = vector.broadcast %broadcast_in_dim3A_207 : vector<128x1xi1> to vector<128x128xi1>
    %select_n3A_209 = arith.select %broadcast_in_dim3A_208, %mul3A_206, %get3A_204 : vector<128x128xi1>, vector<128x128xf32>
    %swap3A_210 = arith.constant 1664 : index
    %swap3A_211 = arith.constant 0 : index
    %swap3A_212 = vector.load %arg6[%swap3A_210, %swap3A_211] : memref<14336x128xf32, #tpu.memory_space<vmem>>, vector<128x128xf32>
    tpu.vector_store %arg6[%swap3A_210, %swap3A_211], %select_n3A_209 {strides = array<i32>} : memref<14336x128xf32, #tpu.memory_space<vmem>>, vector<128x128xf32>,
    %slice3A_213 = vector.extract_strided_slice %get3A_8 {offsets = [0, 14], sizes = [128, 1], strides = [1, 1]} : vector<128x112xf32> to vector<128x1xf32>
    %ne3A_214 = arith.constant 0.000000e+00 : f32
    %ne3A_215 = vector.broadcast %ne3A_214 : f32 to vector<128x1xf32>
    %ne3A_216 = arith.cmpf one, %slice3A_213, %ne3A_215 : vector<128x1xf32>
    %get3A_217 = arith.constant 1792 : index
    %get3A_218 = arith.constant 0 : index
    %get3A_219 = vector.load %arg4[%get3A_217, %get3A_218] : memref<14336x128xf32, #tpu.memory_space<vmem>>, vector<128x128xf32>
    %mul3A_220 = vector.broadcast %get3A_3 : vector<1x128xf32> to vector<128x128xf32>
    %mul3A_221 = arith.mulf %get3A_219, %mul3A_220 : vector<128x128xf32>
    %broadcast_in_dim3A_222 = vector.shape_cast %ne3A_216 : vector<128x1xi1> to vector<128x1xi1>
    %broadcast_in_dim3A_223 = vector.broadcast %broadcast_in_dim3A_222 : vector<128x1xi1> to vector<128x128xi1>
    %select_n3A_224 = arith.select %broadcast_in_dim3A_223, %mul3A_221, %get3A_219 : vector<128x128xi1>, vector<128x128xf32>
    %swap3A_225 = arith.constant 1792 : index
    %swap3A_226 = arith.constant 0 : index
    %swap3A_227 = vector.load %arg6[%swap3A_225, %swap3A_226] : memref<14336x128xf32, #tpu.memory_space<vmem>>, vector<128x128xf32>
    tpu.vector_store %arg6[%swap3A_225, %swap3A_226], %select_n3A_224 {strides = array<i32>} : memref<14336x128xf32, #tpu.memory_space<vmem>>, vector<128x128xf32>,
    %slice3A_228 = vector.extract_strided_slice %get3A_8 {offsets = [0, 15], sizes = [128, 1], strides = [1, 1]} : vector<128x112xf32> to vector<128x1xf32>
    %ne3A_229 = arith.constant 0.000000e+00 : f32
    %ne3A_230 = vector.broadcast %ne3A_229 : f32 to vector<128x1xf32>
    %ne3A_231 = arith.cmpf one, %slice3A_228, %ne3A_230 : vector<128x1xf32>
    %get3A_232 = arith.constant 1920 : index
    %get3A_233 = arith.constant 0 : index
    %get3A_234 = vector.load %arg4[%get3A_232, %get3A_233] : memref<14336x128xf32, #tpu.memory_space<vmem>>, vector<128x128xf32>
    %mul3A_235 = vector.broadcast %get3A_3 : vector<1x128xf32> to vector<128x128xf32>
    %mul3A_236 = arith.mulf %get3A_234, %mul3A_235 : vector<128x128xf32>
    %broadcast_in_dim3A_237 = vector.shape_cast %ne3A_231 : vector<128x1xi1> to vector<128x1xi1>
    %broadcast_in_dim3A_238 = vector.broadcast %broadcast_in_dim3A_237 : vector<128x1xi1> to vector<128x128xi1>
    %select_n3A_239 = arith.select %broadcast_in_dim3A_238, %mul3A_236, %get3A_234 : vector<128x128xi1>, vector<128x128xf32>
    %swap3A_240 = arith.constant 1920 : index
    %swap3A_241 = arith.constant 0 : index
    %swap3A_242 = vector.load %arg6[%swap3A_240, %swap3A_241] : memref<14336x128xf32, #tpu.memory_space<vmem>>, vector<128x128xf32>
    tpu.vector_store %arg6[%swap3A_240, %swap3A_241], %select_n3A_239 {strides = array<i32>} : memref<14336x128xf32, #tpu.memory_space<vmem>>, vector<128x128xf32>,
    %slice3A_243 = vector.extract_strided_slice %get3A_8 {offsets = [0, 16], sizes = [128, 1], strides = [1, 1]} : vector<128x112xf32> to vector<128x1xf32>
    %ne3A_244 = arith.constant 0.000000e+00 : f32
    %ne3A_245 = vector.broadcast %ne3A_244 : f32 to vector<128x1xf32>
    %ne3A_246 = arith.cmpf one, %slice3A_243, %ne3A_245 : vector<128x1xf32>
    %get3A_247 = arith.constant 2048 : index
    %get3A_248 = arith.constant 0 : index
    %get3A_249 = vector.load %arg4[%get3A_247, %get3A_248] : memref<14336x128xf32, #tpu.memory_space<vmem>>, vector<128x128xf32>
    %mul3A_250 = vector.broadcast %get3A_3 : vector<1x128xf32> to vector<128x128xf32>
    %mul3A_251 = arith.mulf %get3A_249, %mul3A_250 : vector<128x128xf32>
    %broadcast_in_dim3A_252 = vector.shape_cast %ne3A_246 : vector<128x1xi1> to vector<128x1xi1>
    %broadcast_in_dim3A_253 = vector.broadcast %broadcast_in_dim3A_252 : vector<128x1xi1> to vector<128x128xi1>
    %select_n3A_254 = arith.select %broadcast_in_dim3A_253, %mul3A_251, %get3A_249 : vector<128x128xi1>, vector<128x128xf32>
    %swap3A_255 = arith.constant 2048 : index
    %swap3A_256 = arith.constant 0 : index
    %swap3A_257 = vector.load %arg6[%swap3A_255, %swap3A_256] : memref<14336x128xf32, #tpu.memory_space<vmem>>, vector<128x128xf32>
    tpu.vector_store %arg6[%swap3A_255, %swap3A_256], %select_n3A_254 {strides = array<i32>} : memref<14336x128xf32, #tpu.memory_space<vmem>>, vector<128x128xf32>,
    %slice3A_258 = vector.extract_strided_slice %get3A_8 {offsets = [0, 17], sizes = [128, 1], strides = [1, 1]} : vector<128x112xf32> to vector<128x1xf32>
    %ne3A_259 = arith.constant 0.000000e+00 : f32
    %ne3A_260 = vector.broadcast %ne3A_259 : f32 to vector<128x1xf32>
    %ne3A_261 = arith.cmpf one, %slice3A_258, %ne3A_260 : vector<128x1xf32>
    %get3A_262 = arith.constant 2176 : index
    %get3A_263 = arith.constant 0 : index
    %get3A_264 = vector.load %arg4[%get3A_262, %get3A_263] : memref<14336x128xf32, #tpu.memory_space<vmem>>, vector<128x128xf32>
    %mul3A_265 = vector.broadcast %get3A_3 : vector<1x128xf32> to vector<128x128xf32>
    %mul3A_266 = arith.mulf %get3A_264, %mul3A_265 : vector<128x128xf32>
    %broadcast_in_dim3A_267 = vector.shape_cast %ne3A_261 : vector<128x1xi1> to vector<128x1xi1>
    %broadcast_in_dim3A_268 = vector.broadcast %broadcast_in_dim3A_267 : vector<128x1xi1> to vector<128x128xi1>
    %select_n3A_269 = arith.select %broadcast_in_dim3A_268, %mul3A_266, %get3A_264 : vector<128x128xi1>, vector<128x128xf32>
    %swap3A_270 = arith.constant 2176 : index
    %swap3A_271 = arith.constant 0 : index
    %swap3A_272 = vector.load %arg6[%swap3A_270, %swap3A_271] : memref<14336x128xf32, #tpu.memory_space<vmem>>, vector<128x128xf32>
    tpu.vector_store %arg6[%swap3A_270, %swap3A_271], %select_n3A_269 {strides = array<i32>} : memref<14336x128xf32, #tpu.memory_space<vmem>>, vector<128x128xf32>,
    %slice3A_273 = vector.extract_strided_slice %get3A_8 {offsets = [0, 18], sizes = [128, 1], strides = [1, 1]} : vector<128x112xf32> to vector<128x1xf32>
    %ne3A_274 = arith.constant 0.000000e+00 : f32
    %ne3A_275 = vector.broadcast %ne3A_274 : f32 to vector<128x1xf32>
    %ne3A_276 = arith.cmpf one, %slice3A_273, %ne3A_275 : vector<128x1xf32>
    %get3A_277 = arith.constant 2304 : index
    %get3A_278 = arith.constant 0 : index
    %get3A_279 = vector.load %arg4[%get3A_277, %get3A_278] : memref<14336x128xf32, #tpu.memory_space<vmem>>, vector<128x128xf32>
    %mul3A_280 = vector.broadcast %get3A_3 : vector<1x128xf32> to vector<128x128xf32>
    %mul3A_281 = arith.mulf %get3A_279, %mul3A_280 : vector<128x128xf32>
    %broadcast_in_dim3A_282 = vector.shape_cast %ne3A_276 : vector<128x1xi1> to vector<128x1xi1>
    %broadcast_in_dim3A_283 = vector.broadcast %broadcast_in_dim3A_282 : vector<128x1xi1> to vector<128x128xi1>
    %select_n3A_284 = arith.select %broadcast_in_dim3A_283, %mul3A_281, %get3A_279 : vector<128x128xi1>, vector<128x128xf32>
    %swap3A_285 = arith.constant 2304 : index
    %swap3A_286 = arith.constant 0 : index
    %swap3A_287 = vector.load %arg6[%swap3A_285, %swap3A_286] : memref<14336x128xf32, #tpu.memory_space<vmem>>, vector<128x128xf32>
    tpu.vector_store %arg6[%swap3A_285, %swap3A_286], %select_n3A_284 {strides = array<i32>} : memref<14336x128xf32, #tpu.memory_space<vmem>>, vector<128x128xf32>,
    %slice3A_288 = vector.extract_strided_slice %get3A_8 {offsets = [0, 19], sizes = [128, 1], strides = [1, 1]} : vector<128x112xf32> to vector<128x1xf32>
    %ne3A_289 = arith.constant 0.000000e+00 : f32
    %ne3A_290 = vector.broadcast %ne3A_289 : f32 to vector<128x1xf32>
    %ne3A_291 = arith.cmpf one, %slice3A_288, %ne3A_290 : vector<128x1xf32>
    %get3A_292 = arith.constant 2432 : index
    %get3A_293 = arith.constant 0 : index
    %get3A_294 = vector.load %arg4[%get3A_292, %get3A_293] : memref<14336x128xf32, #tpu.memory_space<vmem>>, vector<128x128xf32>
    %mul3A_295 = vector.broadcast %get3A_3 : vector<1x128xf32> to vector<128x128xf32>
    %mul3A_296 = arith.mulf %get3A_294, %mul3A_295 : vector<128x128xf32>
    %broadcast_in_dim3A_297 = vector.shape_cast %ne3A_291 : vector<128x1xi1> to vector<128x1xi1>
    %broadcast_in_dim3A_298 = vector.broadcast %broadcast_in_dim3A_297 : vector<128x1xi1> to vector<128x128xi1>
    %select_n3A_299 = arith.select %broadcast_in_dim3A_298, %mul3A_296, %get3A_294 : vector<128x128xi1>, vector<128x128xf32>
    %swap3A_300 = arith.constant 2432 : index
    %swap3A_301 = arith.constant 0 : index
    %swap3A_302 = vector.load %arg6[%swap3A_300, %swap3A_301] : memref<14336x128xf32, #tpu.memory_space<vmem>>, vector<128x128xf32>
    tpu.vector_store %arg6[%swap3A_300, %swap3A_301], %select_n3A_299 {strides = array<i32>} : memref<14336x128xf32, #tpu.memory_space<vmem>>, vector<128x128xf32>,
    %slice3A_303 = vector.extract_strided_slice %get3A_8 {offsets = [0, 20], sizes = [128, 1], strides = [1, 1]} : vector<128x112xf32> to vector<128x1xf32>
    %ne3A_304 = arith.constant 0.000000e+00 : f32
    %ne3A_305 = vector.broadcast %ne3A_304 : f32 to vector<128x1xf32>
    %ne3A_306 = arith.cmpf one, %slice3A_303, %ne3A_305 : vector<128x1xf32>
    %get3A_307 = arith.constant 2560 : index
    %get3A_308 = arith.constant 0 : index
    %get3A_309 = vector.load %arg4[%get3A_307, %get3A_308] : memref<14336x128xf32, #tpu.memory_space<vmem>>, vector<128x128xf32>
    %mul3A_310 = vector.broadcast %get3A_3 : vector<1x128xf32> to vector<128x128xf32>
    %mul3A_311 = arith.mulf %get3A_309, %mul3A_310 : vector<128x128xf32>
    %broadcast_in_dim3A_312 = vector.shape_cast %ne3A_306 : vector<128x1xi1> to vector<128x1xi1>
    %broadcast_in_dim3A_313 = vector.broadcast %broadcast_in_dim3A_312 : vector<128x1xi1> to vector<128x128xi1>
    %select_n3A_314 = arith.select %broadcast_in_dim3A_313, %mul3A_311, %get3A_309 : vector<128x128xi1>, vector<128x128xf32>
    %swap3A_315 = arith.constant 2560 : index
    %swap3A_316 = arith.constant 0 : index
    %swap3A_317 = vector.load %arg6[%swap3A_315, %swap3A_316] : memref<14336x128xf32, #tpu.memory_space<vmem>>, vector<128x128xf32>
    tpu.vector_store %arg6[%swap3A_315, %swap3A_316], %select_n3A_314 {strides = array<i32>} : memref<14336x128xf32, #tpu.memory_space<vmem>>, vector<128x128xf32>,
    %slice3A_318 = vector.extract_strided_slice %get3A_8 {offsets = [0, 21], sizes = [128, 1], strides = [1, 1]} : vector<128x112xf32> to vector<128x1xf32>
    %ne3A_319 = arith.constant 0.000000e+00 : f32
    %ne3A_320 = vector.broadcast %ne3A_319 : f32 to vector<128x1xf32>
    %ne3A_321 = arith.cmpf one, %slice3A_318, %ne3A_320 : vector<128x1xf32>
    %get3A_322 = arith.constant 2688 : index
    %get3A_323 = arith.constant 0 : index
    %get3A_324 = vector.load %arg4[%get3A_322, %get3A_323] : memref<14336x128xf32, #tpu.memory_space<vmem>>, vector<128x128xf32>
    %mul3A_325 = vector.broadcast %get3A_3 : vector<1x128xf32> to vector<128x128xf32>
    %mul3A_326 = arith.mulf %get3A_324, %mul3A_325 : vector<128x128xf32>
    %broadcast_in_dim3A_327 = vector.shape_cast %ne3A_321 : vector<128x1xi1> to vector<128x1xi1>
    %broadcast_in_dim3A_328 = vector.broadcast %broadcast_in_dim3A_327 : vector<128x1xi1> to vector<128x128xi1>
    %select_n3A_329 = arith.select %broadcast_in_dim3A_328, %mul3A_326, %get3A_324 : vector<128x128xi1>, vector<128x128xf32>
    %swap3A_330 = arith.constant 2688 : index
    %swap3A_331 = arith.constant 0 : index
    %swap3A_332 = vector.load %arg6[%swap3A_330, %swap3A_331] : memref<14336x128xf32, #tpu.memory_space<vmem>>, vector<128x128xf32>
    tpu.vector_store %arg6[%swap3A_330, %swap3A_331], %select_n3A_329 {strides = array<i32>} : memref<14336x128xf32, #tpu.memory_space<vmem>>, vector<128x128xf32>,
    %slice3A_333 = vector.extract_strided_slice %get3A_8 {offsets = [0, 22], sizes = [128, 1], strides = [1, 1]} : vector<128x112xf32> to vector<128x1xf32>
    %ne3A_334 = arith.constant 0.000000e+00 : f32
    %ne3A_335 = vector.broadcast %ne3A_334 : f32 to vector<128x1xf32>
    %ne3A_336 = arith.cmpf one, %slice3A_333, %ne3A_335 : vector<128x1xf32>
    %get3A_337 = arith.constant 2816 : index
    %get3A_338 = arith.constant 0 : index
    %get3A_339 = vector.load %arg4[%get3A_337, %get3A_338] : memref<14336x128xf32, #tpu.memory_space<vmem>>, vector<128x128xf32>
    %mul3A_340 = vector.broadcast %get3A_3 : vector<1x128xf32> to vector<128x128xf32>
    %mul3A_341 = arith.mulf %get3A_339, %mul3A_340 : vector<128x128xf32>
    %broadcast_in_dim3A_342 = vector.shape_cast %ne3A_336 : vector<128x1xi1> to vector<128x1xi1>
    %broadcast_in_dim3A_343 = vector.broadcast %broadcast_in_dim3A_342 : vector<128x1xi1> to vector<128x128xi1>
    %select_n3A_344 = arith.select %broadcast_in_dim3A_343, %mul3A_341, %get3A_339 : vector<128x128xi1>, vector<128x128xf32>
    %swap3A_345 = arith.constant 2816 : index
    %swap3A_346 = arith.constant 0 : index
    %swap3A_347 = vector.load %arg6[%swap3A_345, %swap3A_346] : memref<14336x128xf32, #tpu.memory_space<vmem>>, vector<128x128xf32>
    tpu.vector_store %arg6[%swap3A_345, %swap3A_346], %select_n3A_344 {strides = array<i32>} : memref<14336x128xf32, #tpu.memory_space<vmem>>, vector<128x128xf32>,
    %slice3A_348 = vector.extract_strided_slice %get3A_8 {offsets = [0, 23], sizes = [128, 1], strides = [1, 1]} : vector<128x112xf32> to vector<128x1xf32>
    %ne3A_349 = arith.constant 0.000000e+00 : f32
    %ne3A_350 = vector.broadcast %ne3A_349 : f32 to vector<128x1xf32>
    %ne3A_351 = arith.cmpf one, %slice3A_348, %ne3A_350 : vector<128x1xf32>
    %get3A_352 = arith.constant 2944 : index
    %get3A_353 = arith.constant 0 : index
    %get3A_354 = vector.load %arg4[%get3A_352, %get3A_353] : memref<14336x128xf32, #tpu.memory_space<vmem>>, vector<128x128xf32>
    %mul3A_355 = vector.broadcast %get3A_3 : vector<1x128xf32> to vector<128x128xf32>
    %mul3A_356 = arith.mulf %get3A_354, %mul3A_355 : vector<128x128xf32>
    %broadcast_in_dim3A_357 = vector.shape_cast %ne3A_351 : vector<128x1xi1> to vector<128x1xi1>
    %broadcast_in_dim3A_358 = vector.broadcast %broadcast_in_dim3A_357 : vector<128x1xi1> to vector<128x128xi1>
    %select_n3A_359 = arith.select %broadcast_in_dim3A_358, %mul3A_356, %get3A_354 : vector<128x128xi1>, vector<128x128xf32>
    %swap3A_360 = arith.constant 2944 : index
    %swap3A_361 = arith.constant 0 : index
    %swap3A_362 = vector.load %arg6[%swap3A_360, %swap3A_361] : memref<14336x128xf32, #tpu.memory_space<vmem>>, vector<128x128xf32>
    tpu.vector_store %arg6[%swap3A_360, %swap3A_361], %select_n3A_359 {strides = array<i32>} : memref<14336x128xf32, #tpu.memory_space<vmem>>, vector<128x128xf32>,
    %slice3A_363 = vector.extract_strided_slice %get3A_8 {offsets = [0, 24], sizes = [128, 1], strides = [1, 1]} : vector<128x112xf32> to vector<128x1xf32>
    %ne3A_364 = arith.constant 0.000000e+00 : f32
    %ne3A_365 = vector.broadcast %ne3A_364 : f32 to vector<128x1xf32>
    %ne3A_366 = arith.cmpf one, %slice3A_363, %ne3A_365 : vector<128x1xf32>
    %get3A_367 = arith.constant 3072 : index
    %get3A_368 = arith.constant 0 : index
    %get3A_369 = vector.load %arg4[%get3A_367, %get3A_368] : memref<14336x128xf32, #tpu.memory_space<vmem>>, vector<128x128xf32>
    %mul3A_370 = vector.broadcast %get3A_3 : vector<1x128xf32> to vector<128x128xf32>
    %mul3A_371 = arith.mulf %get3A_369, %mul3A_370 : vector<128x128xf32>
    %broadcast_in_dim3A_372 = vector.shape_cast %ne3A_366 : vector<128x1xi1> to vector<128x1xi1>
    %broadcast_in_dim3A_373 = vector.broadcast %broadcast_in_dim3A_372 : vector<128x1xi1> to vector<128x128xi1>
    %select_n3A_374 = arith.select %broadcast_in_dim3A_373, %mul3A_371, %get3A_369 : vector<128x128xi1>, vector<128x128xf32>
    %swap3A_375 = arith.constant 3072 : index
    %swap3A_376 = arith.constant 0 : index
    %swap3A_377 = vector.load %arg6[%swap3A_375, %swap3A_376] : memref<14336x128xf32, #tpu.memory_space<vmem>>, vector<128x128xf32>
    tpu.vector_store %arg6[%swap3A_375, %swap3A_376], %select_n3A_374 {strides = array<i32>} : memref<14336x128xf32, #tpu.memory_space<vmem>>, vector<128x128xf32>,
    %slice3A_378 = vector.extract_strided_slice %get3A_8 {offsets = [0, 25], sizes = [128, 1], strides = [1, 1]} : vector<128x112xf32> to vector<128x1xf32>
    %ne3A_379 = arith.constant 0.000000e+00 : f32
    %ne3A_380 = vector.broadcast %ne3A_379 : f32 to vector<128x1xf32>
    %ne3A_381 = arith.cmpf one, %slice3A_378, %ne3A_380 : vector<128x1xf32>
    %get3A_382 = arith.constant 3200 : index
    %get3A_383 = arith.constant 0 : index
    %get3A_384 = vector.load %arg4[%get3A_382, %get3A_383] : memref<14336x128xf32, #tpu.memory_space<vmem>>, vector<128x128xf32>
    %mul3A_385 = vector.broadcast %get3A_3 : vector<1x128xf32> to vector<128x128xf32>
    %mul3A_386 = arith.mulf %get3A_384, %mul3A_385 : vector<128x128xf32>
    %broadcast_in_dim3A_387 = vector.shape_cast %ne3A_381 : vector<128x1xi1> to vector<128x1xi1>
    %broadcast_in_dim3A_388 = vector.broadcast %broadcast_in_dim3A_387 : vector<128x1xi1> to vector<128x128xi1>
    %select_n3A_389 = arith.select %broadcast_in_dim3A_388, %mul3A_386, %get3A_384 : vector<128x128xi1>, vector<128x128xf32>
    %swap3A_390 = arith.constant 3200 : index
    %swap3A_391 = arith.constant 0 : index
    %swap3A_392 = vector.load %arg6[%swap3A_390, %swap3A_391] : memref<14336x128xf32, #tpu.memory_space<vmem>>, vector<128x128xf32>
    tpu.vector_store %arg6[%swap3A_390, %swap3A_391], %select_n3A_389 {strides = array<i32>} : memref<14336x128xf32, #tpu.memory_space<vmem>>, vector<128x128xf32>,
    %slice3A_393 = vector.extract_strided_slice %get3A_8 {offsets = [0, 26], sizes = [128, 1], strides = [1, 1]} : vector<128x112xf32> to vector<128x1xf32>
    %ne3A_394 = arith.constant 0.000000e+00 : f32
    %ne3A_395 = vector.broadcast %ne3A_394 : f32 to vector<128x1xf32>
    %ne3A_396 = arith.cmpf one, %slice3A_393, %ne3A_395 : vector<128x1xf32>
    %get3A_397 = arith.constant 3328 : index
    %get3A_398 = arith.constant 0 : index
    %get3A_399 = vector.load %arg4[%get3A_397, %get3A_398] : memref<14336x128xf32, #tpu.memory_space<vmem>>, vector<128x128xf32>
    %mul3A_400 = vector.broadcast %get3A_3 : vector<1x128xf32> to vector<128x128xf32>
    %mul3A_401 = arith.mulf %get3A_399, %mul3A_400 : vector<128x128xf32>
    %broadcast_in_dim3A_402 = vector.shape_cast %ne3A_396 : vector<128x1xi1> to vector<128x1xi1>
    %broadcast_in_dim3A_403 = vector.broadcast %broadcast_in_dim3A_402 : vector<128x1xi1> to vector<128x128xi1>
    %select_n3A_404 = arith.select %broadcast_in_dim3A_403, %mul3A_401, %get3A_399 : vector<128x128xi1>, vector<128x128xf32>
    %swap3A_405 = arith.constant 3328 : index
    %swap3A_406 = arith.constant 0 : index
    %swap3A_407 = vector.load %arg6[%swap3A_405, %swap3A_406] : memref<14336x128xf32, #tpu.memory_space<vmem>>, vector<128x128xf32>
    tpu.vector_store %arg6[%swap3A_405, %swap3A_406], %select_n3A_404 {strides = array<i32>} : memref<14336x128xf32, #tpu.memory_space<vmem>>, vector<128x128xf32>,
    %slice3A_408 = vector.extract_strided_slice %get3A_8 {offsets = [0, 27], sizes = [128, 1], strides = [1, 1]} : vector<128x112xf32> to vector<128x1xf32>
    %ne3A_409 = arith.constant 0.000000e+00 : f32
    %ne3A_410 = vector.broadcast %ne3A_409 : f32 to vector<128x1xf32>
    %ne3A_411 = arith.cmpf one, %slice3A_408, %ne3A_410 : vector<128x1xf32>
    %get3A_412 = arith.constant 3456 : index
    %get3A_413 = arith.constant 0 : index
    %get3A_414 = vector.load %arg4[%get3A_412, %get3A_413] : memref<14336x128xf32, #tpu.memory_space<vmem>>, vector<128x128xf32>
    %mul3A_415 = vector.broadcast %get3A_3 : vector<1x128xf32> to vector<128x128xf32>
    %mul3A_416 = arith.mulf %get3A_414, %mul3A_415 : vector<128x128xf32>
    %broadcast_in_dim3A_417 = vector.shape_cast %ne3A_411 : vector<128x1xi1> to vector<128x1xi1>
    %broadcast_in_dim3A_418 = vector.broadcast %broadcast_in_dim3A_417 : vector<128x1xi1> to vector<128x128xi1>
    %select_n3A_419 = arith.select %broadcast_in_dim3A_418, %mul3A_416, %get3A_414 : vector<128x128xi1>, vector<128x128xf32>
    %swap3A_420 = arith.constant 3456 : index
    %swap3A_421 = arith.constant 0 : index
    %swap3A_422 = vector.load %arg6[%swap3A_420, %swap3A_421] : memref<14336x128xf32, #tpu.memory_space<vmem>>, vector<128x128xf32>
    tpu.vector_store %arg6[%swap3A_420, %swap3A_421], %select_n3A_419 {strides = array<i32>} : memref<14336x128xf32, #tpu.memory_space<vmem>>, vector<128x128xf32>,
    %slice3A_423 = vector.extract_strided_slice %get3A_8 {offsets = [0, 28], sizes = [128, 1], strides = [1, 1]} : vector<128x112xf32> to vector<128x1xf32>
    %ne3A_424 = arith.constant 0.000000e+00 : f32
    %ne3A_425 = vector.broadcast %ne3A_424 : f32 to vector<128x1xf32>
    %ne3A_426 = arith.cmpf one, %slice3A_423, %ne3A_425 : vector<128x1xf32>
    %get3A_427 = arith.constant 3584 : index
    %get3A_428 = arith.constant 0 : index
    %get3A_429 = vector.load %arg4[%get3A_427, %get3A_428] : memref<14336x128xf32, #tpu.memory_space<vmem>>, vector<128x128xf32>
    %mul3A_430 = vector.broadcast %get3A_3 : vector<1x128xf32> to vector<128x128xf32>
    %mul3A_431 = arith.mulf %get3A_429, %mul3A_430 : vector<128x128xf32>
    %broadcast_in_dim3A_432 = vector.shape_cast %ne3A_426 : vector<128x1xi1> to vector<128x1xi1>
    %broadcast_in_dim3A_433 = vector.broadcast %broadcast_in_dim3A_432 : vector<128x1xi1> to vector<128x128xi1>
    %select_n3A_434 = arith.select %broadcast_in_dim3A_433, %mul3A_431, %get3A_429 : vector<128x128xi1>, vector<128x128xf32>
    %swap3A_435 = arith.constant 3584 : index
    %swap3A_436 = arith.constant 0 : index
    %swap3A_437 = vector.load %arg6[%swap3A_435, %swap3A_436] : memref<14336x128xf32, #tpu.memory_space<vmem>>, vector<128x128xf32>
    tpu.vector_store %arg6[%swap3A_435, %swap3A_436], %select_n3A_434 {strides = array<i32>} : memref<14336x128xf32, #tpu.memory_space<vmem>>, vector<128x128xf32>,
    %slice3A_438 = vector.extract_strided_slice %get3A_8 {offsets = [0, 29], sizes = [128, 1], strides = [1, 1]} : vector<128x112xf32> to vector<128x1xf32>
    %ne3A_439 = arith.constant 0.000000e+00 : f32
    %ne3A_440 = vector.broadcast %ne3A_439 : f32 to vector<128x1xf32>
    %ne3A_441 = arith.cmpf one, %slice3A_438, %ne3A_440 : vector<128x1xf32>
    %get3A_442 = arith.constant 3712 : index
    %get3A_443 = arith.constant 0 : index
    %get3A_444 = vector.load %arg4[%get3A_442, %get3A_443] : memref<14336x128xf32, #tpu.memory_space<vmem>>, vector<128x128xf32>
    %mul3A_445 = vector.broadcast %get3A_3 : vector<1x128xf32> to vector<128x128xf32>
    %mul3A_446 = arith.mulf %get3A_444, %mul3A_445 : vector<128x128xf32>
    %broadcast_in_dim3A_447 = vector.shape_cast %ne3A_441 : vector<128x1xi1> to vector<128x1xi1>
    %broadcast_in_dim3A_448 = vector.broadcast %broadcast_in_dim3A_447 : vector<128x1xi1> to vector<128x128xi1>
    %select_n3A_449 = arith.select %broadcast_in_dim3A_448, %mul3A_446, %get3A_444 : vector<128x128xi1>, vector<128x128xf32>
    %swap3A_450 = arith.constant 3712 : index
    %swap3A_451 = arith.constant 0 : index
    %swap3A_452 = vector.load %arg6[%swap3A_450, %swap3A_451] : memref<14336x128xf32, #tpu.memory_space<vmem>>, vector<128x128xf32>
    tpu.vector_store %arg6[%swap3A_450, %swap3A_451], %select_n3A_449 {strides = array<i32>} : memref<14336x128xf32, #tpu.memory_space<vmem>>, vector<128x128xf32>,
    %slice3A_453 = vector.extract_strided_slice %get3A_8 {offsets = [0, 30], sizes = [128, 1], strides = [1, 1]} : vector<128x112xf32> to vector<128x1xf32>
    %ne3A_454 = arith.constant 0.000000e+00 : f32
    %ne3A_455 = vector.broadcast %ne3A_454 : f32 to vector<128x1xf32>
    %ne3A_456 = arith.cmpf one, %slice3A_453, %ne3A_455 : vector<128x1xf32>
    %get3A_457 = arith.constant 3840 : index
    %get3A_458 = arith.constant 0 : index
    %get3A_459 = vector.load %arg4[%get3A_457, %get3A_458] : memref<14336x128xf32, #tpu.memory_space<vmem>>, vector<128x128xf32>
    %mul3A_460 = vector.broadcast %get3A_3 : vector<1x128xf32> to vector<128x128xf32>
    %mul3A_461 = arith.mulf %get3A_459, %mul3A_460 : vector<128x128xf32>
    %broadcast_in_dim3A_462 = vector.shape_cast %ne3A_456 : vector<128x1xi1> to vector<128x1xi1>
    %broadcast_in_dim3A_463 = vector.broadcast %broadcast_in_dim3A_462 : vector<128x1xi1> to vector<128x128xi1>
    %select_n3A_464 = arith.select %broadcast_in_dim3A_463, %mul3A_461, %get3A_459 : vector<128x128xi1>, vector<128x128xf32>
    %swap3A_465 = arith.constant 3840 : index
    %swap3A_466 = arith.constant 0 : index
    %swap3A_467 = vector.load %arg6[%swap3A_465, %swap3A_466] : memref<14336x128xf32, #tpu.memory_space<vmem>>, vector<128x128xf32>
    tpu.vector_store %arg6[%swap3A_465, %swap3A_466], %select_n3A_464 {strides = array<i32>} : memref<14336x128xf32, #tpu.memory_space<vmem>>, vector<128x128xf32>,
    %slice3A_468 = vector.extract_strided_slice %get3A_8 {offsets = [0, 31], sizes = [128, 1], strides = [1, 1]} : vector<128x112xf32> to vector<128x1xf32>
    %ne3A_469 = arith.constant 0.000000e+00 : f32
    %ne3A_470 = vector.broadcast %ne3A_469 : f32 to vector<128x1xf32>
    %ne3A_471 = arith.cmpf one, %slice3A_468, %ne3A_470 : vector<128x1xf32>
    %get3A_472 = arith.constant 3968 : index
    %get3A_473 = arith.constant 0 : index
    %get3A_474 = vector.load %arg4[%get3A_472, %get3A_473] : memref<14336x128xf32, #tpu.memory_space<vmem>>, vector<128x128xf32>
    %mul3A_475 = vector.broadcast %get3A_3 : vector<1x128xf32> to vector<128x128xf32>
    %mul3A_476 = arith.mulf %get3A_474, %mul3A_475 : vector<128x128xf32>
    %broadcast_in_dim3A_477 = vector.shape_cast %ne3A_471 : vector<128x1xi1> to vector<128x1xi1>
    %broadcast_in_dim3A_478 = vector.broadcast %broadcast_in_dim3A_477 : vector<128x1xi1> to vector<128x128xi1>
    %select_n3A_479 = arith.select %broadcast_in_dim3A_478, %mul3A_476, %get3A_474 : vector<128x128xi1>, vector<128x128xf32>
    %swap3A_480 = arith.constant 3968 : index
    %swap3A_481 = arith.constant 0 : index
    %swap3A_482 = vector.load %arg6[%swap3A_480, %swap3A_481] : memref<14336x128xf32, #tpu.memory_space<vmem>>, vector<128x128xf32>
    tpu.vector_store %arg6[%swap3A_480, %swap3A_481], %select_n3A_479 {strides = array<i32>} : memref<14336x128xf32, #tpu.memory_space<vmem>>, vector<128x128xf32>,
    %slice3A_483 = vector.extract_strided_slice %get3A_8 {offsets = [0, 32], sizes = [128, 1], strides = [1, 1]} : vector<128x112xf32> to vector<128x1xf32>
    %ne3A_484 = arith.constant 0.000000e+00 : f32
    %ne3A_485 = vector.broadcast %ne3A_484 : f32 to vector<128x1xf32>
    %ne3A_486 = arith.cmpf one, %slice3A_483, %ne3A_485 : vector<128x1xf32>
    %get3A_487 = arith.constant 4096 : index
    %get3A_488 = arith.constant 0 : index
    %get3A_489 = vector.load %arg4[%get3A_487, %get3A_488] : memref<14336x128xf32, #tpu.memory_space<vmem>>, vector<128x128xf32>
    %mul3A_490 = vector.broadcast %get3A_3 : vector<1x128xf32> to vector<128x128xf32>
    %mul3A_491 = arith.mulf %get3A_489, %mul3A_490 : vector<128x128xf32>
    %broadcast_in_dim3A_492 = vector.shape_cast %ne3A_486 : vector<128x1xi1> to vector<128x1xi1>
    %broadcast_in_dim3A_493 = vector.broadcast %broadcast_in_dim3A_492 : vector<128x1xi1> to vector<128x128xi1>
    %select_n3A_494 = arith.select %broadcast_in_dim3A_493, %mul3A_491, %get3A_489 : vector<128x128xi1>, vector<128x128xf32>
    %swap3A_495 = arith.constant 4096 : index
    %swap3A_496 = arith.constant 0 : index
    %swap3A_497 = vector.load %arg6[%swap3A_495, %swap3A_496] : memref<14336x128xf32, #tpu.memory_space<vmem>>, vector<128x128xf32>
    tpu.vector_store %arg6[%swap3A_495, %swap3A_496], %select_n3A_494 {strides = array<i32>} : memref<14336x128xf32, #tpu.memory_space<vmem>>, vector<128x128xf32>,
    %slice3A_498 = vector.extract_strided_slice %get3A_8 {offsets = [0, 33], sizes = [128, 1], strides = [1, 1]} : vector<128x112xf32> to vector<128x1xf32>
    %ne3A_499 = arith.constant 0.000000e+00 : f32
    %ne3A_500 = vector.broadcast %ne3A_499 : f32 to vector<128x1xf32>
    %ne3A_501 = arith.cmpf one, %slice3A_498, %ne3A_500 : vector<128x1xf32>
    %get3A_502 = arith.constant 4224 : index
    %get3A_503 = arith.constant 0 : index
    %get3A_504 = vector.load %arg4[%get3A_502, %get3A_503] : memref<14336x128xf32, #tpu.memory_space<vmem>>, vector<128x128xf32>
    %mul3A_505 = vector.broadcast %get3A_3 : vector<1x128xf32> to vector<128x128xf32>
    %mul3A_506 = arith.mulf %get3A_504, %mul3A_505 : vector<128x128xf32>
    %broadcast_in_dim3A_507 = vector.shape_cast %ne3A_501 : vector<128x1xi1> to vector<128x1xi1>
    %broadcast_in_dim3A_508 = vector.broadcast %broadcast_in_dim3A_507 : vector<128x1xi1> to vector<128x128xi1>
    %select_n3A_509 = arith.select %broadcast_in_dim3A_508, %mul3A_506, %get3A_504 : vector<128x128xi1>, vector<128x128xf32>
    %swap3A_510 = arith.constant 4224 : index
    %swap3A_511 = arith.constant 0 : index
    %swap3A_512 = vector.load %arg6[%swap3A_510, %swap3A_511] : memref<14336x128xf32, #tpu.memory_space<vmem>>, vector<128x128xf32>
    tpu.vector_store %arg6[%swap3A_510, %swap3A_511], %select_n3A_509 {strides = array<i32>} : memref<14336x128xf32, #tpu.memory_space<vmem>>, vector<128x128xf32>,
    %slice3A_513 = vector.extract_strided_slice %get3A_8 {offsets = [0, 34], sizes = [128, 1], strides = [1, 1]} : vector<128x112xf32> to vector<128x1xf32>
    %ne3A_514 = arith.constant 0.000000e+00 : f32
    %ne3A_515 = vector.broadcast %ne3A_514 : f32 to vector<128x1xf32>
    %ne3A_516 = arith.cmpf one, %slice3A_513, %ne3A_515 : vector<128x1xf32>
    %get3A_517 = arith.constant 4352 : index
    %get3A_518 = arith.constant 0 : index
    %get3A_519 = vector.load %arg4[%get3A_517, %get3A_518] : memref<14336x128xf32, #tpu.memory_space<vmem>>, vector<128x128xf32>
    %mul3A_520 = vector.broadcast %get3A_3 : vector<1x128xf32> to vector<128x128xf32>
    %mul3A_521 = arith.mulf %get3A_519, %mul3A_520 : vector<128x128xf32>
    %broadcast_in_dim3A_522 = vector.shape_cast %ne3A_516 : vector<128x1xi1> to vector<128x1xi1>
    %broadcast_in_dim3A_523 = vector.broadcast %broadcast_in_dim3A_522 : vector<128x1xi1> to vector<128x128xi1>
    %select_n3A_524 = arith.select %broadcast_in_dim3A_523, %mul3A_521, %get3A_519 : vector<128x128xi1>, vector<128x128xf32>
    %swap3A_525 = arith.constant 4352 : index
    %swap3A_526 = arith.constant 0 : index
    %swap3A_527 = vector.load %arg6[%swap3A_525, %swap3A_526] : memref<14336x128xf32, #tpu.memory_space<vmem>>, vector<128x128xf32>
    tpu.vector_store %arg6[%swap3A_525, %swap3A_526], %select_n3A_524 {strides = array<i32>} : memref<14336x128xf32, #tpu.memory_space<vmem>>, vector<128x128xf32>,
    %slice3A_528 = vector.extract_strided_slice %get3A_8 {offsets = [0, 35], sizes = [128, 1], strides = [1, 1]} : vector<128x112xf32> to vector<128x1xf32>
    %ne3A_529 = arith.constant 0.000000e+00 : f32
    %ne3A_530 = vector.broadcast %ne3A_529 : f32 to vector<128x1xf32>
    %ne3A_531 = arith.cmpf one, %slice3A_528, %ne3A_530 : vector<128x1xf32>
    %get3A_532 = arith.constant 4480 : index
    %get3A_533 = arith.constant 0 : index
    %get3A_534 = vector.load %arg4[%get3A_532, %get3A_533] : memref<14336x128xf32, #tpu.memory_space<vmem>>, vector<128x128xf32>
    %mul3A_535 = vector.broadcast %get3A_3 : vector<1x128xf32> to vector<128x128xf32>
    %mul3A_536 = arith.mulf %get3A_534, %mul3A_535 : vector<128x128xf32>
    %broadcast_in_dim3A_537 = vector.shape_cast %ne3A_531 : vector<128x1xi1> to vector<128x1xi1>
    %broadcast_in_dim3A_538 = vector.broadcast %broadcast_in_dim3A_537 : vector<128x1xi1> to vector<128x128xi1>
    %select_n3A_539 = arith.select %broadcast_in_dim3A_538, %mul3A_536, %get3A_534 : vector<128x128xi1>, vector<128x128xf32>
    %swap3A_540 = arith.constant 4480 : index
    %swap3A_541 = arith.constant 0 : index
    %swap3A_542 = vector.load %arg6[%swap3A_540, %swap3A_541] : memref<14336x128xf32, #tpu.memory_space<vmem>>, vector<128x128xf32>
    tpu.vector_store %arg6[%swap3A_540, %swap3A_541], %select_n3A_539 {strides = array<i32>} : memref<14336x128xf32, #tpu.memory_space<vmem>>, vector<128x128xf32>,
    %slice3A_543 = vector.extract_strided_slice %get3A_8 {offsets = [0, 36], sizes = [128, 1], strides = [1, 1]} : vector<128x112xf32> to vector<128x1xf32>
    %ne3A_544 = arith.constant 0.000000e+00 : f32
    %ne3A_545 = vector.broadcast %ne3A_544 : f32 to vector<128x1xf32>
    %ne3A_546 = arith.cmpf one, %slice3A_543, %ne3A_545 : vector<128x1xf32>
    %get3A_547 = arith.constant 4608 : index
    %get3A_548 = arith.constant 0 : index
    %get3A_549 = vector.load %arg4[%get3A_547, %get3A_548] : memref<14336x128xf32, #tpu.memory_space<vmem>>, vector<128x128xf32>
    %mul3A_550 = vector.broadcast %get3A_3 : vector<1x128xf32> to vector<128x128xf32>
    %mul3A_551 = arith.mulf %get3A_549, %mul3A_550 : vector<128x128xf32>
    %broadcast_in_dim3A_552 = vector.shape_cast %ne3A_546 : vector<128x1xi1> to vector<128x1xi1>
    %broadcast_in_dim3A_553 = vector.broadcast %broadcast_in_dim3A_552 : vector<128x1xi1> to vector<128x128xi1>
    %select_n3A_554 = arith.select %broadcast_in_dim3A_553, %mul3A_551, %get3A_549 : vector<128x128xi1>, vector<128x128xf32>
    %swap3A_555 = arith.constant 4608 : index
    %swap3A_556 = arith.constant 0 : index
    %swap3A_557 = vector.load %arg6[%swap3A_555, %swap3A_556] : memref<14336x128xf32, #tpu.memory_space<vmem>>, vector<128x128xf32>
    tpu.vector_store %arg6[%swap3A_555, %swap3A_556], %select_n3A_554 {strides = array<i32>} : memref<14336x128xf32, #tpu.memory_space<vmem>>, vector<128x128xf32>,
    %slice3A_558 = vector.extract_strided_slice %get3A_8 {offsets = [0, 37], sizes = [128, 1], strides = [1, 1]} : vector<128x112xf32> to vector<128x1xf32>
    %ne3A_559 = arith.constant 0.000000e+00 : f32
    %ne3A_560 = vector.broadcast %ne3A_559 : f32 to vector<128x1xf32>
    %ne3A_561 = arith.cmpf one, %slice3A_558, %ne3A_560 : vector<128x1xf32>
    %get3A_562 = arith.constant 4736 : index
    %get3A_563 = arith.constant 0 : index
    %get3A_564 = vector.load %arg4[%get3A_562, %get3A_563] : memref<14336x128xf32, #tpu.memory_space<vmem>>, vector<128x128xf32>
    %mul3A_565 = vector.broadcast %get3A_3 : vector<1x128xf32> to vector<128x128xf32>
    %mul3A_566 = arith.mulf %get3A_564, %mul3A_565 : vector<128x128xf32>
    %broadcast_in_dim3A_567 = vector.shape_cast %ne3A_561 : vector<128x1xi1> to vector<128x1xi1>
    %broadcast_in_dim3A_568 = vector.broadcast %broadcast_in_dim3A_567 : vector<128x1xi1> to vector<128x128xi1>
    %select_n3A_569 = arith.select %broadcast_in_dim3A_568, %mul3A_566, %get3A_564 : vector<128x128xi1>, vector<128x128xf32>
    %swap3A_570 = arith.constant 4736 : index
    %swap3A_571 = arith.constant 0 : index
    %swap3A_572 = vector.load %arg6[%swap3A_570, %swap3A_571] : memref<14336x128xf32, #tpu.memory_space<vmem>>, vector<128x128xf32>
    tpu.vector_store %arg6[%swap3A_570, %swap3A_571], %select_n3A_569 {strides = array<i32>} : memref<14336x128xf32, #tpu.memory_space<vmem>>, vector<128x128xf32>,
    %slice3A_573 = vector.extract_strided_slice %get3A_8 {offsets = [0, 38], sizes = [128, 1], strides = [1, 1]} : vector<128x112xf32> to vector<128x1xf32>
    %ne3A_574 = arith.constant 0.000000e+00 : f32
    %ne3A_575 = vector.broadcast %ne3A_574 : f32 to vector<128x1xf32>
    %ne3A_576 = arith.cmpf one, %slice3A_573, %ne3A_575 : vector<128x1xf32>
    %get3A_577 = arith.constant 4864 : index
    %get3A_578 = arith.constant 0 : index
    %get3A_579 = vector.load %arg4[%get3A_577, %get3A_578] : memref<14336x128xf32, #tpu.memory_space<vmem>>, vector<128x128xf32>
    %mul3A_580 = vector.broadcast %get3A_3 : vector<1x128xf32> to vector<128x128xf32>
    %mul3A_581 = arith.mulf %get3A_579, %mul3A_580 : vector<128x128xf32>
    %broadcast_in_dim3A_582 = vector.shape_cast %ne3A_576 : vector<128x1xi1> to vector<128x1xi1>
    %broadcast_in_dim3A_583 = vector.broadcast %broadcast_in_dim3A_582 : vector<128x1xi1> to vector<128x128xi1>
    %select_n3A_584 = arith.select %broadcast_in_dim3A_583, %mul3A_581, %get3A_579 : vector<128x128xi1>, vector<128x128xf32>
    %swap3A_585 = arith.constant 4864 : index
    %swap3A_586 = arith.constant 0 : index
    %swap3A_587 = vector.load %arg6[%swap3A_585, %swap3A_586] : memref<14336x128xf32, #tpu.memory_space<vmem>>, vector<128x128xf32>
    tpu.vector_store %arg6[%swap3A_585, %swap3A_586], %select_n3A_584 {strides = array<i32>} : memref<14336x128xf32, #tpu.memory_space<vmem>>, vector<128x128xf32>,
    %slice3A_588 = vector.extract_strided_slice %get3A_8 {offsets = [0, 39], sizes = [128, 1], strides = [1, 1]} : vector<128x112xf32> to vector<128x1xf32>
    %ne3A_589 = arith.constant 0.000000e+00 : f32
    %ne3A_590 = vector.broadcast %ne3A_589 : f32 to vector<128x1xf32>
    %ne3A_591 = arith.cmpf one, %slice3A_588, %ne3A_590 : vector<128x1xf32>
    %get3A_592 = arith.constant 4992 : index
    %get3A_593 = arith.constant 0 : index
    %get3A_594 = vector.load %arg4[%get3A_592, %get3A_593] : memref<14336x128xf32, #tpu.memory_space<vmem>>, vector<128x128xf32>
    %mul3A_595 = vector.broadcast %get3A_3 : vector<1x128xf32> to vector<128x128xf32>
    %mul3A_596 = arith.mulf %get3A_594, %mul3A_595 : vector<128x128xf32>
    %broadcast_in_dim3A_597 = vector.shape_cast %ne3A_591 : vector<128x1xi1> to vector<128x1xi1>
    %broadcast_in_dim3A_598 = vector.broadcast %broadcast_in_dim3A_597 : vector<128x1xi1> to vector<128x128xi1>
    %select_n3A_599 = arith.select %broadcast_in_dim3A_598, %mul3A_596, %get3A_594 : vector<128x128xi1>, vector<128x128xf32>
    %swap3A_600 = arith.constant 4992 : index
    %swap3A_601 = arith.constant 0 : index
    %swap3A_602 = vector.load %arg6[%swap3A_600, %swap3A_601] : memref<14336x128xf32, #tpu.memory_space<vmem>>, vector<128x128xf32>
    tpu.vector_store %arg6[%swap3A_600, %swap3A_601], %select_n3A_599 {strides = array<i32>} : memref<14336x128xf32, #tpu.memory_space<vmem>>, vector<128x128xf32>,
    %slice3A_603 = vector.extract_strided_slice %get3A_8 {offsets = [0, 40], sizes = [128, 1], strides = [1, 1]} : vector<128x112xf32> to vector<128x1xf32>
    %ne3A_604 = arith.constant 0.000000e+00 : f32
    %ne3A_605 = vector.broadcast %ne3A_604 : f32 to vector<128x1xf32>
    %ne3A_606 = arith.cmpf one, %slice3A_603, %ne3A_605 : vector<128x1xf32>
    %get3A_607 = arith.constant 5120 : index
    %get3A_608 = arith.constant 0 : index
    %get3A_609 = vector.load %arg4[%get3A_607, %get3A_608] : memref<14336x128xf32, #tpu.memory_space<vmem>>, vector<128x128xf32>
    %mul3A_610 = vector.broadcast %get3A_3 : vector<1x128xf32> to vector<128x128xf32>
    %mul3A_611 = arith.mulf %get3A_609, %mul3A_610 : vector<128x128xf32>
    %broadcast_in_dim3A_612 = vector.shape_cast %ne3A_606 : vector<128x1xi1> to vector<128x1xi1>
    %broadcast_in_dim3A_613 = vector.broadcast %broadcast_in_dim3A_612 : vector<128x1xi1> to vector<128x128xi1>
    %select_n3A_614 = arith.select %broadcast_in_dim3A_613, %mul3A_611, %get3A_609 : vector<128x128xi1>, vector<128x128xf32>
    %swap3A_615 = arith.constant 5120 : index
    %swap3A_616 = arith.constant 0 : index
    %swap3A_617 = vector.load %arg6[%swap3A_615, %swap3A_616] : memref<14336x128xf32, #tpu.memory_space<vmem>>, vector<128x128xf32>
    tpu.vector_store %arg6[%swap3A_615, %swap3A_616], %select_n3A_614 {strides = array<i32>} : memref<14336x128xf32, #tpu.memory_space<vmem>>, vector<128x128xf32>,
    %slice3A_618 = vector.extract_strided_slice %get3A_8 {offsets = [0, 41], sizes = [128, 1], strides = [1, 1]} : vector<128x112xf32> to vector<128x1xf32>
    %ne3A_619 = arith.constant 0.000000e+00 : f32
    %ne3A_620 = vector.broadcast %ne3A_619 : f32 to vector<128x1xf32>
    %ne3A_621 = arith.cmpf one, %slice3A_618, %ne3A_620 : vector<128x1xf32>
    %get3A_622 = arith.constant 5248 : index
    %get3A_623 = arith.constant 0 : index
    %get3A_624 = vector.load %arg4[%get3A_622, %get3A_623] : memref<14336x128xf32, #tpu.memory_space<vmem>>, vector<128x128xf32>
    %mul3A_625 = vector.broadcast %get3A_3 : vector<1x128xf32> to vector<128x128xf32>
    %mul3A_626 = arith.mulf %get3A_624, %mul3A_625 : vector<128x128xf32>
    %broadcast_in_dim3A_627 = vector.shape_cast %ne3A_621 : vector<128x1xi1> to vector<128x1xi1>
    %broadcast_in_dim3A_628 = vector.broadcast %broadcast_in_dim3A_627 : vector<128x1xi1> to vector<128x128xi1>
    %select_n3A_629 = arith.select %broadcast_in_dim3A_628, %mul3A_626, %get3A_624 : vector<128x128xi1>, vector<128x128xf32>
    %swap3A_630 = arith.constant 5248 : index
    %swap3A_631 = arith.constant 0 : index
    %swap3A_632 = vector.load %arg6[%swap3A_630, %swap3A_631] : memref<14336x128xf32, #tpu.memory_space<vmem>>, vector<128x128xf32>
    tpu.vector_store %arg6[%swap3A_630, %swap3A_631], %select_n3A_629 {strides = array<i32>} : memref<14336x128xf32, #tpu.memory_space<vmem>>, vector<128x128xf32>,
    %slice3A_633 = vector.extract_strided_slice %get3A_8 {offsets = [0, 42], sizes = [128, 1], strides = [1, 1]} : vector<128x112xf32> to vector<128x1xf32>
    %ne3A_634 = arith.constant 0.000000e+00 : f32
    %ne3A_635 = vector.broadcast %ne3A_634 : f32 to vector<128x1xf32>
    %ne3A_636 = arith.cmpf one, %slice3A_633, %ne3A_635 : vector<128x1xf32>
    %get3A_637 = arith.constant 5376 : index
    %get3A_638 = arith.constant 0 : index
    %get3A_639 = vector.load %arg4[%get3A_637, %get3A_638] : memref<14336x128xf32, #tpu.memory_space<vmem>>, vector<128x128xf32>
    %mul3A_640 = vector.broadcast %get3A_3 : vector<1x128xf32> to vector<128x128xf32>
    %mul3A_641 = arith.mulf %get3A_639, %mul3A_640 : vector<128x128xf32>
    %broadcast_in_dim3A_642 = vector.shape_cast %ne3A_636 : vector<128x1xi1> to vector<128x1xi1>
    %broadcast_in_dim3A_643 = vector.broadcast %broadcast_in_dim3A_642 : vector<128x1xi1> to vector<128x128xi1>
    %select_n3A_644 = arith.select %broadcast_in_dim3A_643, %mul3A_641, %get3A_639 : vector<128x128xi1>, vector<128x128xf32>
    %swap3A_645 = arith.constant 5376 : index
    %swap3A_646 = arith.constant 0 : index
    %swap3A_647 = vector.load %arg6[%swap3A_645, %swap3A_646] : memref<14336x128xf32, #tpu.memory_space<vmem>>, vector<128x128xf32>
    tpu.vector_store %arg6[%swap3A_645, %swap3A_646], %select_n3A_644 {strides = array<i32>} : memref<14336x128xf32, #tpu.memory_space<vmem>>, vector<128x128xf32>,
    %slice3A_648 = vector.extract_strided_slice %get3A_8 {offsets = [0, 43], sizes = [128, 1], strides = [1, 1]} : vector<128x112xf32> to vector<128x1xf32>
    %ne3A_649 = arith.constant 0.000000e+00 : f32
    %ne3A_650 = vector.broadcast %ne3A_649 : f32 to vector<128x1xf32>
    %ne3A_651 = arith.cmpf one, %slice3A_648, %ne3A_650 : vector<128x1xf32>
    %get3A_652 = arith.constant 5504 : index
    %get3A_653 = arith.constant 0 : index
    %get3A_654 = vector.load %arg4[%get3A_652, %get3A_653] : memref<14336x128xf32, #tpu.memory_space<vmem>>, vector<128x128xf32>
    %mul3A_655 = vector.broadcast %get3A_3 : vector<1x128xf32> to vector<128x128xf32>
    %mul3A_656 = arith.mulf %get3A_654, %mul3A_655 : vector<128x128xf32>
    %broadcast_in_dim3A_657 = vector.shape_cast %ne3A_651 : vector<128x1xi1> to vector<128x1xi1>
    %broadcast_in_dim3A_658 = vector.broadcast %broadcast_in_dim3A_657 : vector<128x1xi1> to vector<128x128xi1>
    %select_n3A_659 = arith.select %broadcast_in_dim3A_658, %mul3A_656, %get3A_654 : vector<128x128xi1>, vector<128x128xf32>
    %swap3A_660 = arith.constant 5504 : index
    %swap3A_661 = arith.constant 0 : index
    %swap3A_662 = vector.load %arg6[%swap3A_660, %swap3A_661] : memref<14336x128xf32, #tpu.memory_space<vmem>>, vector<128x128xf32>
    tpu.vector_store %arg6[%swap3A_660, %swap3A_661], %select_n3A_659 {strides = array<i32>} : memref<14336x128xf32, #tpu.memory_space<vmem>>, vector<128x128xf32>,
    %slice3A_663 = vector.extract_strided_slice %get3A_8 {offsets = [0, 44], sizes = [128, 1], strides = [1, 1]} : vector<128x112xf32> to vector<128x1xf32>
    %ne3A_664 = arith.constant 0.000000e+00 : f32
    %ne3A_665 = vector.broadcast %ne3A_664 : f32 to vector<128x1xf32>
    %ne3A_666 = arith.cmpf one, %slice3A_663, %ne3A_665 : vector<128x1xf32>
    %get3A_667 = arith.constant 5632 : index
    %get3A_668 = arith.constant 0 : index
    %get3A_669 = vector.load %arg4[%get3A_667, %get3A_668] : memref<14336x128xf32, #tpu.memory_space<vmem>>, vector<128x128xf32>
    %mul3A_670 = vector.broadcast %get3A_3 : vector<1x128xf32> to vector<128x128xf32>
    %mul3A_671 = arith.mulf %get3A_669, %mul3A_670 : vector<128x128xf32>
    %broadcast_in_dim3A_672 = vector.shape_cast %ne3A_666 : vector<128x1xi1> to vector<128x1xi1>
    %broadcast_in_dim3A_673 = vector.broadcast %broadcast_in_dim3A_672 : vector<128x1xi1> to vector<128x128xi1>
    %select_n3A_674 = arith.select %broadcast_in_dim3A_673, %mul3A_671, %get3A_669 : vector<128x128xi1>, vector<128x128xf32>
    %swap3A_675 = arith.constant 5632 : index
    %swap3A_676 = arith.constant 0 : index
    %swap3A_677 = vector.load %arg6[%swap3A_675, %swap3A_676] : memref<14336x128xf32, #tpu.memory_space<vmem>>, vector<128x128xf32>
    tpu.vector_store %arg6[%swap3A_675, %swap3A_676], %select_n3A_674 {strides = array<i32>} : memref<14336x128xf32, #tpu.memory_space<vmem>>, vector<128x128xf32>,
    %slice3A_678 = vector.extract_strided_slice %get3A_8 {offsets = [0, 45], sizes = [128, 1], strides = [1, 1]} : vector<128x112xf32> to vector<128x1xf32>
    %ne3A_679 = arith.constant 0.000000e+00 : f32
    %ne3A_680 = vector.broadcast %ne3A_679 : f32 to vector<128x1xf32>
    %ne3A_681 = arith.cmpf one, %slice3A_678, %ne3A_680 : vector<128x1xf32>
    %get3A_682 = arith.constant 5760 : index
    %get3A_683 = arith.constant 0 : index
    %get3A_684 = vector.load %arg4[%get3A_682, %get3A_683] : memref<14336x128xf32, #tpu.memory_space<vmem>>, vector<128x128xf32>
    %mul3A_685 = vector.broadcast %get3A_3 : vector<1x128xf32> to vector<128x128xf32>
    %mul3A_686 = arith.mulf %get3A_684, %mul3A_685 : vector<128x128xf32>
    %broadcast_in_dim3A_687 = vector.shape_cast %ne3A_681 : vector<128x1xi1> to vector<128x1xi1>
    %broadcast_in_dim3A_688 = vector.broadcast %broadcast_in_dim3A_687 : vector<128x1xi1> to vector<128x128xi1>
    %select_n3A_689 = arith.select %broadcast_in_dim3A_688, %mul3A_686, %get3A_684 : vector<128x128xi1>, vector<128x128xf32>
    %swap3A_690 = arith.constant 5760 : index
    %swap3A_691 = arith.constant 0 : index
    %swap3A_692 = vector.load %arg6[%swap3A_690, %swap3A_691] : memref<14336x128xf32, #tpu.memory_space<vmem>>, vector<128x128xf32>
    tpu.vector_store %arg6[%swap3A_690, %swap3A_691], %select_n3A_689 {strides = array<i32>} : memref<14336x128xf32, #tpu.memory_space<vmem>>, vector<128x128xf32>,
    %slice3A_693 = vector.extract_strided_slice %get3A_8 {offsets = [0, 46], sizes = [128, 1], strides = [1, 1]} : vector<128x112xf32> to vector<128x1xf32>
    %ne3A_694 = arith.constant 0.000000e+00 : f32
    %ne3A_695 = vector.broadcast %ne3A_694 : f32 to vector<128x1xf32>
    %ne3A_696 = arith.cmpf one, %slice3A_693, %ne3A_695 : vector<128x1xf32>
    %get3A_697 = arith.constant 5888 : index
    %get3A_698 = arith.constant 0 : index
    %get3A_699 = vector.load %arg4[%get3A_697, %get3A_698] : memref<14336x128xf32, #tpu.memory_space<vmem>>, vector<128x128xf32>
    %mul3A_700 = vector.broadcast %get3A_3 : vector<1x128xf32> to vector<128x128xf32>
    %mul3A_701 = arith.mulf %get3A_699, %mul3A_700 : vector<128x128xf32>
    %broadcast_in_dim3A_702 = vector.shape_cast %ne3A_696 : vector<128x1xi1> to vector<128x1xi1>
    %broadcast_in_dim3A_703 = vector.broadcast %broadcast_in_dim3A_702 : vector<128x1xi1> to vector<128x128xi1>
    %select_n3A_704 = arith.select %broadcast_in_dim3A_703, %mul3A_701, %get3A_699 : vector<128x128xi1>, vector<128x128xf32>
    %swap3A_705 = arith.constant 5888 : index
    %swap3A_706 = arith.constant 0 : index
    %swap3A_707 = vector.load %arg6[%swap3A_705, %swap3A_706] : memref<14336x128xf32, #tpu.memory_space<vmem>>, vector<128x128xf32>
    tpu.vector_store %arg6[%swap3A_705, %swap3A_706], %select_n3A_704 {strides = array<i32>} : memref<14336x128xf32, #tpu.memory_space<vmem>>, vector<128x128xf32>,
    %slice3A_708 = vector.extract_strided_slice %get3A_8 {offsets = [0, 47], sizes = [128, 1], strides = [1, 1]} : vector<128x112xf32> to vector<128x1xf32>
    %ne3A_709 = arith.constant 0.000000e+00 : f32
    %ne3A_710 = vector.broadcast %ne3A_709 : f32 to vector<128x1xf32>
    %ne3A_711 = arith.cmpf one, %slice3A_708, %ne3A_710 : vector<128x1xf32>
    %get3A_712 = arith.constant 6016 : index
    %get3A_713 = arith.constant 0 : index
    %get3A_714 = vector.load %arg4[%get3A_712, %get3A_713] : memref<14336x128xf32, #tpu.memory_space<vmem>>, vector<128x128xf32>
    %mul3A_715 = vector.broadcast %get3A_3 : vector<1x128xf32> to vector<128x128xf32>
    %mul3A_716 = arith.mulf %get3A_714, %mul3A_715 : vector<128x128xf32>
    %broadcast_in_dim3A_717 = vector.shape_cast %ne3A_711 : vector<128x1xi1> to vector<128x1xi1>
    %broadcast_in_dim3A_718 = vector.broadcast %broadcast_in_dim3A_717 : vector<128x1xi1> to vector<128x128xi1>
    %select_n3A_719 = arith.select %broadcast_in_dim3A_718, %mul3A_716, %get3A_714 : vector<128x128xi1>, vector<128x128xf32>
    %swap3A_720 = arith.constant 6016 : index
    %swap3A_721 = arith.constant 0 : index
    %swap3A_722 = vector.load %arg6[%swap3A_720, %swap3A_721] : memref<14336x128xf32, #tpu.memory_space<vmem>>, vector<128x128xf32>
    tpu.vector_store %arg6[%swap3A_720, %swap3A_721], %select_n3A_719 {strides = array<i32>} : memref<14336x128xf32, #tpu.memory_space<vmem>>, vector<128x128xf32>,
    %slice3A_723 = vector.extract_strided_slice %get3A_8 {offsets = [0, 48], sizes = [128, 1], strides = [1, 1]} : vector<128x112xf32> to vector<128x1xf32>
    %ne3A_724 = arith.constant 0.000000e+00 : f32
    %ne3A_725 = vector.broadcast %ne3A_724 : f32 to vector<128x1xf32>
    %ne3A_726 = arith.cmpf one, %slice3A_723, %ne3A_725 : vector<128x1xf32>
    %get3A_727 = arith.constant 6144 : index
    %get3A_728 = arith.constant 0 : index
    %get3A_729 = vector.load %arg4[%get3A_727, %get3A_728] : memref<14336x128xf32, #tpu.memory_space<vmem>>, vector<128x128xf32>
    %mul3A_730 = vector.broadcast %get3A_3 : vector<1x128xf32> to vector<128x128xf32>
    %mul3A_731 = arith.mulf %get3A_729, %mul3A_730 : vector<128x128xf32>
    %broadcast_in_dim3A_732 = vector.shape_cast %ne3A_726 : vector<128x1xi1> to vector<128x1xi1>
    %broadcast_in_dim3A_733 = vector.broadcast %broadcast_in_dim3A_732 : vector<128x1xi1> to vector<128x128xi1>
    %select_n3A_734 = arith.select %broadcast_in_dim3A_733, %mul3A_731, %get3A_729 : vector<128x128xi1>, vector<128x128xf32>
    %swap3A_735 = arith.constant 6144 : index
    %swap3A_736 = arith.constant 0 : index
    %swap3A_737 = vector.load %arg6[%swap3A_735, %swap3A_736] : memref<14336x128xf32, #tpu.memory_space<vmem>>, vector<128x128xf32>
    tpu.vector_store %arg6[%swap3A_735, %swap3A_736], %select_n3A_734 {strides = array<i32>} : memref<14336x128xf32, #tpu.memory_space<vmem>>, vector<128x128xf32>,
    %slice3A_738 = vector.extract_strided_slice %get3A_8 {offsets = [0, 49], sizes = [128, 1], strides = [1, 1]} : vector<128x112xf32> to vector<128x1xf32>
    %ne3A_739 = arith.constant 0.000000e+00 : f32
    %ne3A_740 = vector.broadcast %ne3A_739 : f32 to vector<128x1xf32>
    %ne3A_741 = arith.cmpf one, %slice3A_738, %ne3A_740 : vector<128x1xf32>
    %get3A_742 = arith.constant 6272 : index
    %get3A_743 = arith.constant 0 : index
    %get3A_744 = vector.load %arg4[%get3A_742, %get3A_743] : memref<14336x128xf32, #tpu.memory_space<vmem>>, vector<128x128xf32>
    %mul3A_745 = vector.broadcast %get3A_3 : vector<1x128xf32> to vector<128x128xf32>
    %mul3A_746 = arith.mulf %get3A_744, %mul3A_745 : vector<128x128xf32>
    %broadcast_in_dim3A_747 = vector.shape_cast %ne3A_741 : vector<128x1xi1> to vector<128x1xi1>
    %broadcast_in_dim3A_748 = vector.broadcast %broadcast_in_dim3A_747 : vector<128x1xi1> to vector<128x128xi1>
    %select_n3A_749 = arith.select %broadcast_in_dim3A_748, %mul3A_746, %get3A_744 : vector<128x128xi1>, vector<128x128xf32>
    %swap3A_750 = arith.constant 6272 : index
    %swap3A_751 = arith.constant 0 : index
    %swap3A_752 = vector.load %arg6[%swap3A_750, %swap3A_751] : memref<14336x128xf32, #tpu.memory_space<vmem>>, vector<128x128xf32>
    tpu.vector_store %arg6[%swap3A_750, %swap3A_751], %select_n3A_749 {strides = array<i32>} : memref<14336x128xf32, #tpu.memory_space<vmem>>, vector<128x128xf32>,
    %slice3A_753 = vector.extract_strided_slice %get3A_8 {offsets = [0, 50], sizes = [128, 1], strides = [1, 1]} : vector<128x112xf32> to vector<128x1xf32>
    %ne3A_754 = arith.constant 0.000000e+00 : f32
    %ne3A_755 = vector.broadcast %ne3A_754 : f32 to vector<128x1xf32>
    %ne3A_756 = arith.cmpf one, %slice3A_753, %ne3A_755 : vector<128x1xf32>
    %get3A_757 = arith.constant 6400 : index
    %get3A_758 = arith.constant 0 : index
    %get3A_759 = vector.load %arg4[%get3A_757, %get3A_758] : memref<14336x128xf32, #tpu.memory_space<vmem>>, vector<128x128xf32>
    %mul3A_760 = vector.broadcast %get3A_3 : vector<1x128xf32> to vector<128x128xf32>
    %mul3A_761 = arith.mulf %get3A_759, %mul3A_760 : vector<128x128xf32>
    %broadcast_in_dim3A_762 = vector.shape_cast %ne3A_756 : vector<128x1xi1> to vector<128x1xi1>
    %broadcast_in_dim3A_763 = vector.broadcast %broadcast_in_dim3A_762 : vector<128x1xi1> to vector<128x128xi1>
    %select_n3A_764 = arith.select %broadcast_in_dim3A_763, %mul3A_761, %get3A_759 : vector<128x128xi1>, vector<128x128xf32>
    %swap3A_765 = arith.constant 6400 : index
    %swap3A_766 = arith.constant 0 : index
    %swap3A_767 = vector.load %arg6[%swap3A_765, %swap3A_766] : memref<14336x128xf32, #tpu.memory_space<vmem>>, vector<128x128xf32>
    tpu.vector_store %arg6[%swap3A_765, %swap3A_766], %select_n3A_764 {strides = array<i32>} : memref<14336x128xf32, #tpu.memory_space<vmem>>, vector<128x128xf32>,
    %slice3A_768 = vector.extract_strided_slice %get3A_8 {offsets = [0, 51], sizes = [128, 1], strides = [1, 1]} : vector<128x112xf32> to vector<128x1xf32>
    %ne3A_769 = arith.constant 0.000000e+00 : f32
    %ne3A_770 = vector.broadcast %ne3A_769 : f32 to vector<128x1xf32>
    %ne3A_771 = arith.cmpf one, %slice3A_768, %ne3A_770 : vector<128x1xf32>
    %get3A_772 = arith.constant 6528 : index
    %get3A_773 = arith.constant 0 : index
    %get3A_774 = vector.load %arg4[%get3A_772, %get3A_773] : memref<14336x128xf32, #tpu.memory_space<vmem>>, vector<128x128xf32>
    %mul3A_775 = vector.broadcast %get3A_3 : vector<1x128xf32> to vector<128x128xf32>
    %mul3A_776 = arith.mulf %get3A_774, %mul3A_775 : vector<128x128xf32>
    %broadcast_in_dim3A_777 = vector.shape_cast %ne3A_771 : vector<128x1xi1> to vector<128x1xi1>
    %broadcast_in_dim3A_778 = vector.broadcast %broadcast_in_dim3A_777 : vector<128x1xi1> to vector<128x128xi1>
    %select_n3A_779 = arith.select %broadcast_in_dim3A_778, %mul3A_776, %get3A_774 : vector<128x128xi1>, vector<128x128xf32>
    %swap3A_780 = arith.constant 6528 : index
    %swap3A_781 = arith.constant 0 : index
    %swap3A_782 = vector.load %arg6[%swap3A_780, %swap3A_781] : memref<14336x128xf32, #tpu.memory_space<vmem>>, vector<128x128xf32>
    tpu.vector_store %arg6[%swap3A_780, %swap3A_781], %select_n3A_779 {strides = array<i32>} : memref<14336x128xf32, #tpu.memory_space<vmem>>, vector<128x128xf32>,
    %slice3A_783 = vector.extract_strided_slice %get3A_8 {offsets = [0, 52], sizes = [128, 1], strides = [1, 1]} : vector<128x112xf32> to vector<128x1xf32>
    %ne3A_784 = arith.constant 0.000000e+00 : f32
    %ne3A_785 = vector.broadcast %ne3A_784 : f32 to vector<128x1xf32>
    %ne3A_786 = arith.cmpf one, %slice3A_783, %ne3A_785 : vector<128x1xf32>
    %get3A_787 = arith.constant 6656 : index
    %get3A_788 = arith.constant 0 : index
    %get3A_789 = vector.load %arg4[%get3A_787, %get3A_788] : memref<14336x128xf32, #tpu.memory_space<vmem>>, vector<128x128xf32>
    %mul3A_790 = vector.broadcast %get3A_3 : vector<1x128xf32> to vector<128x128xf32>
    %mul3A_791 = arith.mulf %get3A_789, %mul3A_790 : vector<128x128xf32>
    %broadcast_in_dim3A_792 = vector.shape_cast %ne3A_786 : vector<128x1xi1> to vector<128x1xi1>
    %broadcast_in_dim3A_793 = vector.broadcast %broadcast_in_dim3A_792 : vector<128x1xi1> to vector<128x128xi1>
    %select_n3A_794 = arith.select %broadcast_in_dim3A_793, %mul3A_791, %get3A_789 : vector<128x128xi1>, vector<128x128xf32>
    %swap3A_795 = arith.constant 6656 : index
    %swap3A_796 = arith.constant 0 : index
    %swap3A_797 = vector.load %arg6[%swap3A_795, %swap3A_796] : memref<14336x128xf32, #tpu.memory_space<vmem>>, vector<128x128xf32>
    tpu.vector_store %arg6[%swap3A_795, %swap3A_796], %select_n3A_794 {strides = array<i32>} : memref<14336x128xf32, #tpu.memory_space<vmem>>, vector<128x128xf32>,
    %slice3A_798 = vector.extract_strided_slice %get3A_8 {offsets = [0, 53], sizes = [128, 1], strides = [1, 1]} : vector<128x112xf32> to vector<128x1xf32>
    %ne3A_799 = arith.constant 0.000000e+00 : f32
    %ne3A_800 = vector.broadcast %ne3A_799 : f32 to vector<128x1xf32>
    %ne3A_801 = arith.cmpf one, %slice3A_798, %ne3A_800 : vector<128x1xf32>
    %get3A_802 = arith.constant 6784 : index
    %get3A_803 = arith.constant 0 : index
    %get3A_804 = vector.load %arg4[%get3A_802, %get3A_803] : memref<14336x128xf32, #tpu.memory_space<vmem>>, vector<128x128xf32>
    %mul3A_805 = vector.broadcast %get3A_3 : vector<1x128xf32> to vector<128x128xf32>
    %mul3A_806 = arith.mulf %get3A_804, %mul3A_805 : vector<128x128xf32>
    %broadcast_in_dim3A_807 = vector.shape_cast %ne3A_801 : vector<128x1xi1> to vector<128x1xi1>
    %broadcast_in_dim3A_808 = vector.broadcast %broadcast_in_dim3A_807 : vector<128x1xi1> to vector<128x128xi1>
    %select_n3A_809 = arith.select %broadcast_in_dim3A_808, %mul3A_806, %get3A_804 : vector<128x128xi1>, vector<128x128xf32>
    %swap3A_810 = arith.constant 6784 : index
    %swap3A_811 = arith.constant 0 : index
    %swap3A_812 = vector.load %arg6[%swap3A_810, %swap3A_811] : memref<14336x128xf32, #tpu.memory_space<vmem>>, vector<128x128xf32>
    tpu.vector_store %arg6[%swap3A_810, %swap3A_811], %select_n3A_809 {strides = array<i32>} : memref<14336x128xf32, #tpu.memory_space<vmem>>, vector<128x128xf32>,
    %slice3A_813 = vector.extract_strided_slice %get3A_8 {offsets = [0, 54], sizes = [128, 1], strides = [1, 1]} : vector<128x112xf32> to vector<128x1xf32>
    %ne3A_814 = arith.constant 0.000000e+00 : f32
    %ne3A_815 = vector.broadcast %ne3A_814 : f32 to vector<128x1xf32>
    %ne3A_816 = arith.cmpf one, %slice3A_813, %ne3A_815 : vector<128x1xf32>
    %get3A_817 = arith.constant 6912 : index
    %get3A_818 = arith.constant 0 : index
    %get3A_819 = vector.load %arg4[%get3A_817, %get3A_818] : memref<14336x128xf32, #tpu.memory_space<vmem>>, vector<128x128xf32>
    %mul3A_820 = vector.broadcast %get3A_3 : vector<1x128xf32> to vector<128x128xf32>
    %mul3A_821 = arith.mulf %get3A_819, %mul3A_820 : vector<128x128xf32>
    %broadcast_in_dim3A_822 = vector.shape_cast %ne3A_816 : vector<128x1xi1> to vector<128x1xi1>
    %broadcast_in_dim3A_823 = vector.broadcast %broadcast_in_dim3A_822 : vector<128x1xi1> to vector<128x128xi1>
    %select_n3A_824 = arith.select %broadcast_in_dim3A_823, %mul3A_821, %get3A_819 : vector<128x128xi1>, vector<128x128xf32>
    %swap3A_825 = arith.constant 6912 : index
    %swap3A_826 = arith.constant 0 : index
    %swap3A_827 = vector.load %arg6[%swap3A_825, %swap3A_826] : memref<14336x128xf32, #tpu.memory_space<vmem>>, vector<128x128xf32>
    tpu.vector_store %arg6[%swap3A_825, %swap3A_826], %select_n3A_824 {strides = array<i32>} : memref<14336x128xf32, #tpu.memory_space<vmem>>, vector<128x128xf32>,
    %slice3A_828 = vector.extract_strided_slice %get3A_8 {offsets = [0, 55], sizes = [128, 1], strides = [1, 1]} : vector<128x112xf32> to vector<128x1xf32>
    %ne3A_829 = arith.constant 0.000000e+00 : f32
    %ne3A_830 = vector.broadcast %ne3A_829 : f32 to vector<128x1xf32>
    %ne3A_831 = arith.cmpf one, %slice3A_828, %ne3A_830 : vector<128x1xf32>
    %get3A_832 = arith.constant 7040 : index
    %get3A_833 = arith.constant 0 : index
    %get3A_834 = vector.load %arg4[%get3A_832, %get3A_833] : memref<14336x128xf32, #tpu.memory_space<vmem>>, vector<128x128xf32>
    %mul3A_835 = vector.broadcast %get3A_3 : vector<1x128xf32> to vector<128x128xf32>
    %mul3A_836 = arith.mulf %get3A_834, %mul3A_835 : vector<128x128xf32>
    %broadcast_in_dim3A_837 = vector.shape_cast %ne3A_831 : vector<128x1xi1> to vector<128x1xi1>
    %broadcast_in_dim3A_838 = vector.broadcast %broadcast_in_dim3A_837 : vector<128x1xi1> to vector<128x128xi1>
    %select_n3A_839 = arith.select %broadcast_in_dim3A_838, %mul3A_836, %get3A_834 : vector<128x128xi1>, vector<128x128xf32>
    %swap3A_840 = arith.constant 7040 : index
    %swap3A_841 = arith.constant 0 : index
    %swap3A_842 = vector.load %arg6[%swap3A_840, %swap3A_841] : memref<14336x128xf32, #tpu.memory_space<vmem>>, vector<128x128xf32>
    tpu.vector_store %arg6[%swap3A_840, %swap3A_841], %select_n3A_839 {strides = array<i32>} : memref<14336x128xf32, #tpu.memory_space<vmem>>, vector<128x128xf32>,
    %slice3A_843 = vector.extract_strided_slice %get3A_8 {offsets = [0, 56], sizes = [128, 1], strides = [1, 1]} : vector<128x112xf32> to vector<128x1xf32>
    %ne3A_844 = arith.constant 0.000000e+00 : f32
    %ne3A_845 = vector.broadcast %ne3A_844 : f32 to vector<128x1xf32>
    %ne3A_846 = arith.cmpf one, %slice3A_843, %ne3A_845 : vector<128x1xf32>
    %get3A_847 = arith.constant 7168 : index
    %get3A_848 = arith.constant 0 : index
    %get3A_849 = vector.load %arg4[%get3A_847, %get3A_848] : memref<14336x128xf32, #tpu.memory_space<vmem>>, vector<128x128xf32>
    %mul3A_850 = vector.broadcast %get3A_3 : vector<1x128xf32> to vector<128x128xf32>
    %mul3A_851 = arith.mulf %get3A_849, %mul3A_850 : vector<128x128xf32>
    %broadcast_in_dim3A_852 = vector.shape_cast %ne3A_846 : vector<128x1xi1> to vector<128x1xi1>
    %broadcast_in_dim3A_853 = vector.broadcast %broadcast_in_dim3A_852 : vector<128x1xi1> to vector<128x128xi1>
    %select_n3A_854 = arith.select %broadcast_in_dim3A_853, %mul3A_851, %get3A_849 : vector<128x128xi1>, vector<128x128xf32>
    %swap3A_855 = arith.constant 7168 : index
    %swap3A_856 = arith.constant 0 : index
    %swap3A_857 = vector.load %arg6[%swap3A_855, %swap3A_856] : memref<14336x128xf32, #tpu.memory_space<vmem>>, vector<128x128xf32>
    tpu.vector_store %arg6[%swap3A_855, %swap3A_856], %select_n3A_854 {strides = array<i32>} : memref<14336x128xf32, #tpu.memory_space<vmem>>, vector<128x128xf32>,
    %slice3A_858 = vector.extract_strided_slice %get3A_8 {offsets = [0, 57], sizes = [128, 1], strides = [1, 1]} : vector<128x112xf32> to vector<128x1xf32>
    %ne3A_859 = arith.constant 0.000000e+00 : f32
    %ne3A_860 = vector.broadcast %ne3A_859 : f32 to vector<128x1xf32>
    %ne3A_861 = arith.cmpf one, %slice3A_858, %ne3A_860 : vector<128x1xf32>
    %get3A_862 = arith.constant 7296 : index
    %get3A_863 = arith.constant 0 : index
    %get3A_864 = vector.load %arg4[%get3A_862, %get3A_863] : memref<14336x128xf32, #tpu.memory_space<vmem>>, vector<128x128xf32>
    %mul3A_865 = vector.broadcast %get3A_3 : vector<1x128xf32> to vector<128x128xf32>
    %mul3A_866 = arith.mulf %get3A_864, %mul3A_865 : vector<128x128xf32>
    %broadcast_in_dim3A_867 = vector.shape_cast %ne3A_861 : vector<128x1xi1> to vector<128x1xi1>
    %broadcast_in_dim3A_868 = vector.broadcast %broadcast_in_dim3A_867 : vector<128x1xi1> to vector<128x128xi1>
    %select_n3A_869 = arith.select %broadcast_in_dim3A_868, %mul3A_866, %get3A_864 : vector<128x128xi1>, vector<128x128xf32>
    %swap3A_870 = arith.constant 7296 : index
    %swap3A_871 = arith.constant 0 : index
    %swap3A_872 = vector.load %arg6[%swap3A_870, %swap3A_871] : memref<14336x128xf32, #tpu.memory_space<vmem>>, vector<128x128xf32>
    tpu.vector_store %arg6[%swap3A_870, %swap3A_871], %select_n3A_869 {strides = array<i32>} : memref<14336x128xf32, #tpu.memory_space<vmem>>, vector<128x128xf32>,
    %slice3A_873 = vector.extract_strided_slice %get3A_8 {offsets = [0, 58], sizes = [128, 1], strides = [1, 1]} : vector<128x112xf32> to vector<128x1xf32>
    %ne3A_874 = arith.constant 0.000000e+00 : f32
    %ne3A_875 = vector.broadcast %ne3A_874 : f32 to vector<128x1xf32>
    %ne3A_876 = arith.cmpf one, %slice3A_873, %ne3A_875 : vector<128x1xf32>
    %get3A_877 = arith.constant 7424 : index
    %get3A_878 = arith.constant 0 : index
    %get3A_879 = vector.load %arg4[%get3A_877, %get3A_878] : memref<14336x128xf32, #tpu.memory_space<vmem>>, vector<128x128xf32>
    %mul3A_880 = vector.broadcast %get3A_3 : vector<1x128xf32> to vector<128x128xf32>
    %mul3A_881 = arith.mulf %get3A_879, %mul3A_880 : vector<128x128xf32>
    %broadcast_in_dim3A_882 = vector.shape_cast %ne3A_876 : vector<128x1xi1> to vector<128x1xi1>
    %broadcast_in_dim3A_883 = vector.broadcast %broadcast_in_dim3A_882 : vector<128x1xi1> to vector<128x128xi1>
    %select_n3A_884 = arith.select %broadcast_in_dim3A_883, %mul3A_881, %get3A_879 : vector<128x128xi1>, vector<128x128xf32>
    %swap3A_885 = arith.constant 7424 : index
    %swap3A_886 = arith.constant 0 : index
    %swap3A_887 = vector.load %arg6[%swap3A_885, %swap3A_886] : memref<14336x128xf32, #tpu.memory_space<vmem>>, vector<128x128xf32>
    tpu.vector_store %arg6[%swap3A_885, %swap3A_886], %select_n3A_884 {strides = array<i32>} : memref<14336x128xf32, #tpu.memory_space<vmem>>, vector<128x128xf32>,
    %slice3A_888 = vector.extract_strided_slice %get3A_8 {offsets = [0, 59], sizes = [128, 1], strides = [1, 1]} : vector<128x112xf32> to vector<128x1xf32>
    %ne3A_889 = arith.constant 0.000000e+00 : f32
    %ne3A_890 = vector.broadcast %ne3A_889 : f32 to vector<128x1xf32>
    %ne3A_891 = arith.cmpf one, %slice3A_888, %ne3A_890 : vector<128x1xf32>
    %get3A_892 = arith.constant 7552 : index
    %get3A_893 = arith.constant 0 : index
    %get3A_894 = vector.load %arg4[%get3A_892, %get3A_893] : memref<14336x128xf32, #tpu.memory_space<vmem>>, vector<128x128xf32>
    %mul3A_895 = vector.broadcast %get3A_3 : vector<1x128xf32> to vector<128x128xf32>
    %mul3A_896 = arith.mulf %get3A_894, %mul3A_895 : vector<128x128xf32>
    %broadcast_in_dim3A_897 = vector.shape_cast %ne3A_891 : vector<128x1xi1> to vector<128x1xi1>
    %broadcast_in_dim3A_898 = vector.broadcast %broadcast_in_dim3A_897 : vector<128x1xi1> to vector<128x128xi1>
    %select_n3A_899 = arith.select %broadcast_in_dim3A_898, %mul3A_896, %get3A_894 : vector<128x128xi1>, vector<128x128xf32>
    %swap3A_900 = arith.constant 7552 : index
    %swap3A_901 = arith.constant 0 : index
    %swap3A_902 = vector.load %arg6[%swap3A_900, %swap3A_901] : memref<14336x128xf32, #tpu.memory_space<vmem>>, vector<128x128xf32>
    tpu.vector_store %arg6[%swap3A_900, %swap3A_901], %select_n3A_899 {strides = array<i32>} : memref<14336x128xf32, #tpu.memory_space<vmem>>, vector<128x128xf32>,
    %slice3A_903 = vector.extract_strided_slice %get3A_8 {offsets = [0, 60], sizes = [128, 1], strides = [1, 1]} : vector<128x112xf32> to vector<128x1xf32>
    %ne3A_904 = arith.constant 0.000000e+00 : f32
    %ne3A_905 = vector.broadcast %ne3A_904 : f32 to vector<128x1xf32>
    %ne3A_906 = arith.cmpf one, %slice3A_903, %ne3A_905 : vector<128x1xf32>
    %get3A_907 = arith.constant 7680 : index
    %get3A_908 = arith.constant 0 : index
    %get3A_909 = vector.load %arg4[%get3A_907, %get3A_908] : memref<14336x128xf32, #tpu.memory_space<vmem>>, vector<128x128xf32>
    %mul3A_910 = vector.broadcast %get3A_3 : vector<1x128xf32> to vector<128x128xf32>
    %mul3A_911 = arith.mulf %get3A_909, %mul3A_910 : vector<128x128xf32>
    %broadcast_in_dim3A_912 = vector.shape_cast %ne3A_906 : vector<128x1xi1> to vector<128x1xi1>
    %broadcast_in_dim3A_913 = vector.broadcast %broadcast_in_dim3A_912 : vector<128x1xi1> to vector<128x128xi1>
    %select_n3A_914 = arith.select %broadcast_in_dim3A_913, %mul3A_911, %get3A_909 : vector<128x128xi1>, vector<128x128xf32>
    %swap3A_915 = arith.constant 7680 : index
    %swap3A_916 = arith.constant 0 : index
    %swap3A_917 = vector.load %arg6[%swap3A_915, %swap3A_916] : memref<14336x128xf32, #tpu.memory_space<vmem>>, vector<128x128xf32>
    tpu.vector_store %arg6[%swap3A_915, %swap3A_916], %select_n3A_914 {strides = array<i32>} : memref<14336x128xf32, #tpu.memory_space<vmem>>, vector<128x128xf32>,
    %slice3A_918 = vector.extract_strided_slice %get3A_8 {offsets = [0, 61], sizes = [128, 1], strides = [1, 1]} : vector<128x112xf32> to vector<128x1xf32>
    %ne3A_919 = arith.constant 0.000000e+00 : f32
    %ne3A_920 = vector.broadcast %ne3A_919 : f32 to vector<128x1xf32>
    %ne3A_921 = arith.cmpf one, %slice3A_918, %ne3A_920 : vector<128x1xf32>
    %get3A_922 = arith.constant 7808 : index
    %get3A_923 = arith.constant 0 : index
    %get3A_924 = vector.load %arg4[%get3A_922, %get3A_923] : memref<14336x128xf32, #tpu.memory_space<vmem>>, vector<128x128xf32>
    %mul3A_925 = vector.broadcast %get3A_3 : vector<1x128xf32> to vector<128x128xf32>
    %mul3A_926 = arith.mulf %get3A_924, %mul3A_925 : vector<128x128xf32>
    %broadcast_in_dim3A_927 = vector.shape_cast %ne3A_921 : vector<128x1xi1> to vector<128x1xi1>
    %broadcast_in_dim3A_928 = vector.broadcast %broadcast_in_dim3A_927 : vector<128x1xi1> to vector<128x128xi1>
    %select_n3A_929 = arith.select %broadcast_in_dim3A_928, %mul3A_926, %get3A_924 : vector<128x128xi1>, vector<128x128xf32>
    %swap3A_930 = arith.constant 7808 : index
    %swap3A_931 = arith.constant 0 : index
    %swap3A_932 = vector.load %arg6[%swap3A_930, %swap3A_931] : memref<14336x128xf32, #tpu.memory_space<vmem>>, vector<128x128xf32>
    tpu.vector_store %arg6[%swap3A_930, %swap3A_931], %select_n3A_929 {strides = array<i32>} : memref<14336x128xf32, #tpu.memory_space<vmem>>, vector<128x128xf32>,
    %slice3A_933 = vector.extract_strided_slice %get3A_8 {offsets = [0, 62], sizes = [128, 1], strides = [1, 1]} : vector<128x112xf32> to vector<128x1xf32>
    %ne3A_934 = arith.constant 0.000000e+00 : f32
    %ne3A_935 = vector.broadcast %ne3A_934 : f32 to vector<128x1xf32>
    %ne3A_936 = arith.cmpf one, %slice3A_933, %ne3A_935 : vector<128x1xf32>
    %get3A_937 = arith.constant 7936 : index
    %get3A_938 = arith.constant 0 : index
    %get3A_939 = vector.load %arg4[%get3A_937, %get3A_938] : memref<14336x128xf32, #tpu.memory_space<vmem>>, vector<128x128xf32>
    %mul3A_940 = vector.broadcast %get3A_3 : vector<1x128xf32> to vector<128x128xf32>
    %mul3A_941 = arith.mulf %get3A_939, %mul3A_940 : vector<128x128xf32>
    %broadcast_in_dim3A_942 = vector.shape_cast %ne3A_936 : vector<128x1xi1> to vector<128x1xi1>
    %broadcast_in_dim3A_943 = vector.broadcast %broadcast_in_dim3A_942 : vector<128x1xi1> to vector<128x128xi1>
    %select_n3A_944 = arith.select %broadcast_in_dim3A_943, %mul3A_941, %get3A_939 : vector<128x128xi1>, vector<128x128xf32>
    %swap3A_945 = arith.constant 7936 : index
    %swap3A_946 = arith.constant 0 : index
    %swap3A_947 = vector.load %arg6[%swap3A_945, %swap3A_946] : memref<14336x128xf32, #tpu.memory_space<vmem>>, vector<128x128xf32>
    tpu.vector_store %arg6[%swap3A_945, %swap3A_946], %select_n3A_944 {strides = array<i32>} : memref<14336x128xf32, #tpu.memory_space<vmem>>, vector<128x128xf32>,
    %slice3A_948 = vector.extract_strided_slice %get3A_8 {offsets = [0, 63], sizes = [128, 1], strides = [1, 1]} : vector<128x112xf32> to vector<128x1xf32>
    %ne3A_949 = arith.constant 0.000000e+00 : f32
    %ne3A_950 = vector.broadcast %ne3A_949 : f32 to vector<128x1xf32>
    %ne3A_951 = arith.cmpf one, %slice3A_948, %ne3A_950 : vector<128x1xf32>
    %get3A_952 = arith.constant 8064 : index
    %get3A_953 = arith.constant 0 : index
    %get3A_954 = vector.load %arg4[%get3A_952, %get3A_953] : memref<14336x128xf32, #tpu.memory_space<vmem>>, vector<128x128xf32>
    %mul3A_955 = vector.broadcast %get3A_3 : vector<1x128xf32> to vector<128x128xf32>
    %mul3A_956 = arith.mulf %get3A_954, %mul3A_955 : vector<128x128xf32>
    %broadcast_in_dim3A_957 = vector.shape_cast %ne3A_951 : vector<128x1xi1> to vector<128x1xi1>
    %broadcast_in_dim3A_958 = vector.broadcast %broadcast_in_dim3A_957 : vector<128x1xi1> to vector<128x128xi1>
    %select_n3A_959 = arith.select %broadcast_in_dim3A_958, %mul3A_956, %get3A_954 : vector<128x128xi1>, vector<128x128xf32>
    %swap3A_960 = arith.constant 8064 : index
    %swap3A_961 = arith.constant 0 : index
    %swap3A_962 = vector.load %arg6[%swap3A_960, %swap3A_961] : memref<14336x128xf32, #tpu.memory_space<vmem>>, vector<128x128xf32>
    tpu.vector_store %arg6[%swap3A_960, %swap3A_961], %select_n3A_959 {strides = array<i32>} : memref<14336x128xf32, #tpu.memory_space<vmem>>, vector<128x128xf32>,
    %slice3A_963 = vector.extract_strided_slice %get3A_8 {offsets = [0, 64], sizes = [128, 1], strides = [1, 1]} : vector<128x112xf32> to vector<128x1xf32>
    %ne3A_964 = arith.constant 0.000000e+00 : f32
    %ne3A_965 = vector.broadcast %ne3A_964 : f32 to vector<128x1xf32>
    %ne3A_966 = arith.cmpf one, %slice3A_963, %ne3A_965 : vector<128x1xf32>
    %get3A_967 = arith.constant 8192 : index
    %get3A_968 = arith.constant 0 : index
    %get3A_969 = vector.load %arg4[%get3A_967, %get3A_968] : memref<14336x128xf32, #tpu.memory_space<vmem>>, vector<128x128xf32>
    %mul3A_970 = vector.broadcast %get3A_3 : vector<1x128xf32> to vector<128x128xf32>
    %mul3A_971 = arith.mulf %get3A_969, %mul3A_970 : vector<128x128xf32>
    %broadcast_in_dim3A_972 = vector.shape_cast %ne3A_966 : vector<128x1xi1> to vector<128x1xi1>
    %broadcast_in_dim3A_973 = vector.broadcast %broadcast_in_dim3A_972 : vector<128x1xi1> to vector<128x128xi1>
    %select_n3A_974 = arith.select %broadcast_in_dim3A_973, %mul3A_971, %get3A_969 : vector<128x128xi1>, vector<128x128xf32>
    %swap3A_975 = arith.constant 8192 : index
    %swap3A_976 = arith.constant 0 : index
    %swap3A_977 = vector.load %arg6[%swap3A_975, %swap3A_976] : memref<14336x128xf32, #tpu.memory_space<vmem>>, vector<128x128xf32>
    tpu.vector_store %arg6[%swap3A_975, %swap3A_976], %select_n3A_974 {strides = array<i32>} : memref<14336x128xf32, #tpu.memory_space<vmem>>, vector<128x128xf32>,
    %slice3A_978 = vector.extract_strided_slice %get3A_8 {offsets = [0, 65], sizes = [128, 1], strides = [1, 1]} : vector<128x112xf32> to vector<128x1xf32>
    %ne3A_979 = arith.constant 0.000000e+00 : f32
    %ne3A_980 = vector.broadcast %ne3A_979 : f32 to vector<128x1xf32>
    %ne3A_981 = arith.cmpf one, %slice3A_978, %ne3A_980 : vector<128x1xf32>
    %get3A_982 = arith.constant 8320 : index
    %get3A_983 = arith.constant 0 : index
    %get3A_984 = vector.load %arg4[%get3A_982, %get3A_983] : memref<14336x128xf32, #tpu.memory_space<vmem>>, vector<128x128xf32>
    %mul3A_985 = vector.broadcast %get3A_3 : vector<1x128xf32> to vector<128x128xf32>
    %mul3A_986 = arith.mulf %get3A_984, %mul3A_985 : vector<128x128xf32>
    %broadcast_in_dim3A_987 = vector.shape_cast %ne3A_981 : vector<128x1xi1> to vector<128x1xi1>
    %broadcast_in_dim3A_988 = vector.broadcast %broadcast_in_dim3A_987 : vector<128x1xi1> to vector<128x128xi1>
    %select_n3A_989 = arith.select %broadcast_in_dim3A_988, %mul3A_986, %get3A_984 : vector<128x128xi1>, vector<128x128xf32>
    %swap3A_990 = arith.constant 8320 : index
    %swap3A_991 = arith.constant 0 : index
    %swap3A_992 = vector.load %arg6[%swap3A_990, %swap3A_991] : memref<14336x128xf32, #tpu.memory_space<vmem>>, vector<128x128xf32>
    tpu.vector_store %arg6[%swap3A_990, %swap3A_991], %select_n3A_989 {strides = array<i32>} : memref<14336x128xf32, #tpu.memory_space<vmem>>, vector<128x128xf32>,
    %slice3A_993 = vector.extract_strided_slice %get3A_8 {offsets = [0, 66], sizes = [128, 1], strides = [1, 1]} : vector<128x112xf32> to vector<128x1xf32>
    %ne3A_994 = arith.constant 0.000000e+00 : f32
    %ne3A_995 = vector.broadcast %ne3A_994 : f32 to vector<128x1xf32>
    %ne3A_996 = arith.cmpf one, %slice3A_993, %ne3A_995 : vector<128x1xf32>
    %get3A_997 = arith.constant 8448 : index
    %get3A_998 = arith.constant 0 : index
    %get3A_999 = vector.load %arg4[%get3A_997, %get3A_998] : memref<14336x128xf32, #tpu.memory_space<vmem>>, vector<128x128xf32>
    %mul3A_1000 = vector.broadcast %get3A_3 : vector<1x128xf32> to vector<128x128xf32>
    %mul3A_1001 = arith.mulf %get3A_999, %mul3A_1000 : vector<128x128xf32>
    %broadcast_in_dim3A_1002 = vector.shape_cast %ne3A_996 : vector<128x1xi1> to vector<128x1xi1>
    %broadcast_in_dim3A_1003 = vector.broadcast %broadcast_in_dim3A_1002 : vector<128x1xi1> to vector<128x128xi1>
    %select_n3A_1004 = arith.select %broadcast_in_dim3A_1003, %mul3A_1001, %get3A_999 : vector<128x128xi1>, vector<128x128xf32>
    %swap3A_1005 = arith.constant 8448 : index
    %swap3A_1006 = arith.constant 0 : index
    %swap3A_1007 = vector.load %arg6[%swap3A_1005, %swap3A_1006] : memref<14336x128xf32, #tpu.memory_space<vmem>>, vector<128x128xf32>
    tpu.vector_store %arg6[%swap3A_1005, %swap3A_1006], %select_n3A_1004 {strides = array<i32>} : memref<14336x128xf32, #tpu.memory_space<vmem>>, vector<128x128xf32>,
    %slice3A_1008 = vector.extract_strided_slice %get3A_8 {offsets = [0, 67], sizes = [128, 1], strides = [1, 1]} : vector<128x112xf32> to vector<128x1xf32>
    %ne3A_1009 = arith.constant 0.000000e+00 : f32
    %ne3A_1010 = vector.broadcast %ne3A_1009 : f32 to vector<128x1xf32>
    %ne3A_1011 = arith.cmpf one, %slice3A_1008, %ne3A_1010 : vector<128x1xf32>
    %get3A_1012 = arith.constant 8576 : index
    %get3A_1013 = arith.constant 0 : index
    %get3A_1014 = vector.load %arg4[%get3A_1012, %get3A_1013] : memref<14336x128xf32, #tpu.memory_space<vmem>>, vector<128x128xf32>
    %mul3A_1015 = vector.broadcast %get3A_3 : vector<1x128xf32> to vector<128x128xf32>
    %mul3A_1016 = arith.mulf %get3A_1014, %mul3A_1015 : vector<128x128xf32>
    %broadcast_in_dim3A_1017 = vector.shape_cast %ne3A_1011 : vector<128x1xi1> to vector<128x1xi1>
    %broadcast_in_dim3A_1018 = vector.broadcast %broadcast_in_dim3A_1017 : vector<128x1xi1> to vector<128x128xi1>
    %select_n3A_1019 = arith.select %broadcast_in_dim3A_1018, %mul3A_1016, %get3A_1014 : vector<128x128xi1>, vector<128x128xf32>
    %swap3A_1020 = arith.constant 8576 : index
    %swap3A_1021 = arith.constant 0 : index
    %swap3A_1022 = vector.load %arg6[%swap3A_1020, %swap3A_1021] : memref<14336x128xf32, #tpu.memory_space<vmem>>, vector<128x128xf32>
    tpu.vector_store %arg6[%swap3A_1020, %swap3A_1021], %select_n3A_1019 {strides = array<i32>} : memref<14336x128xf32, #tpu.memory_space<vmem>>, vector<128x128xf32>,
    %slice3A_1023 = vector.extract_strided_slice %get3A_8 {offsets = [0, 68], sizes = [128, 1], strides = [1, 1]} : vector<128x112xf32> to vector<128x1xf32>
    %ne3A_1024 = arith.constant 0.000000e+00 : f32
    %ne3A_1025 = vector.broadcast %ne3A_1024 : f32 to vector<128x1xf32>
    %ne3A_1026 = arith.cmpf one, %slice3A_1023, %ne3A_1025 : vector<128x1xf32>
    %get3A_1027 = arith.constant 8704 : index
    %get3A_1028 = arith.constant 0 : index
    %get3A_1029 = vector.load %arg4[%get3A_1027, %get3A_1028] : memref<14336x128xf32, #tpu.memory_space<vmem>>, vector<128x128xf32>
    %mul3A_1030 = vector.broadcast %get3A_3 : vector<1x128xf32> to vector<128x128xf32>
    %mul3A_1031 = arith.mulf %get3A_1029, %mul3A_1030 : vector<128x128xf32>
    %broadcast_in_dim3A_1032 = vector.shape_cast %ne3A_1026 : vector<128x1xi1> to vector<128x1xi1>
    %broadcast_in_dim3A_1033 = vector.broadcast %broadcast_in_dim3A_1032 : vector<128x1xi1> to vector<128x128xi1>
    %select_n3A_1034 = arith.select %broadcast_in_dim3A_1033, %mul3A_1031, %get3A_1029 : vector<128x128xi1>, vector<128x128xf32>
    %swap3A_1035 = arith.constant 8704 : index
    %swap3A_1036 = arith.constant 0 : index
    %swap3A_1037 = vector.load %arg6[%swap3A_1035, %swap3A_1036] : memref<14336x128xf32, #tpu.memory_space<vmem>>, vector<128x128xf32>
    tpu.vector_store %arg6[%swap3A_1035, %swap3A_1036], %select_n3A_1034 {strides = array<i32>} : memref<14336x128xf32, #tpu.memory_space<vmem>>, vector<128x128xf32>,
    %slice3A_1038 = vector.extract_strided_slice %get3A_8 {offsets = [0, 69], sizes = [128, 1], strides = [1, 1]} : vector<128x112xf32> to vector<128x1xf32>
    %ne3A_1039 = arith.constant 0.000000e+00 : f32
    %ne3A_1040 = vector.broadcast %ne3A_1039 : f32 to vector<128x1xf32>
    %ne3A_1041 = arith.cmpf one, %slice3A_1038, %ne3A_1040 : vector<128x1xf32>
    %get3A_1042 = arith.constant 8832 : index
    %get3A_1043 = arith.constant 0 : index
    %get3A_1044 = vector.load %arg4[%get3A_1042, %get3A_1043] : memref<14336x128xf32, #tpu.memory_space<vmem>>, vector<128x128xf32>
    %mul3A_1045 = vector.broadcast %get3A_3 : vector<1x128xf32> to vector<128x128xf32>
    %mul3A_1046 = arith.mulf %get3A_1044, %mul3A_1045 : vector<128x128xf32>
    %broadcast_in_dim3A_1047 = vector.shape_cast %ne3A_1041 : vector<128x1xi1> to vector<128x1xi1>
    %broadcast_in_dim3A_1048 = vector.broadcast %broadcast_in_dim3A_1047 : vector<128x1xi1> to vector<128x128xi1>
    %select_n3A_1049 = arith.select %broadcast_in_dim3A_1048, %mul3A_1046, %get3A_1044 : vector<128x128xi1>, vector<128x128xf32>
    %swap3A_1050 = arith.constant 8832 : index
    %swap3A_1051 = arith.constant 0 : index
    %swap3A_1052 = vector.load %arg6[%swap3A_1050, %swap3A_1051] : memref<14336x128xf32, #tpu.memory_space<vmem>>, vector<128x128xf32>
    tpu.vector_store %arg6[%swap3A_1050, %swap3A_1051], %select_n3A_1049 {strides = array<i32>} : memref<14336x128xf32, #tpu.memory_space<vmem>>, vector<128x128xf32>,
    %slice3A_1053 = vector.extract_strided_slice %get3A_8 {offsets = [0, 70], sizes = [128, 1], strides = [1, 1]} : vector<128x112xf32> to vector<128x1xf32>
    %ne3A_1054 = arith.constant 0.000000e+00 : f32
    %ne3A_1055 = vector.broadcast %ne3A_1054 : f32 to vector<128x1xf32>
    %ne3A_1056 = arith.cmpf one, %slice3A_1053, %ne3A_1055 : vector<128x1xf32>
    %get3A_1057 = arith.constant 8960 : index
    %get3A_1058 = arith.constant 0 : index
    %get3A_1059 = vector.load %arg4[%get3A_1057, %get3A_1058] : memref<14336x128xf32, #tpu.memory_space<vmem>>, vector<128x128xf32>
    %mul3A_1060 = vector.broadcast %get3A_3 : vector<1x128xf32> to vector<128x128xf32>
    %mul3A_1061 = arith.mulf %get3A_1059, %mul3A_1060 : vector<128x128xf32>
    %broadcast_in_dim3A_1062 = vector.shape_cast %ne3A_1056 : vector<128x1xi1> to vector<128x1xi1>
    %broadcast_in_dim3A_1063 = vector.broadcast %broadcast_in_dim3A_1062 : vector<128x1xi1> to vector<128x128xi1>
    %select_n3A_1064 = arith.select %broadcast_in_dim3A_1063, %mul3A_1061, %get3A_1059 : vector<128x128xi1>, vector<128x128xf32>
    %swap3A_1065 = arith.constant 8960 : index
    %swap3A_1066 = arith.constant 0 : index
    %swap3A_1067 = vector.load %arg6[%swap3A_1065, %swap3A_1066] : memref<14336x128xf32, #tpu.memory_space<vmem>>, vector<128x128xf32>
    tpu.vector_store %arg6[%swap3A_1065, %swap3A_1066], %select_n3A_1064 {strides = array<i32>} : memref<14336x128xf32, #tpu.memory_space<vmem>>, vector<128x128xf32>,
    %slice3A_1068 = vector.extract_strided_slice %get3A_8 {offsets = [0, 71], sizes = [128, 1], strides = [1, 1]} : vector<128x112xf32> to vector<128x1xf32>
    %ne3A_1069 = arith.constant 0.000000e+00 : f32
    %ne3A_1070 = vector.broadcast %ne3A_1069 : f32 to vector<128x1xf32>
    %ne3A_1071 = arith.cmpf one, %slice3A_1068, %ne3A_1070 : vector<128x1xf32>
    %get3A_1072 = arith.constant 9088 : index
    %get3A_1073 = arith.constant 0 : index
    %get3A_1074 = vector.load %arg4[%get3A_1072, %get3A_1073] : memref<14336x128xf32, #tpu.memory_space<vmem>>, vector<128x128xf32>
    %mul3A_1075 = vector.broadcast %get3A_3 : vector<1x128xf32> to vector<128x128xf32>
    %mul3A_1076 = arith.mulf %get3A_1074, %mul3A_1075 : vector<128x128xf32>
    %broadcast_in_dim3A_1077 = vector.shape_cast %ne3A_1071 : vector<128x1xi1> to vector<128x1xi1>
    %broadcast_in_dim3A_1078 = vector.broadcast %broadcast_in_dim3A_1077 : vector<128x1xi1> to vector<128x128xi1>
    %select_n3A_1079 = arith.select %broadcast_in_dim3A_1078, %mul3A_1076, %get3A_1074 : vector<128x128xi1>, vector<128x128xf32>
    %swap3A_1080 = arith.constant 9088 : index
    %swap3A_1081 = arith.constant 0 : index
    %swap3A_1082 = vector.load %arg6[%swap3A_1080, %swap3A_1081] : memref<14336x128xf32, #tpu.memory_space<vmem>>, vector<128x128xf32>
    tpu.vector_store %arg6[%swap3A_1080, %swap3A_1081], %select_n3A_1079 {strides = array<i32>} : memref<14336x128xf32, #tpu.memory_space<vmem>>, vector<128x128xf32>,
    %slice3A_1083 = vector.extract_strided_slice %get3A_8 {offsets = [0, 72], sizes = [128, 1], strides = [1, 1]} : vector<128x112xf32> to vector<128x1xf32>
    %ne3A_1084 = arith.constant 0.000000e+00 : f32
    %ne3A_1085 = vector.broadcast %ne3A_1084 : f32 to vector<128x1xf32>
    %ne3A_1086 = arith.cmpf one, %slice3A_1083, %ne3A_1085 : vector<128x1xf32>
    %get3A_1087 = arith.constant 9216 : index
    %get3A_1088 = arith.constant 0 : index
    %get3A_1089 = vector.load %arg4[%get3A_1087, %get3A_1088] : memref<14336x128xf32, #tpu.memory_space<vmem>>, vector<128x128xf32>
    %mul3A_1090 = vector.broadcast %get3A_3 : vector<1x128xf32> to vector<128x128xf32>
    %mul3A_1091 = arith.mulf %get3A_1089, %mul3A_1090 : vector<128x128xf32>
    %broadcast_in_dim3A_1092 = vector.shape_cast %ne3A_1086 : vector<128x1xi1> to vector<128x1xi1>
    %broadcast_in_dim3A_1093 = vector.broadcast %broadcast_in_dim3A_1092 : vector<128x1xi1> to vector<128x128xi1>
    %select_n3A_1094 = arith.select %broadcast_in_dim3A_1093, %mul3A_1091, %get3A_1089 : vector<128x128xi1>, vector<128x128xf32>
    %swap3A_1095 = arith.constant 9216 : index
    %swap3A_1096 = arith.constant 0 : index
    %swap3A_1097 = vector.load %arg6[%swap3A_1095, %swap3A_1096] : memref<14336x128xf32, #tpu.memory_space<vmem>>, vector<128x128xf32>
    tpu.vector_store %arg6[%swap3A_1095, %swap3A_1096], %select_n3A_1094 {strides = array<i32>} : memref<14336x128xf32, #tpu.memory_space<vmem>>, vector<128x128xf32>,
    %slice3A_1098 = vector.extract_strided_slice %get3A_8 {offsets = [0, 73], sizes = [128, 1], strides = [1, 1]} : vector<128x112xf32> to vector<128x1xf32>
    %ne3A_1099 = arith.constant 0.000000e+00 : f32
    %ne3A_1100 = vector.broadcast %ne3A_1099 : f32 to vector<128x1xf32>
    %ne3A_1101 = arith.cmpf one, %slice3A_1098, %ne3A_1100 : vector<128x1xf32>
    %get3A_1102 = arith.constant 9344 : index
    %get3A_1103 = arith.constant 0 : index
    %get3A_1104 = vector.load %arg4[%get3A_1102, %get3A_1103] : memref<14336x128xf32, #tpu.memory_space<vmem>>, vector<128x128xf32>
    %mul3A_1105 = vector.broadcast %get3A_3 : vector<1x128xf32> to vector<128x128xf32>
    %mul3A_1106 = arith.mulf %get3A_1104, %mul3A_1105 : vector<128x128xf32>
    %broadcast_in_dim3A_1107 = vector.shape_cast %ne3A_1101 : vector<128x1xi1> to vector<128x1xi1>
    %broadcast_in_dim3A_1108 = vector.broadcast %broadcast_in_dim3A_1107 : vector<128x1xi1> to vector<128x128xi1>
    %select_n3A_1109 = arith.select %broadcast_in_dim3A_1108, %mul3A_1106, %get3A_1104 : vector<128x128xi1>, vector<128x128xf32>
    %swap3A_1110 = arith.constant 9344 : index
    %swap3A_1111 = arith.constant 0 : index
    %swap3A_1112 = vector.load %arg6[%swap3A_1110, %swap3A_1111] : memref<14336x128xf32, #tpu.memory_space<vmem>>, vector<128x128xf32>
    tpu.vector_store %arg6[%swap3A_1110, %swap3A_1111], %select_n3A_1109 {strides = array<i32>} : memref<14336x128xf32, #tpu.memory_space<vmem>>, vector<128x128xf32>,
    %slice3A_1113 = vector.extract_strided_slice %get3A_8 {offsets = [0, 74], sizes = [128, 1], strides = [1, 1]} : vector<128x112xf32> to vector<128x1xf32>
    %ne3A_1114 = arith.constant 0.000000e+00 : f32
    %ne3A_1115 = vector.broadcast %ne3A_1114 : f32 to vector<128x1xf32>
    %ne3A_1116 = arith.cmpf one, %slice3A_1113, %ne3A_1115 : vector<128x1xf32>
    %get3A_1117 = arith.constant 9472 : index
    %get3A_1118 = arith.constant 0 : index
    %get3A_1119 = vector.load %arg4[%get3A_1117, %get3A_1118] : memref<14336x128xf32, #tpu.memory_space<vmem>>, vector<128x128xf32>
    %mul3A_1120 = vector.broadcast %get3A_3 : vector<1x128xf32> to vector<128x128xf32>
    %mul3A_1121 = arith.mulf %get3A_1119, %mul3A_1120 : vector<128x128xf32>
    %broadcast_in_dim3A_1122 = vector.shape_cast %ne3A_1116 : vector<128x1xi1> to vector<128x1xi1>
    %broadcast_in_dim3A_1123 = vector.broadcast %broadcast_in_dim3A_1122 : vector<128x1xi1> to vector<128x128xi1>
    %select_n3A_1124 = arith.select %broadcast_in_dim3A_1123, %mul3A_1121, %get3A_1119 : vector<128x128xi1>, vector<128x128xf32>
    %swap3A_1125 = arith.constant 9472 : index
    %swap3A_1126 = arith.constant 0 : index
    %swap3A_1127 = vector.load %arg6[%swap3A_1125, %swap3A_1126] : memref<14336x128xf32, #tpu.memory_space<vmem>>, vector<128x128xf32>
    tpu.vector_store %arg6[%swap3A_1125, %swap3A_1126], %select_n3A_1124 {strides = array<i32>} : memref<14336x128xf32, #tpu.memory_space<vmem>>, vector<128x128xf32>,
    %slice3A_1128 = vector.extract_strided_slice %get3A_8 {offsets = [0, 75], sizes = [128, 1], strides = [1, 1]} : vector<128x112xf32> to vector<128x1xf32>
    %ne3A_1129 = arith.constant 0.000000e+00 : f32
    %ne3A_1130 = vector.broadcast %ne3A_1129 : f32 to vector<128x1xf32>
    %ne3A_1131 = arith.cmpf one, %slice3A_1128, %ne3A_1130 : vector<128x1xf32>
    %get3A_1132 = arith.constant 9600 : index
    %get3A_1133 = arith.constant 0 : index
    %get3A_1134 = vector.load %arg4[%get3A_1132, %get3A_1133] : memref<14336x128xf32, #tpu.memory_space<vmem>>, vector<128x128xf32>
    %mul3A_1135 = vector.broadcast %get3A_3 : vector<1x128xf32> to vector<128x128xf32>
    %mul3A_1136 = arith.mulf %get3A_1134, %mul3A_1135 : vector<128x128xf32>
    %broadcast_in_dim3A_1137 = vector.shape_cast %ne3A_1131 : vector<128x1xi1> to vector<128x1xi1>
    %broadcast_in_dim3A_1138 = vector.broadcast %broadcast_in_dim3A_1137 : vector<128x1xi1> to vector<128x128xi1>
    %select_n3A_1139 = arith.select %broadcast_in_dim3A_1138, %mul3A_1136, %get3A_1134 : vector<128x128xi1>, vector<128x128xf32>
    %swap3A_1140 = arith.constant 9600 : index
    %swap3A_1141 = arith.constant 0 : index
    %swap3A_1142 = vector.load %arg6[%swap3A_1140, %swap3A_1141] : memref<14336x128xf32, #tpu.memory_space<vmem>>, vector<128x128xf32>
    tpu.vector_store %arg6[%swap3A_1140, %swap3A_1141], %select_n3A_1139 {strides = array<i32>} : memref<14336x128xf32, #tpu.memory_space<vmem>>, vector<128x128xf32>,
    %slice3A_1143 = vector.extract_strided_slice %get3A_8 {offsets = [0, 76], sizes = [128, 1], strides = [1, 1]} : vector<128x112xf32> to vector<128x1xf32>
    %ne3A_1144 = arith.constant 0.000000e+00 : f32
    %ne3A_1145 = vector.broadcast %ne3A_1144 : f32 to vector<128x1xf32>
    %ne3A_1146 = arith.cmpf one, %slice3A_1143, %ne3A_1145 : vector<128x1xf32>
    %get3A_1147 = arith.constant 9728 : index
    %get3A_1148 = arith.constant 0 : index
    %get3A_1149 = vector.load %arg4[%get3A_1147, %get3A_1148] : memref<14336x128xf32, #tpu.memory_space<vmem>>, vector<128x128xf32>
    %mul3A_1150 = vector.broadcast %get3A_3 : vector<1x128xf32> to vector<128x128xf32>
    %mul3A_1151 = arith.mulf %get3A_1149, %mul3A_1150 : vector<128x128xf32>
    %broadcast_in_dim3A_1152 = vector.shape_cast %ne3A_1146 : vector<128x1xi1> to vector<128x1xi1>
    %broadcast_in_dim3A_1153 = vector.broadcast %broadcast_in_dim3A_1152 : vector<128x1xi1> to vector<128x128xi1>
    %select_n3A_1154 = arith.select %broadcast_in_dim3A_1153, %mul3A_1151, %get3A_1149 : vector<128x128xi1>, vector<128x128xf32>
    %swap3A_1155 = arith.constant 9728 : index
    %swap3A_1156 = arith.constant 0 : index
    %swap3A_1157 = vector.load %arg6[%swap3A_1155, %swap3A_1156] : memref<14336x128xf32, #tpu.memory_space<vmem>>, vector<128x128xf32>
    tpu.vector_store %arg6[%swap3A_1155, %swap3A_1156], %select_n3A_1154 {strides = array<i32>} : memref<14336x128xf32, #tpu.memory_space<vmem>>, vector<128x128xf32>,
    %slice3A_1158 = vector.extract_strided_slice %get3A_8 {offsets = [0, 77], sizes = [128, 1], strides = [1, 1]} : vector<128x112xf32> to vector<128x1xf32>
    %ne3A_1159 = arith.constant 0.000000e+00 : f32
    %ne3A_1160 = vector.broadcast %ne3A_1159 : f32 to vector<128x1xf32>
    %ne3A_1161 = arith.cmpf one, %slice3A_1158, %ne3A_1160 : vector<128x1xf32>
    %get3A_1162 = arith.constant 9856 : index
    %get3A_1163 = arith.constant 0 : index
    %get3A_1164 = vector.load %arg4[%get3A_1162, %get3A_1163] : memref<14336x128xf32, #tpu.memory_space<vmem>>, vector<128x128xf32>
    %mul3A_1165 = vector.broadcast %get3A_3 : vector<1x128xf32> to vector<128x128xf32>
    %mul3A_1166 = arith.mulf %get3A_1164, %mul3A_1165 : vector<128x128xf32>
    %broadcast_in_dim3A_1167 = vector.shape_cast %ne3A_1161 : vector<128x1xi1> to vector<128x1xi1>
    %broadcast_in_dim3A_1168 = vector.broadcast %broadcast_in_dim3A_1167 : vector<128x1xi1> to vector<128x128xi1>
    %select_n3A_1169 = arith.select %broadcast_in_dim3A_1168, %mul3A_1166, %get3A_1164 : vector<128x128xi1>, vector<128x128xf32>
    %swap3A_1170 = arith.constant 9856 : index
    %swap3A_1171 = arith.constant 0 : index
    %swap3A_1172 = vector.load %arg6[%swap3A_1170, %swap3A_1171] : memref<14336x128xf32, #tpu.memory_space<vmem>>, vector<128x128xf32>
    tpu.vector_store %arg6[%swap3A_1170, %swap3A_1171], %select_n3A_1169 {strides = array<i32>} : memref<14336x128xf32, #tpu.memory_space<vmem>>, vector<128x128xf32>,
    %slice3A_1173 = vector.extract_strided_slice %get3A_8 {offsets = [0, 78], sizes = [128, 1], strides = [1, 1]} : vector<128x112xf32> to vector<128x1xf32>
    %ne3A_1174 = arith.constant 0.000000e+00 : f32
    %ne3A_1175 = vector.broadcast %ne3A_1174 : f32 to vector<128x1xf32>
    %ne3A_1176 = arith.cmpf one, %slice3A_1173, %ne3A_1175 : vector<128x1xf32>
    %get3A_1177 = arith.constant 9984 : index
    %get3A_1178 = arith.constant 0 : index
    %get3A_1179 = vector.load %arg4[%get3A_1177, %get3A_1178] : memref<14336x128xf32, #tpu.memory_space<vmem>>, vector<128x128xf32>
    %mul3A_1180 = vector.broadcast %get3A_3 : vector<1x128xf32> to vector<128x128xf32>
    %mul3A_1181 = arith.mulf %get3A_1179, %mul3A_1180 : vector<128x128xf32>
    %broadcast_in_dim3A_1182 = vector.shape_cast %ne3A_1176 : vector<128x1xi1> to vector<128x1xi1>
    %broadcast_in_dim3A_1183 = vector.broadcast %broadcast_in_dim3A_1182 : vector<128x1xi1> to vector<128x128xi1>
    %select_n3A_1184 = arith.select %broadcast_in_dim3A_1183, %mul3A_1181, %get3A_1179 : vector<128x128xi1>, vector<128x128xf32>
    %swap3A_1185 = arith.constant 9984 : index
    %swap3A_1186 = arith.constant 0 : index
    %swap3A_1187 = vector.load %arg6[%swap3A_1185, %swap3A_1186] : memref<14336x128xf32, #tpu.memory_space<vmem>>, vector<128x128xf32>
    tpu.vector_store %arg6[%swap3A_1185, %swap3A_1186], %select_n3A_1184 {strides = array<i32>} : memref<14336x128xf32, #tpu.memory_space<vmem>>, vector<128x128xf32>,
    %slice3A_1188 = vector.extract_strided_slice %get3A_8 {offsets = [0, 79], sizes = [128, 1], strides = [1, 1]} : vector<128x112xf32> to vector<128x1xf32>
    %ne3A_1189 = arith.constant 0.000000e+00 : f32
    %ne3A_1190 = vector.broadcast %ne3A_1189 : f32 to vector<128x1xf32>
    %ne3A_1191 = arith.cmpf one, %slice3A_1188, %ne3A_1190 : vector<128x1xf32>
    %get3A_1192 = arith.constant 10112 : index
    %get3A_1193 = arith.constant 0 : index
    %get3A_1194 = vector.load %arg4[%get3A_1192, %get3A_1193] : memref<14336x128xf32, #tpu.memory_space<vmem>>, vector<128x128xf32>
    %mul3A_1195 = vector.broadcast %get3A_3 : vector<1x128xf32> to vector<128x128xf32>
    %mul3A_1196 = arith.mulf %get3A_1194, %mul3A_1195 : vector<128x128xf32>
    %broadcast_in_dim3A_1197 = vector.shape_cast %ne3A_1191 : vector<128x1xi1> to vector<128x1xi1>
    %broadcast_in_dim3A_1198 = vector.broadcast %broadcast_in_dim3A_1197 : vector<128x1xi1> to vector<128x128xi1>
    %select_n3A_1199 = arith.select %broadcast_in_dim3A_1198, %mul3A_1196, %get3A_1194 : vector<128x128xi1>, vector<128x128xf32>
    %swap3A_1200 = arith.constant 10112 : index
    %swap3A_1201 = arith.constant 0 : index
    %swap3A_1202 = vector.load %arg6[%swap3A_1200, %swap3A_1201] : memref<14336x128xf32, #tpu.memory_space<vmem>>, vector<128x128xf32>
    tpu.vector_store %arg6[%swap3A_1200, %swap3A_1201], %select_n3A_1199 {strides = array<i32>} : memref<14336x128xf32, #tpu.memory_space<vmem>>, vector<128x128xf32>,
    %slice3A_1203 = vector.extract_strided_slice %get3A_8 {offsets = [0, 80], sizes = [128, 1], strides = [1, 1]} : vector<128x112xf32> to vector<128x1xf32>
    %ne3A_1204 = arith.constant 0.000000e+00 : f32
    %ne3A_1205 = vector.broadcast %ne3A_1204 : f32 to vector<128x1xf32>
    %ne3A_1206 = arith.cmpf one, %slice3A_1203, %ne3A_1205 : vector<128x1xf32>
    %get3A_1207 = arith.constant 10240 : index
    %get3A_1208 = arith.constant 0 : index
    %get3A_1209 = vector.load %arg4[%get3A_1207, %get3A_1208] : memref<14336x128xf32, #tpu.memory_space<vmem>>, vector<128x128xf32>
    %mul3A_1210 = vector.broadcast %get3A_3 : vector<1x128xf32> to vector<128x128xf32>
    %mul3A_1211 = arith.mulf %get3A_1209, %mul3A_1210 : vector<128x128xf32>
    %broadcast_in_dim3A_1212 = vector.shape_cast %ne3A_1206 : vector<128x1xi1> to vector<128x1xi1>
    %broadcast_in_dim3A_1213 = vector.broadcast %broadcast_in_dim3A_1212 : vector<128x1xi1> to vector<128x128xi1>
    %select_n3A_1214 = arith.select %broadcast_in_dim3A_1213, %mul3A_1211, %get3A_1209 : vector<128x128xi1>, vector<128x128xf32>
    %swap3A_1215 = arith.constant 10240 : index
    %swap3A_1216 = arith.constant 0 : index
    %swap3A_1217 = vector.load %arg6[%swap3A_1215, %swap3A_1216] : memref<14336x128xf32, #tpu.memory_space<vmem>>, vector<128x128xf32>
    tpu.vector_store %arg6[%swap3A_1215, %swap3A_1216], %select_n3A_1214 {strides = array<i32>} : memref<14336x128xf32, #tpu.memory_space<vmem>>, vector<128x128xf32>,
    %slice3A_1218 = vector.extract_strided_slice %get3A_8 {offsets = [0, 81], sizes = [128, 1], strides = [1, 1]} : vector<128x112xf32> to vector<128x1xf32>
    %ne3A_1219 = arith.constant 0.000000e+00 : f32
    %ne3A_1220 = vector.broadcast %ne3A_1219 : f32 to vector<128x1xf32>
    %ne3A_1221 = arith.cmpf one, %slice3A_1218, %ne3A_1220 : vector<128x1xf32>
    %get3A_1222 = arith.constant 10368 : index
    %get3A_1223 = arith.constant 0 : index
    %get3A_1224 = vector.load %arg4[%get3A_1222, %get3A_1223] : memref<14336x128xf32, #tpu.memory_space<vmem>>, vector<128x128xf32>
    %mul3A_1225 = vector.broadcast %get3A_3 : vector<1x128xf32> to vector<128x128xf32>
    %mul3A_1226 = arith.mulf %get3A_1224, %mul3A_1225 : vector<128x128xf32>
    %broadcast_in_dim3A_1227 = vector.shape_cast %ne3A_1221 : vector<128x1xi1> to vector<128x1xi1>
    %broadcast_in_dim3A_1228 = vector.broadcast %broadcast_in_dim3A_1227 : vector<128x1xi1> to vector<128x128xi1>
    %select_n3A_1229 = arith.select %broadcast_in_dim3A_1228, %mul3A_1226, %get3A_1224 : vector<128x128xi1>, vector<128x128xf32>
    %swap3A_1230 = arith.constant 10368 : index
    %swap3A_1231 = arith.constant 0 : index
    %swap3A_1232 = vector.load %arg6[%swap3A_1230, %swap3A_1231] : memref<14336x128xf32, #tpu.memory_space<vmem>>, vector<128x128xf32>
    tpu.vector_store %arg6[%swap3A_1230, %swap3A_1231], %select_n3A_1229 {strides = array<i32>} : memref<14336x128xf32, #tpu.memory_space<vmem>>, vector<128x128xf32>,
    %slice3A_1233 = vector.extract_strided_slice %get3A_8 {offsets = [0, 82], sizes = [128, 1], strides = [1, 1]} : vector<128x112xf32> to vector<128x1xf32>
    %ne3A_1234 = arith.constant 0.000000e+00 : f32
    %ne3A_1235 = vector.broadcast %ne3A_1234 : f32 to vector<128x1xf32>
    %ne3A_1236 = arith.cmpf one, %slice3A_1233, %ne3A_1235 : vector<128x1xf32>
    %get3A_1237 = arith.constant 10496 : index
    %get3A_1238 = arith.constant 0 : index
    %get3A_1239 = vector.load %arg4[%get3A_1237, %get3A_1238] : memref<14336x128xf32, #tpu.memory_space<vmem>>, vector<128x128xf32>
    %mul3A_1240 = vector.broadcast %get3A_3 : vector<1x128xf32> to vector<128x128xf32>
    %mul3A_1241 = arith.mulf %get3A_1239, %mul3A_1240 : vector<128x128xf32>
    %broadcast_in_dim3A_1242 = vector.shape_cast %ne3A_1236 : vector<128x1xi1> to vector<128x1xi1>
    %broadcast_in_dim3A_1243 = vector.broadcast %broadcast_in_dim3A_1242 : vector<128x1xi1> to vector<128x128xi1>
    %select_n3A_1244 = arith.select %broadcast_in_dim3A_1243, %mul3A_1241, %get3A_1239 : vector<128x128xi1>, vector<128x128xf32>
    %swap3A_1245 = arith.constant 10496 : index
    %swap3A_1246 = arith.constant 0 : index
    %swap3A_1247 = vector.load %arg6[%swap3A_1245, %swap3A_1246] : memref<14336x128xf32, #tpu.memory_space<vmem>>, vector<128x128xf32>
    tpu.vector_store %arg6[%swap3A_1245, %swap3A_1246], %select_n3A_1244 {strides = array<i32>} : memref<14336x128xf32, #tpu.memory_space<vmem>>, vector<128x128xf32>,
    %slice3A_1248 = vector.extract_strided_slice %get3A_8 {offsets = [0, 83], sizes = [128, 1], strides = [1, 1]} : vector<128x112xf32> to vector<128x1xf32>
    %ne3A_1249 = arith.constant 0.000000e+00 : f32
    %ne3A_1250 = vector.broadcast %ne3A_1249 : f32 to vector<128x1xf32>
    %ne3A_1251 = arith.cmpf one, %slice3A_1248, %ne3A_1250 : vector<128x1xf32>
    %get3A_1252 = arith.constant 10624 : index
    %get3A_1253 = arith.constant 0 : index
    %get3A_1254 = vector.load %arg4[%get3A_1252, %get3A_1253] : memref<14336x128xf32, #tpu.memory_space<vmem>>, vector<128x128xf32>
    %mul3A_1255 = vector.broadcast %get3A_3 : vector<1x128xf32> to vector<128x128xf32>
    %mul3A_1256 = arith.mulf %get3A_1254, %mul3A_1255 : vector<128x128xf32>
    %broadcast_in_dim3A_1257 = vector.shape_cast %ne3A_1251 : vector<128x1xi1> to vector<128x1xi1>
    %broadcast_in_dim3A_1258 = vector.broadcast %broadcast_in_dim3A_1257 : vector<128x1xi1> to vector<128x128xi1>
    %select_n3A_1259 = arith.select %broadcast_in_dim3A_1258, %mul3A_1256, %get3A_1254 : vector<128x128xi1>, vector<128x128xf32>
    %swap3A_1260 = arith.constant 10624 : index
    %swap3A_1261 = arith.constant 0 : index
    %swap3A_1262 = vector.load %arg6[%swap3A_1260, %swap3A_1261] : memref<14336x128xf32, #tpu.memory_space<vmem>>, vector<128x128xf32>
    tpu.vector_store %arg6[%swap3A_1260, %swap3A_1261], %select_n3A_1259 {strides = array<i32>} : memref<14336x128xf32, #tpu.memory_space<vmem>>, vector<128x128xf32>,
    %slice3A_1263 = vector.extract_strided_slice %get3A_8 {offsets = [0, 84], sizes = [128, 1], strides = [1, 1]} : vector<128x112xf32> to vector<128x1xf32>
    %ne3A_1264 = arith.constant 0.000000e+00 : f32
    %ne3A_1265 = vector.broadcast %ne3A_1264 : f32 to vector<128x1xf32>
    %ne3A_1266 = arith.cmpf one, %slice3A_1263, %ne3A_1265 : vector<128x1xf32>
    %get3A_1267 = arith.constant 10752 : index
    %get3A_1268 = arith.constant 0 : index
    %get3A_1269 = vector.load %arg4[%get3A_1267, %get3A_1268] : memref<14336x128xf32, #tpu.memory_space<vmem>>, vector<128x128xf32>
    %mul3A_1270 = vector.broadcast %get3A_3 : vector<1x128xf32> to vector<128x128xf32>
    %mul3A_1271 = arith.mulf %get3A_1269, %mul3A_1270 : vector<128x128xf32>
    %broadcast_in_dim3A_1272 = vector.shape_cast %ne3A_1266 : vector<128x1xi1> to vector<128x1xi1>
    %broadcast_in_dim3A_1273 = vector.broadcast %broadcast_in_dim3A_1272 : vector<128x1xi1> to vector<128x128xi1>
    %select_n3A_1274 = arith.select %broadcast_in_dim3A_1273, %mul3A_1271, %get3A_1269 : vector<128x128xi1>, vector<128x128xf32>
    %swap3A_1275 = arith.constant 10752 : index
    %swap3A_1276 = arith.constant 0 : index
    %swap3A_1277 = vector.load %arg6[%swap3A_1275, %swap3A_1276] : memref<14336x128xf32, #tpu.memory_space<vmem>>, vector<128x128xf32>
    tpu.vector_store %arg6[%swap3A_1275, %swap3A_1276], %select_n3A_1274 {strides = array<i32>} : memref<14336x128xf32, #tpu.memory_space<vmem>>, vector<128x128xf32>,
    %slice3A_1278 = vector.extract_strided_slice %get3A_8 {offsets = [0, 85], sizes = [128, 1], strides = [1, 1]} : vector<128x112xf32> to vector<128x1xf32>
    %ne3A_1279 = arith.constant 0.000000e+00 : f32
    %ne3A_1280 = vector.broadcast %ne3A_1279 : f32 to vector<128x1xf32>
    %ne3A_1281 = arith.cmpf one, %slice3A_1278, %ne3A_1280 : vector<128x1xf32>
    %get3A_1282 = arith.constant 10880 : index
    %get3A_1283 = arith.constant 0 : index
    %get3A_1284 = vector.load %arg4[%get3A_1282, %get3A_1283] : memref<14336x128xf32, #tpu.memory_space<vmem>>, vector<128x128xf32>
    %mul3A_1285 = vector.broadcast %get3A_3 : vector<1x128xf32> to vector<128x128xf32>
    %mul3A_1286 = arith.mulf %get3A_1284, %mul3A_1285 : vector<128x128xf32>
    %broadcast_in_dim3A_1287 = vector.shape_cast %ne3A_1281 : vector<128x1xi1> to vector<128x1xi1>
    %broadcast_in_dim3A_1288 = vector.broadcast %broadcast_in_dim3A_1287 : vector<128x1xi1> to vector<128x128xi1>
    %select_n3A_1289 = arith.select %broadcast_in_dim3A_1288, %mul3A_1286, %get3A_1284 : vector<128x128xi1>, vector<128x128xf32>
    %swap3A_1290 = arith.constant 10880 : index
    %swap3A_1291 = arith.constant 0 : index
    %swap3A_1292 = vector.load %arg6[%swap3A_1290, %swap3A_1291] : memref<14336x128xf32, #tpu.memory_space<vmem>>, vector<128x128xf32>
    tpu.vector_store %arg6[%swap3A_1290, %swap3A_1291], %select_n3A_1289 {strides = array<i32>} : memref<14336x128xf32, #tpu.memory_space<vmem>>, vector<128x128xf32>,
    %slice3A_1293 = vector.extract_strided_slice %get3A_8 {offsets = [0, 86], sizes = [128, 1], strides = [1, 1]} : vector<128x112xf32> to vector<128x1xf32>
    %ne3A_1294 = arith.constant 0.000000e+00 : f32
    %ne3A_1295 = vector.broadcast %ne3A_1294 : f32 to vector<128x1xf32>
    %ne3A_1296 = arith.cmpf one, %slice3A_1293, %ne3A_1295 : vector<128x1xf32>
    %get3A_1297 = arith.constant 11008 : index
    %get3A_1298 = arith.constant 0 : index
    %get3A_1299 = vector.load %arg4[%get3A_1297, %get3A_1298] : memref<14336x128xf32, #tpu.memory_space<vmem>>, vector<128x128xf32>
    %mul3A_1300 = vector.broadcast %get3A_3 : vector<1x128xf32> to vector<128x128xf32>
    %mul3A_1301 = arith.mulf %get3A_1299, %mul3A_1300 : vector<128x128xf32>
    %broadcast_in_dim3A_1302 = vector.shape_cast %ne3A_1296 : vector<128x1xi1> to vector<128x1xi1>
    %broadcast_in_dim3A_1303 = vector.broadcast %broadcast_in_dim3A_1302 : vector<128x1xi1> to vector<128x128xi1>
    %select_n3A_1304 = arith.select %broadcast_in_dim3A_1303, %mul3A_1301, %get3A_1299 : vector<128x128xi1>, vector<128x128xf32>
    %swap3A_1305 = arith.constant 11008 : index
    %swap3A_1306 = arith.constant 0 : index
    %swap3A_1307 = vector.load %arg6[%swap3A_1305, %swap3A_1306] : memref<14336x128xf32, #tpu.memory_space<vmem>>, vector<128x128xf32>
    tpu.vector_store %arg6[%swap3A_1305, %swap3A_1306], %select_n3A_1304 {strides = array<i32>} : memref<14336x128xf32, #tpu.memory_space<vmem>>, vector<128x128xf32>,
    %slice3A_1308 = vector.extract_strided_slice %get3A_8 {offsets = [0, 87], sizes = [128, 1], strides = [1, 1]} : vector<128x112xf32> to vector<128x1xf32>
    %ne3A_1309 = arith.constant 0.000000e+00 : f32
    %ne3A_1310 = vector.broadcast %ne3A_1309 : f32 to vector<128x1xf32>
    %ne3A_1311 = arith.cmpf one, %slice3A_1308, %ne3A_1310 : vector<128x1xf32>
    %get3A_1312 = arith.constant 11136 : index
    %get3A_1313 = arith.constant 0 : index
    %get3A_1314 = vector.load %arg4[%get3A_1312, %get3A_1313] : memref<14336x128xf32, #tpu.memory_space<vmem>>, vector<128x128xf32>
    %mul3A_1315 = vector.broadcast %get3A_3 : vector<1x128xf32> to vector<128x128xf32>
    %mul3A_1316 = arith.mulf %get3A_1314, %mul3A_1315 : vector<128x128xf32>
    %broadcast_in_dim3A_1317 = vector.shape_cast %ne3A_1311 : vector<128x1xi1> to vector<128x1xi1>
    %broadcast_in_dim3A_1318 = vector.broadcast %broadcast_in_dim3A_1317 : vector<128x1xi1> to vector<128x128xi1>
    %select_n3A_1319 = arith.select %broadcast_in_dim3A_1318, %mul3A_1316, %get3A_1314 : vector<128x128xi1>, vector<128x128xf32>
    %swap3A_1320 = arith.constant 11136 : index
    %swap3A_1321 = arith.constant 0 : index
    %swap3A_1322 = vector.load %arg6[%swap3A_1320, %swap3A_1321] : memref<14336x128xf32, #tpu.memory_space<vmem>>, vector<128x128xf32>
    tpu.vector_store %arg6[%swap3A_1320, %swap3A_1321], %select_n3A_1319 {strides = array<i32>} : memref<14336x128xf32, #tpu.memory_space<vmem>>, vector<128x128xf32>,
    %slice3A_1323 = vector.extract_strided_slice %get3A_8 {offsets = [0, 88], sizes = [128, 1], strides = [1, 1]} : vector<128x112xf32> to vector<128x1xf32>
    %ne3A_1324 = arith.constant 0.000000e+00 : f32
    %ne3A_1325 = vector.broadcast %ne3A_1324 : f32 to vector<128x1xf32>
    %ne3A_1326 = arith.cmpf one, %slice3A_1323, %ne3A_1325 : vector<128x1xf32>
    %get3A_1327 = arith.constant 11264 : index
    %get3A_1328 = arith.constant 0 : index
    %get3A_1329 = vector.load %arg4[%get3A_1327, %get3A_1328] : memref<14336x128xf32, #tpu.memory_space<vmem>>, vector<128x128xf32>
    %mul3A_1330 = vector.broadcast %get3A_3 : vector<1x128xf32> to vector<128x128xf32>
    %mul3A_1331 = arith.mulf %get3A_1329, %mul3A_1330 : vector<128x128xf32>
    %broadcast_in_dim3A_1332 = vector.shape_cast %ne3A_1326 : vector<128x1xi1> to vector<128x1xi1>
    %broadcast_in_dim3A_1333 = vector.broadcast %broadcast_in_dim3A_1332 : vector<128x1xi1> to vector<128x128xi1>
    %select_n3A_1334 = arith.select %broadcast_in_dim3A_1333, %mul3A_1331, %get3A_1329 : vector<128x128xi1>, vector<128x128xf32>
    %swap3A_1335 = arith.constant 11264 : index
    %swap3A_1336 = arith.constant 0 : index
    %swap3A_1337 = vector.load %arg6[%swap3A_1335, %swap3A_1336] : memref<14336x128xf32, #tpu.memory_space<vmem>>, vector<128x128xf32>
    tpu.vector_store %arg6[%swap3A_1335, %swap3A_1336], %select_n3A_1334 {strides = array<i32>} : memref<14336x128xf32, #tpu.memory_space<vmem>>, vector<128x128xf32>,
    %slice3A_1338 = vector.extract_strided_slice %get3A_8 {offsets = [0, 89], sizes = [128, 1], strides = [1, 1]} : vector<128x112xf32> to vector<128x1xf32>
    %ne3A_1339 = arith.constant 0.000000e+00 : f32
    %ne3A_1340 = vector.broadcast %ne3A_1339 : f32 to vector<128x1xf32>
    %ne3A_1341 = arith.cmpf one, %slice3A_1338, %ne3A_1340 : vector<128x1xf32>
    %get3A_1342 = arith.constant 11392 : index
    %get3A_1343 = arith.constant 0 : index
    %get3A_1344 = vector.load %arg4[%get3A_1342, %get3A_1343] : memref<14336x128xf32, #tpu.memory_space<vmem>>, vector<128x128xf32>
    %mul3A_1345 = vector.broadcast %get3A_3 : vector<1x128xf32> to vector<128x128xf32>
    %mul3A_1346 = arith.mulf %get3A_1344, %mul3A_1345 : vector<128x128xf32>
    %broadcast_in_dim3A_1347 = vector.shape_cast %ne3A_1341 : vector<128x1xi1> to vector<128x1xi1>
    %broadcast_in_dim3A_1348 = vector.broadcast %broadcast_in_dim3A_1347 : vector<128x1xi1> to vector<128x128xi1>
    %select_n3A_1349 = arith.select %broadcast_in_dim3A_1348, %mul3A_1346, %get3A_1344 : vector<128x128xi1>, vector<128x128xf32>
    %swap3A_1350 = arith.constant 11392 : index
    %swap3A_1351 = arith.constant 0 : index
    %swap3A_1352 = vector.load %arg6[%swap3A_1350, %swap3A_1351] : memref<14336x128xf32, #tpu.memory_space<vmem>>, vector<128x128xf32>
    tpu.vector_store %arg6[%swap3A_1350, %swap3A_1351], %select_n3A_1349 {strides = array<i32>} : memref<14336x128xf32, #tpu.memory_space<vmem>>, vector<128x128xf32>,
    %slice3A_1353 = vector.extract_strided_slice %get3A_8 {offsets = [0, 90], sizes = [128, 1], strides = [1, 1]} : vector<128x112xf32> to vector<128x1xf32>
    %ne3A_1354 = arith.constant 0.000000e+00 : f32
    %ne3A_1355 = vector.broadcast %ne3A_1354 : f32 to vector<128x1xf32>
    %ne3A_1356 = arith.cmpf one, %slice3A_1353, %ne3A_1355 : vector<128x1xf32>
    %get3A_1357 = arith.constant 11520 : index
    %get3A_1358 = arith.constant 0 : index
    %get3A_1359 = vector.load %arg4[%get3A_1357, %get3A_1358] : memref<14336x128xf32, #tpu.memory_space<vmem>>, vector<128x128xf32>
    %mul3A_1360 = vector.broadcast %get3A_3 : vector<1x128xf32> to vector<128x128xf32>
    %mul3A_1361 = arith.mulf %get3A_1359, %mul3A_1360 : vector<128x128xf32>
    %broadcast_in_dim3A_1362 = vector.shape_cast %ne3A_1356 : vector<128x1xi1> to vector<128x1xi1>
    %broadcast_in_dim3A_1363 = vector.broadcast %broadcast_in_dim3A_1362 : vector<128x1xi1> to vector<128x128xi1>
    %select_n3A_1364 = arith.select %broadcast_in_dim3A_1363, %mul3A_1361, %get3A_1359 : vector<128x128xi1>, vector<128x128xf32>
    %swap3A_1365 = arith.constant 11520 : index
    %swap3A_1366 = arith.constant 0 : index
    %swap3A_1367 = vector.load %arg6[%swap3A_1365, %swap3A_1366] : memref<14336x128xf32, #tpu.memory_space<vmem>>, vector<128x128xf32>
    tpu.vector_store %arg6[%swap3A_1365, %swap3A_1366], %select_n3A_1364 {strides = array<i32>} : memref<14336x128xf32, #tpu.memory_space<vmem>>, vector<128x128xf32>,
    %slice3A_1368 = vector.extract_strided_slice %get3A_8 {offsets = [0, 91], sizes = [128, 1], strides = [1, 1]} : vector<128x112xf32> to vector<128x1xf32>
    %ne3A_1369 = arith.constant 0.000000e+00 : f32
    %ne3A_1370 = vector.broadcast %ne3A_1369 : f32 to vector<128x1xf32>
    %ne3A_1371 = arith.cmpf one, %slice3A_1368, %ne3A_1370 : vector<128x1xf32>
    %get3A_1372 = arith.constant 11648 : index
    %get3A_1373 = arith.constant 0 : index
    %get3A_1374 = vector.load %arg4[%get3A_1372, %get3A_1373] : memref<14336x128xf32, #tpu.memory_space<vmem>>, vector<128x128xf32>
    %mul3A_1375 = vector.broadcast %get3A_3 : vector<1x128xf32> to vector<128x128xf32>
    %mul3A_1376 = arith.mulf %get3A_1374, %mul3A_1375 : vector<128x128xf32>
    %broadcast_in_dim3A_1377 = vector.shape_cast %ne3A_1371 : vector<128x1xi1> to vector<128x1xi1>
    %broadcast_in_dim3A_1378 = vector.broadcast %broadcast_in_dim3A_1377 : vector<128x1xi1> to vector<128x128xi1>
    %select_n3A_1379 = arith.select %broadcast_in_dim3A_1378, %mul3A_1376, %get3A_1374 : vector<128x128xi1>, vector<128x128xf32>
    %swap3A_1380 = arith.constant 11648 : index
    %swap3A_1381 = arith.constant 0 : index
    %swap3A_1382 = vector.load %arg6[%swap3A_1380, %swap3A_1381] : memref<14336x128xf32, #tpu.memory_space<vmem>>, vector<128x128xf32>
    tpu.vector_store %arg6[%swap3A_1380, %swap3A_1381], %select_n3A_1379 {strides = array<i32>} : memref<14336x128xf32, #tpu.memory_space<vmem>>, vector<128x128xf32>,
    %slice3A_1383 = vector.extract_strided_slice %get3A_8 {offsets = [0, 92], sizes = [128, 1], strides = [1, 1]} : vector<128x112xf32> to vector<128x1xf32>
    %ne3A_1384 = arith.constant 0.000000e+00 : f32
    %ne3A_1385 = vector.broadcast %ne3A_1384 : f32 to vector<128x1xf32>
    %ne3A_1386 = arith.cmpf one, %slice3A_1383, %ne3A_1385 : vector<128x1xf32>
    %get3A_1387 = arith.constant 11776 : index
    %get3A_1388 = arith.constant 0 : index
    %get3A_1389 = vector.load %arg4[%get3A_1387, %get3A_1388] : memref<14336x128xf32, #tpu.memory_space<vmem>>, vector<128x128xf32>
    %mul3A_1390 = vector.broadcast %get3A_3 : vector<1x128xf32> to vector<128x128xf32>
    %mul3A_1391 = arith.mulf %get3A_1389, %mul3A_1390 : vector<128x128xf32>
    %broadcast_in_dim3A_1392 = vector.shape_cast %ne3A_1386 : vector<128x1xi1> to vector<128x1xi1>
    %broadcast_in_dim3A_1393 = vector.broadcast %broadcast_in_dim3A_1392 : vector<128x1xi1> to vector<128x128xi1>
    %select_n3A_1394 = arith.select %broadcast_in_dim3A_1393, %mul3A_1391, %get3A_1389 : vector<128x128xi1>, vector<128x128xf32>
    %swap3A_1395 = arith.constant 11776 : index
    %swap3A_1396 = arith.constant 0 : index
    %swap3A_1397 = vector.load %arg6[%swap3A_1395, %swap3A_1396] : memref<14336x128xf32, #tpu.memory_space<vmem>>, vector<128x128xf32>
    tpu.vector_store %arg6[%swap3A_1395, %swap3A_1396], %select_n3A_1394 {strides = array<i32>} : memref<14336x128xf32, #tpu.memory_space<vmem>>, vector<128x128xf32>,
    %slice3A_1398 = vector.extract_strided_slice %get3A_8 {offsets = [0, 93], sizes = [128, 1], strides = [1, 1]} : vector<128x112xf32> to vector<128x1xf32>
    %ne3A_1399 = arith.constant 0.000000e+00 : f32
    %ne3A_1400 = vector.broadcast %ne3A_1399 : f32 to vector<128x1xf32>
    %ne3A_1401 = arith.cmpf one, %slice3A_1398, %ne3A_1400 : vector<128x1xf32>
    %get3A_1402 = arith.constant 11904 : index
    %get3A_1403 = arith.constant 0 : index
    %get3A_1404 = vector.load %arg4[%get3A_1402, %get3A_1403] : memref<14336x128xf32, #tpu.memory_space<vmem>>, vector<128x128xf32>
    %mul3A_1405 = vector.broadcast %get3A_3 : vector<1x128xf32> to vector<128x128xf32>
    %mul3A_1406 = arith.mulf %get3A_1404, %mul3A_1405 : vector<128x128xf32>
    %broadcast_in_dim3A_1407 = vector.shape_cast %ne3A_1401 : vector<128x1xi1> to vector<128x1xi1>
    %broadcast_in_dim3A_1408 = vector.broadcast %broadcast_in_dim3A_1407 : vector<128x1xi1> to vector<128x128xi1>
    %select_n3A_1409 = arith.select %broadcast_in_dim3A_1408, %mul3A_1406, %get3A_1404 : vector<128x128xi1>, vector<128x128xf32>
    %swap3A_1410 = arith.constant 11904 : index
    %swap3A_1411 = arith.constant 0 : index
    %swap3A_1412 = vector.load %arg6[%swap3A_1410, %swap3A_1411] : memref<14336x128xf32, #tpu.memory_space<vmem>>, vector<128x128xf32>
    tpu.vector_store %arg6[%swap3A_1410, %swap3A_1411], %select_n3A_1409 {strides = array<i32>} : memref<14336x128xf32, #tpu.memory_space<vmem>>, vector<128x128xf32>,
    %slice3A_1413 = vector.extract_strided_slice %get3A_8 {offsets = [0, 94], sizes = [128, 1], strides = [1, 1]} : vector<128x112xf32> to vector<128x1xf32>
    %ne3A_1414 = arith.constant 0.000000e+00 : f32
    %ne3A_1415 = vector.broadcast %ne3A_1414 : f32 to vector<128x1xf32>
    %ne3A_1416 = arith.cmpf one, %slice3A_1413, %ne3A_1415 : vector<128x1xf32>
    %get3A_1417 = arith.constant 12032 : index
    %get3A_1418 = arith.constant 0 : index
    %get3A_1419 = vector.load %arg4[%get3A_1417, %get3A_1418] : memref<14336x128xf32, #tpu.memory_space<vmem>>, vector<128x128xf32>
    %mul3A_1420 = vector.broadcast %get3A_3 : vector<1x128xf32> to vector<128x128xf32>
    %mul3A_1421 = arith.mulf %get3A_1419, %mul3A_1420 : vector<128x128xf32>
    %broadcast_in_dim3A_1422 = vector.shape_cast %ne3A_1416 : vector<128x1xi1> to vector<128x1xi1>
    %broadcast_in_dim3A_1423 = vector.broadcast %broadcast_in_dim3A_1422 : vector<128x1xi1> to vector<128x128xi1>
    %select_n3A_1424 = arith.select %broadcast_in_dim3A_1423, %mul3A_1421, %get3A_1419 : vector<128x128xi1>, vector<128x128xf32>
    %swap3A_1425 = arith.constant 12032 : index
    %swap3A_1426 = arith.constant 0 : index
    %swap3A_1427 = vector.load %arg6[%swap3A_1425, %swap3A_1426] : memref<14336x128xf32, #tpu.memory_space<vmem>>, vector<128x128xf32>
    tpu.vector_store %arg6[%swap3A_1425, %swap3A_1426], %select_n3A_1424 {strides = array<i32>} : memref<14336x128xf32, #tpu.memory_space<vmem>>, vector<128x128xf32>,
    %slice3A_1428 = vector.extract_strided_slice %get3A_8 {offsets = [0, 95], sizes = [128, 1], strides = [1, 1]} : vector<128x112xf32> to vector<128x1xf32>
    %ne3A_1429 = arith.constant 0.000000e+00 : f32
    %ne3A_1430 = vector.broadcast %ne3A_1429 : f32 to vector<128x1xf32>
    %ne3A_1431 = arith.cmpf one, %slice3A_1428, %ne3A_1430 : vector<128x1xf32>
    %get3A_1432 = arith.constant 12160 : index
    %get3A_1433 = arith.constant 0 : index
    %get3A_1434 = vector.load %arg4[%get3A_1432, %get3A_1433] : memref<14336x128xf32, #tpu.memory_space<vmem>>, vector<128x128xf32>
    %mul3A_1435 = vector.broadcast %get3A_3 : vector<1x128xf32> to vector<128x128xf32>
    %mul3A_1436 = arith.mulf %get3A_1434, %mul3A_1435 : vector<128x128xf32>
    %broadcast_in_dim3A_1437 = vector.shape_cast %ne3A_1431 : vector<128x1xi1> to vector<128x1xi1>
    %broadcast_in_dim3A_1438 = vector.broadcast %broadcast_in_dim3A_1437 : vector<128x1xi1> to vector<128x128xi1>
    %select_n3A_1439 = arith.select %broadcast_in_dim3A_1438, %mul3A_1436, %get3A_1434 : vector<128x128xi1>, vector<128x128xf32>
    %swap3A_1440 = arith.constant 12160 : index
    %swap3A_1441 = arith.constant 0 : index
    %swap3A_1442 = vector.load %arg6[%swap3A_1440, %swap3A_1441] : memref<14336x128xf32, #tpu.memory_space<vmem>>, vector<128x128xf32>
    tpu.vector_store %arg6[%swap3A_1440, %swap3A_1441], %select_n3A_1439 {strides = array<i32>} : memref<14336x128xf32, #tpu.memory_space<vmem>>, vector<128x128xf32>,
    %slice3A_1443 = vector.extract_strided_slice %get3A_8 {offsets = [0, 96], sizes = [128, 1], strides = [1, 1]} : vector<128x112xf32> to vector<128x1xf32>
    %ne3A_1444 = arith.constant 0.000000e+00 : f32
    %ne3A_1445 = vector.broadcast %ne3A_1444 : f32 to vector<128x1xf32>
    %ne3A_1446 = arith.cmpf one, %slice3A_1443, %ne3A_1445 : vector<128x1xf32>
    %get3A_1447 = arith.constant 12288 : index
    %get3A_1448 = arith.constant 0 : index
    %get3A_1449 = vector.load %arg4[%get3A_1447, %get3A_1448] : memref<14336x128xf32, #tpu.memory_space<vmem>>, vector<128x128xf32>
    %mul3A_1450 = vector.broadcast %get3A_3 : vector<1x128xf32> to vector<128x128xf32>
    %mul3A_1451 = arith.mulf %get3A_1449, %mul3A_1450 : vector<128x128xf32>
    %broadcast_in_dim3A_1452 = vector.shape_cast %ne3A_1446 : vector<128x1xi1> to vector<128x1xi1>
    %broadcast_in_dim3A_1453 = vector.broadcast %broadcast_in_dim3A_1452 : vector<128x1xi1> to vector<128x128xi1>
    %select_n3A_1454 = arith.select %broadcast_in_dim3A_1453, %mul3A_1451, %get3A_1449 : vector<128x128xi1>, vector<128x128xf32>
    %swap3A_1455 = arith.constant 12288 : index
    %swap3A_1456 = arith.constant 0 : index
    %swap3A_1457 = vector.load %arg6[%swap3A_1455, %swap3A_1456] : memref<14336x128xf32, #tpu.memory_space<vmem>>, vector<128x128xf32>
    tpu.vector_store %arg6[%swap3A_1455, %swap3A_1456], %select_n3A_1454 {strides = array<i32>} : memref<14336x128xf32, #tpu.memory_space<vmem>>, vector<128x128xf32>,
    %slice3A_1458 = vector.extract_strided_slice %get3A_8 {offsets = [0, 97], sizes = [128, 1], strides = [1, 1]} : vector<128x112xf32> to vector<128x1xf32>
    %ne3A_1459 = arith.constant 0.000000e+00 : f32
    %ne3A_1460 = vector.broadcast %ne3A_1459 : f32 to vector<128x1xf32>
    %ne3A_1461 = arith.cmpf one, %slice3A_1458, %ne3A_1460 : vector<128x1xf32>
    %get3A_1462 = arith.constant 12416 : index
    %get3A_1463 = arith.constant 0 : index
    %get3A_1464 = vector.load %arg4[%get3A_1462, %get3A_1463] : memref<14336x128xf32, #tpu.memory_space<vmem>>, vector<128x128xf32>
    %mul3A_1465 = vector.broadcast %get3A_3 : vector<1x128xf32> to vector<128x128xf32>
    %mul3A_1466 = arith.mulf %get3A_1464, %mul3A_1465 : vector<128x128xf32>
    %broadcast_in_dim3A_1467 = vector.shape_cast %ne3A_1461 : vector<128x1xi1> to vector<128x1xi1>
    %broadcast_in_dim3A_1468 = vector.broadcast %broadcast_in_dim3A_1467 : vector<128x1xi1> to vector<128x128xi1>
    %select_n3A_1469 = arith.select %broadcast_in_dim3A_1468, %mul3A_1466, %get3A_1464 : vector<128x128xi1>, vector<128x128xf32>
    %swap3A_1470 = arith.constant 12416 : index
    %swap3A_1471 = arith.constant 0 : index
    %swap3A_1472 = vector.load %arg6[%swap3A_1470, %swap3A_1471] : memref<14336x128xf32, #tpu.memory_space<vmem>>, vector<128x128xf32>
    tpu.vector_store %arg6[%swap3A_1470, %swap3A_1471], %select_n3A_1469 {strides = array<i32>} : memref<14336x128xf32, #tpu.memory_space<vmem>>, vector<128x128xf32>,
    %slice3A_1473 = vector.extract_strided_slice %get3A_8 {offsets = [0, 98], sizes = [128, 1], strides = [1, 1]} : vector<128x112xf32> to vector<128x1xf32>
    %ne3A_1474 = arith.constant 0.000000e+00 : f32
    %ne3A_1475 = vector.broadcast %ne3A_1474 : f32 to vector<128x1xf32>
    %ne3A_1476 = arith.cmpf one, %slice3A_1473, %ne3A_1475 : vector<128x1xf32>
    %get3A_1477 = arith.constant 12544 : index
    %get3A_1478 = arith.constant 0 : index
    %get3A_1479 = vector.load %arg4[%get3A_1477, %get3A_1478] : memref<14336x128xf32, #tpu.memory_space<vmem>>, vector<128x128xf32>
    %mul3A_1480 = vector.broadcast %get3A_3 : vector<1x128xf32> to vector<128x128xf32>
    %mul3A_1481 = arith.mulf %get3A_1479, %mul3A_1480 : vector<128x128xf32>
    %broadcast_in_dim3A_1482 = vector.shape_cast %ne3A_1476 : vector<128x1xi1> to vector<128x1xi1>
    %broadcast_in_dim3A_1483 = vector.broadcast %broadcast_in_dim3A_1482 : vector<128x1xi1> to vector<128x128xi1>
    %select_n3A_1484 = arith.select %broadcast_in_dim3A_1483, %mul3A_1481, %get3A_1479 : vector<128x128xi1>, vector<128x128xf32>
    %swap3A_1485 = arith.constant 12544 : index
    %swap3A_1486 = arith.constant 0 : index
    %swap3A_1487 = vector.load %arg6[%swap3A_1485, %swap3A_1486] : memref<14336x128xf32, #tpu.memory_space<vmem>>, vector<128x128xf32>
    tpu.vector_store %arg6[%swap3A_1485, %swap3A_1486], %select_n3A_1484 {strides = array<i32>} : memref<14336x128xf32, #tpu.memory_space<vmem>>, vector<128x128xf32>,
    %slice3A_1488 = vector.extract_strided_slice %get3A_8 {offsets = [0, 99], sizes = [128, 1], strides = [1, 1]} : vector<128x112xf32> to vector<128x1xf32>
    %ne3A_1489 = arith.constant 0.000000e+00 : f32
    %ne3A_1490 = vector.broadcast %ne3A_1489 : f32 to vector<128x1xf32>
    %ne3A_1491 = arith.cmpf one, %slice3A_1488, %ne3A_1490 : vector<128x1xf32>
    %get3A_1492 = arith.constant 12672 : index
    %get3A_1493 = arith.constant 0 : index
    %get3A_1494 = vector.load %arg4[%get3A_1492, %get3A_1493] : memref<14336x128xf32, #tpu.memory_space<vmem>>, vector<128x128xf32>
    %mul3A_1495 = vector.broadcast %get3A_3 : vector<1x128xf32> to vector<128x128xf32>
    %mul3A_1496 = arith.mulf %get3A_1494, %mul3A_1495 : vector<128x128xf32>
    %broadcast_in_dim3A_1497 = vector.shape_cast %ne3A_1491 : vector<128x1xi1> to vector<128x1xi1>
    %broadcast_in_dim3A_1498 = vector.broadcast %broadcast_in_dim3A_1497 : vector<128x1xi1> to vector<128x128xi1>
    %select_n3A_1499 = arith.select %broadcast_in_dim3A_1498, %mul3A_1496, %get3A_1494 : vector<128x128xi1>, vector<128x128xf32>
    %swap3A_1500 = arith.constant 12672 : index
    %swap3A_1501 = arith.constant 0 : index
    %swap3A_1502 = vector.load %arg6[%swap3A_1500, %swap3A_1501] : memref<14336x128xf32, #tpu.memory_space<vmem>>, vector<128x128xf32>
    tpu.vector_store %arg6[%swap3A_1500, %swap3A_1501], %select_n3A_1499 {strides = array<i32>} : memref<14336x128xf32, #tpu.memory_space<vmem>>, vector<128x128xf32>,
    %slice3A_1503 = vector.extract_strided_slice %get3A_8 {offsets = [0, 100], sizes = [128, 1], strides = [1, 1]} : vector<128x112xf32> to vector<128x1xf32>
    %ne3A_1504 = arith.constant 0.000000e+00 : f32
    %ne3A_1505 = vector.broadcast %ne3A_1504 : f32 to vector<128x1xf32>
    %ne3A_1506 = arith.cmpf one, %slice3A_1503, %ne3A_1505 : vector<128x1xf32>
    %get3A_1507 = arith.constant 12800 : index
    %get3A_1508 = arith.constant 0 : index
    %get3A_1509 = vector.load %arg4[%get3A_1507, %get3A_1508] : memref<14336x128xf32, #tpu.memory_space<vmem>>, vector<128x128xf32>
    %mul3A_1510 = vector.broadcast %get3A_3 : vector<1x128xf32> to vector<128x128xf32>
    %mul3A_1511 = arith.mulf %get3A_1509, %mul3A_1510 : vector<128x128xf32>
    %broadcast_in_dim3A_1512 = vector.shape_cast %ne3A_1506 : vector<128x1xi1> to vector<128x1xi1>
    %broadcast_in_dim3A_1513 = vector.broadcast %broadcast_in_dim3A_1512 : vector<128x1xi1> to vector<128x128xi1>
    %select_n3A_1514 = arith.select %broadcast_in_dim3A_1513, %mul3A_1511, %get3A_1509 : vector<128x128xi1>, vector<128x128xf32>
    %swap3A_1515 = arith.constant 12800 : index
    %swap3A_1516 = arith.constant 0 : index
    %swap3A_1517 = vector.load %arg6[%swap3A_1515, %swap3A_1516] : memref<14336x128xf32, #tpu.memory_space<vmem>>, vector<128x128xf32>
    tpu.vector_store %arg6[%swap3A_1515, %swap3A_1516], %select_n3A_1514 {strides = array<i32>} : memref<14336x128xf32, #tpu.memory_space<vmem>>, vector<128x128xf32>,
    %slice3A_1518 = vector.extract_strided_slice %get3A_8 {offsets = [0, 101], sizes = [128, 1], strides = [1, 1]} : vector<128x112xf32> to vector<128x1xf32>
    %ne3A_1519 = arith.constant 0.000000e+00 : f32
    %ne3A_1520 = vector.broadcast %ne3A_1519 : f32 to vector<128x1xf32>
    %ne3A_1521 = arith.cmpf one, %slice3A_1518, %ne3A_1520 : vector<128x1xf32>
    %get3A_1522 = arith.constant 12928 : index
    %get3A_1523 = arith.constant 0 : index
    %get3A_1524 = vector.load %arg4[%get3A_1522, %get3A_1523] : memref<14336x128xf32, #tpu.memory_space<vmem>>, vector<128x128xf32>
    %mul3A_1525 = vector.broadcast %get3A_3 : vector<1x128xf32> to vector<128x128xf32>
    %mul3A_1526 = arith.mulf %get3A_1524, %mul3A_1525 : vector<128x128xf32>
    %broadcast_in_dim3A_1527 = vector.shape_cast %ne3A_1521 : vector<128x1xi1> to vector<128x1xi1>
    %broadcast_in_dim3A_1528 = vector.broadcast %broadcast_in_dim3A_1527 : vector<128x1xi1> to vector<128x128xi1>
    %select_n3A_1529 = arith.select %broadcast_in_dim3A_1528, %mul3A_1526, %get3A_1524 : vector<128x128xi1>, vector<128x128xf32>
    %swap3A_1530 = arith.constant 12928 : index
    %swap3A_1531 = arith.constant 0 : index
    %swap3A_1532 = vector.load %arg6[%swap3A_1530, %swap3A_1531] : memref<14336x128xf32, #tpu.memory_space<vmem>>, vector<128x128xf32>
    tpu.vector_store %arg6[%swap3A_1530, %swap3A_1531], %select_n3A_1529 {strides = array<i32>} : memref<14336x128xf32, #tpu.memory_space<vmem>>, vector<128x128xf32>,
    %slice3A_1533 = vector.extract_strided_slice %get3A_8 {offsets = [0, 102], sizes = [128, 1], strides = [1, 1]} : vector<128x112xf32> to vector<128x1xf32>
    %ne3A_1534 = arith.constant 0.000000e+00 : f32
    %ne3A_1535 = vector.broadcast %ne3A_1534 : f32 to vector<128x1xf32>
    %ne3A_1536 = arith.cmpf one, %slice3A_1533, %ne3A_1535 : vector<128x1xf32>
    %get3A_1537 = arith.constant 13056 : index
    %get3A_1538 = arith.constant 0 : index
    %get3A_1539 = vector.load %arg4[%get3A_1537, %get3A_1538] : memref<14336x128xf32, #tpu.memory_space<vmem>>, vector<128x128xf32>
    %mul3A_1540 = vector.broadcast %get3A_3 : vector<1x128xf32> to vector<128x128xf32>
    %mul3A_1541 = arith.mulf %get3A_1539, %mul3A_1540 : vector<128x128xf32>
    %broadcast_in_dim3A_1542 = vector.shape_cast %ne3A_1536 : vector<128x1xi1> to vector<128x1xi1>
    %broadcast_in_dim3A_1543 = vector.broadcast %broadcast_in_dim3A_1542 : vector<128x1xi1> to vector<128x128xi1>
    %select_n3A_1544 = arith.select %broadcast_in_dim3A_1543, %mul3A_1541, %get3A_1539 : vector<128x128xi1>, vector<128x128xf32>
    %swap3A_1545 = arith.constant 13056 : index
    %swap3A_1546 = arith.constant 0 : index
    %swap3A_1547 = vector.load %arg6[%swap3A_1545, %swap3A_1546] : memref<14336x128xf32, #tpu.memory_space<vmem>>, vector<128x128xf32>
    tpu.vector_store %arg6[%swap3A_1545, %swap3A_1546], %select_n3A_1544 {strides = array<i32>} : memref<14336x128xf32, #tpu.memory_space<vmem>>, vector<128x128xf32>,
    %slice3A_1548 = vector.extract_strided_slice %get3A_8 {offsets = [0, 103], sizes = [128, 1], strides = [1, 1]} : vector<128x112xf32> to vector<128x1xf32>
    %ne3A_1549 = arith.constant 0.000000e+00 : f32
    %ne3A_1550 = vector.broadcast %ne3A_1549 : f32 to vector<128x1xf32>
    %ne3A_1551 = arith.cmpf one, %slice3A_1548, %ne3A_1550 : vector<128x1xf32>
    %get3A_1552 = arith.constant 13184 : index
    %get3A_1553 = arith.constant 0 : index
    %get3A_1554 = vector.load %arg4[%get3A_1552, %get3A_1553] : memref<14336x128xf32, #tpu.memory_space<vmem>>, vector<128x128xf32>
    %mul3A_1555 = vector.broadcast %get3A_3 : vector<1x128xf32> to vector<128x128xf32>
    %mul3A_1556 = arith.mulf %get3A_1554, %mul3A_1555 : vector<128x128xf32>
    %broadcast_in_dim3A_1557 = vector.shape_cast %ne3A_1551 : vector<128x1xi1> to vector<128x1xi1>
    %broadcast_in_dim3A_1558 = vector.broadcast %broadcast_in_dim3A_1557 : vector<128x1xi1> to vector<128x128xi1>
    %select_n3A_1559 = arith.select %broadcast_in_dim3A_1558, %mul3A_1556, %get3A_1554 : vector<128x128xi1>, vector<128x128xf32>
    %swap3A_1560 = arith.constant 13184 : index
    %swap3A_1561 = arith.constant 0 : index
    %swap3A_1562 = vector.load %arg6[%swap3A_1560, %swap3A_1561] : memref<14336x128xf32, #tpu.memory_space<vmem>>, vector<128x128xf32>
    tpu.vector_store %arg6[%swap3A_1560, %swap3A_1561], %select_n3A_1559 {strides = array<i32>} : memref<14336x128xf32, #tpu.memory_space<vmem>>, vector<128x128xf32>,
    %slice3A_1563 = vector.extract_strided_slice %get3A_8 {offsets = [0, 104], sizes = [128, 1], strides = [1, 1]} : vector<128x112xf32> to vector<128x1xf32>
    %ne3A_1564 = arith.constant 0.000000e+00 : f32
    %ne3A_1565 = vector.broadcast %ne3A_1564 : f32 to vector<128x1xf32>
    %ne3A_1566 = arith.cmpf one, %slice3A_1563, %ne3A_1565 : vector<128x1xf32>
    %get3A_1567 = arith.constant 13312 : index
    %get3A_1568 = arith.constant 0 : index
    %get3A_1569 = vector.load %arg4[%get3A_1567, %get3A_1568] : memref<14336x128xf32, #tpu.memory_space<vmem>>, vector<128x128xf32>
    %mul3A_1570 = vector.broadcast %get3A_3 : vector<1x128xf32> to vector<128x128xf32>
    %mul3A_1571 = arith.mulf %get3A_1569, %mul3A_1570 : vector<128x128xf32>
    %broadcast_in_dim3A_1572 = vector.shape_cast %ne3A_1566 : vector<128x1xi1> to vector<128x1xi1>
    %broadcast_in_dim3A_1573 = vector.broadcast %broadcast_in_dim3A_1572 : vector<128x1xi1> to vector<128x128xi1>
    %select_n3A_1574 = arith.select %broadcast_in_dim3A_1573, %mul3A_1571, %get3A_1569 : vector<128x128xi1>, vector<128x128xf32>
    %swap3A_1575 = arith.constant 13312 : index
    %swap3A_1576 = arith.constant 0 : index
    %swap3A_1577 = vector.load %arg6[%swap3A_1575, %swap3A_1576] : memref<14336x128xf32, #tpu.memory_space<vmem>>, vector<128x128xf32>
    tpu.vector_store %arg6[%swap3A_1575, %swap3A_1576], %select_n3A_1574 {strides = array<i32>} : memref<14336x128xf32, #tpu.memory_space<vmem>>, vector<128x128xf32>,
    %slice3A_1578 = vector.extract_strided_slice %get3A_8 {offsets = [0, 105], sizes = [128, 1], strides = [1, 1]} : vector<128x112xf32> to vector<128x1xf32>
    %ne3A_1579 = arith.constant 0.000000e+00 : f32
    %ne3A_1580 = vector.broadcast %ne3A_1579 : f32 to vector<128x1xf32>
    %ne3A_1581 = arith.cmpf one, %slice3A_1578, %ne3A_1580 : vector<128x1xf32>
    %get3A_1582 = arith.constant 13440 : index
    %get3A_1583 = arith.constant 0 : index
    %get3A_1584 = vector.load %arg4[%get3A_1582, %get3A_1583] : memref<14336x128xf32, #tpu.memory_space<vmem>>, vector<128x128xf32>
    %mul3A_1585 = vector.broadcast %get3A_3 : vector<1x128xf32> to vector<128x128xf32>
    %mul3A_1586 = arith.mulf %get3A_1584, %mul3A_1585 : vector<128x128xf32>
    %broadcast_in_dim3A_1587 = vector.shape_cast %ne3A_1581 : vector<128x1xi1> to vector<128x1xi1>
    %broadcast_in_dim3A_1588 = vector.broadcast %broadcast_in_dim3A_1587 : vector<128x1xi1> to vector<128x128xi1>
    %select_n3A_1589 = arith.select %broadcast_in_dim3A_1588, %mul3A_1586, %get3A_1584 : vector<128x128xi1>, vector<128x128xf32>
    %swap3A_1590 = arith.constant 13440 : index
    %swap3A_1591 = arith.constant 0 : index
    %swap3A_1592 = vector.load %arg6[%swap3A_1590, %swap3A_1591] : memref<14336x128xf32, #tpu.memory_space<vmem>>, vector<128x128xf32>
    tpu.vector_store %arg6[%swap3A_1590, %swap3A_1591], %select_n3A_1589 {strides = array<i32>} : memref<14336x128xf32, #tpu.memory_space<vmem>>, vector<128x128xf32>,
    %slice3A_1593 = vector.extract_strided_slice %get3A_8 {offsets = [0, 106], sizes = [128, 1], strides = [1, 1]} : vector<128x112xf32> to vector<128x1xf32>
    %ne3A_1594 = arith.constant 0.000000e+00 : f32
    %ne3A_1595 = vector.broadcast %ne3A_1594 : f32 to vector<128x1xf32>
    %ne3A_1596 = arith.cmpf one, %slice3A_1593, %ne3A_1595 : vector<128x1xf32>
    %get3A_1597 = arith.constant 13568 : index
    %get3A_1598 = arith.constant 0 : index
    %get3A_1599 = vector.load %arg4[%get3A_1597, %get3A_1598] : memref<14336x128xf32, #tpu.memory_space<vmem>>, vector<128x128xf32>
    %mul3A_1600 = vector.broadcast %get3A_3 : vector<1x128xf32> to vector<128x128xf32>
    %mul3A_1601 = arith.mulf %get3A_1599, %mul3A_1600 : vector<128x128xf32>
    %broadcast_in_dim3A_1602 = vector.shape_cast %ne3A_1596 : vector<128x1xi1> to vector<128x1xi1>
    %broadcast_in_dim3A_1603 = vector.broadcast %broadcast_in_dim3A_1602 : vector<128x1xi1> to vector<128x128xi1>
    %select_n3A_1604 = arith.select %broadcast_in_dim3A_1603, %mul3A_1601, %get3A_1599 : vector<128x128xi1>, vector<128x128xf32>
    %swap3A_1605 = arith.constant 13568 : index
    %swap3A_1606 = arith.constant 0 : index
    %swap3A_1607 = vector.load %arg6[%swap3A_1605, %swap3A_1606] : memref<14336x128xf32, #tpu.memory_space<vmem>>, vector<128x128xf32>
    tpu.vector_store %arg6[%swap3A_1605, %swap3A_1606], %select_n3A_1604 {strides = array<i32>} : memref<14336x128xf32, #tpu.memory_space<vmem>>, vector<128x128xf32>,
    %slice3A_1608 = vector.extract_strided_slice %get3A_8 {offsets = [0, 107], sizes = [128, 1], strides = [1, 1]} : vector<128x112xf32> to vector<128x1xf32>
    %ne3A_1609 = arith.constant 0.000000e+00 : f32
    %ne3A_1610 = vector.broadcast %ne3A_1609 : f32 to vector<128x1xf32>
    %ne3A_1611 = arith.cmpf one, %slice3A_1608, %ne3A_1610 : vector<128x1xf32>
    %get3A_1612 = arith.constant 13696 : index
    %get3A_1613 = arith.constant 0 : index
    %get3A_1614 = vector.load %arg4[%get3A_1612, %get3A_1613] : memref<14336x128xf32, #tpu.memory_space<vmem>>, vector<128x128xf32>
    %mul3A_1615 = vector.broadcast %get3A_3 : vector<1x128xf32> to vector<128x128xf32>
    %mul3A_1616 = arith.mulf %get3A_1614, %mul3A_1615 : vector<128x128xf32>
    %broadcast_in_dim3A_1617 = vector.shape_cast %ne3A_1611 : vector<128x1xi1> to vector<128x1xi1>
    %broadcast_in_dim3A_1618 = vector.broadcast %broadcast_in_dim3A_1617 : vector<128x1xi1> to vector<128x128xi1>
    %select_n3A_1619 = arith.select %broadcast_in_dim3A_1618, %mul3A_1616, %get3A_1614 : vector<128x128xi1>, vector<128x128xf32>
    %swap3A_1620 = arith.constant 13696 : index
    %swap3A_1621 = arith.constant 0 : index
    %swap3A_1622 = vector.load %arg6[%swap3A_1620, %swap3A_1621] : memref<14336x128xf32, #tpu.memory_space<vmem>>, vector<128x128xf32>
    tpu.vector_store %arg6[%swap3A_1620, %swap3A_1621], %select_n3A_1619 {strides = array<i32>} : memref<14336x128xf32, #tpu.memory_space<vmem>>, vector<128x128xf32>,
    %slice3A_1623 = vector.extract_strided_slice %get3A_8 {offsets = [0, 108], sizes = [128, 1], strides = [1, 1]} : vector<128x112xf32> to vector<128x1xf32>
    %ne3A_1624 = arith.constant 0.000000e+00 : f32
    %ne3A_1625 = vector.broadcast %ne3A_1624 : f32 to vector<128x1xf32>
    %ne3A_1626 = arith.cmpf one, %slice3A_1623, %ne3A_1625 : vector<128x1xf32>
    %get3A_1627 = arith.constant 13824 : index
    %get3A_1628 = arith.constant 0 : index
    %get3A_1629 = vector.load %arg4[%get3A_1627, %get3A_1628] : memref<14336x128xf32, #tpu.memory_space<vmem>>, vector<128x128xf32>
    %mul3A_1630 = vector.broadcast %get3A_3 : vector<1x128xf32> to vector<128x128xf32>
    %mul3A_1631 = arith.mulf %get3A_1629, %mul3A_1630 : vector<128x128xf32>
    %broadcast_in_dim3A_1632 = vector.shape_cast %ne3A_1626 : vector<128x1xi1> to vector<128x1xi1>
    %broadcast_in_dim3A_1633 = vector.broadcast %broadcast_in_dim3A_1632 : vector<128x1xi1> to vector<128x128xi1>
    %select_n3A_1634 = arith.select %broadcast_in_dim3A_1633, %mul3A_1631, %get3A_1629 : vector<128x128xi1>, vector<128x128xf32>
    %swap3A_1635 = arith.constant 13824 : index
    %swap3A_1636 = arith.constant 0 : index
    %swap3A_1637 = vector.load %arg6[%swap3A_1635, %swap3A_1636] : memref<14336x128xf32, #tpu.memory_space<vmem>>, vector<128x128xf32>
    tpu.vector_store %arg6[%swap3A_1635, %swap3A_1636], %select_n3A_1634 {strides = array<i32>} : memref<14336x128xf32, #tpu.memory_space<vmem>>, vector<128x128xf32>,
    %slice3A_1638 = vector.extract_strided_slice %get3A_8 {offsets = [0, 109], sizes = [128, 1], strides = [1, 1]} : vector<128x112xf32> to vector<128x1xf32>
    %ne3A_1639 = arith.constant 0.000000e+00 : f32
    %ne3A_1640 = vector.broadcast %ne3A_1639 : f32 to vector<128x1xf32>
    %ne3A_1641 = arith.cmpf one, %slice3A_1638, %ne3A_1640 : vector<128x1xf32>
    %get3A_1642 = arith.constant 13952 : index
    %get3A_1643 = arith.constant 0 : index
    %get3A_1644 = vector.load %arg4[%get3A_1642, %get3A_1643] : memref<14336x128xf32, #tpu.memory_space<vmem>>, vector<128x128xf32>
    %mul3A_1645 = vector.broadcast %get3A_3 : vector<1x128xf32> to vector<128x128xf32>
    %mul3A_1646 = arith.mulf %get3A_1644, %mul3A_1645 : vector<128x128xf32>
    %broadcast_in_dim3A_1647 = vector.shape_cast %ne3A_1641 : vector<128x1xi1> to vector<128x1xi1>
    %broadcast_in_dim3A_1648 = vector.broadcast %broadcast_in_dim3A_1647 : vector<128x1xi1> to vector<128x128xi1>
    %select_n3A_1649 = arith.select %broadcast_in_dim3A_1648, %mul3A_1646, %get3A_1644 : vector<128x128xi1>, vector<128x128xf32>
    %swap3A_1650 = arith.constant 13952 : index
    %swap3A_1651 = arith.constant 0 : index
    %swap3A_1652 = vector.load %arg6[%swap3A_1650, %swap3A_1651] : memref<14336x128xf32, #tpu.memory_space<vmem>>, vector<128x128xf32>
    tpu.vector_store %arg6[%swap3A_1650, %swap3A_1651], %select_n3A_1649 {strides = array<i32>} : memref<14336x128xf32, #tpu.memory_space<vmem>>, vector<128x128xf32>,
    %slice3A_1653 = vector.extract_strided_slice %get3A_8 {offsets = [0, 110], sizes = [128, 1], strides = [1, 1]} : vector<128x112xf32> to vector<128x1xf32>
    %ne3A_1654 = arith.constant 0.000000e+00 : f32
    %ne3A_1655 = vector.broadcast %ne3A_1654 : f32 to vector<128x1xf32>
    %ne3A_1656 = arith.cmpf one, %slice3A_1653, %ne3A_1655 : vector<128x1xf32>
    %get3A_1657 = arith.constant 14080 : index
    %get3A_1658 = arith.constant 0 : index
    %get3A_1659 = vector.load %arg4[%get3A_1657, %get3A_1658] : memref<14336x128xf32, #tpu.memory_space<vmem>>, vector<128x128xf32>
    %mul3A_1660 = vector.broadcast %get3A_3 : vector<1x128xf32> to vector<128x128xf32>
    %mul3A_1661 = arith.mulf %get3A_1659, %mul3A_1660 : vector<128x128xf32>
    %broadcast_in_dim3A_1662 = vector.shape_cast %ne3A_1656 : vector<128x1xi1> to vector<128x1xi1>
    %broadcast_in_dim3A_1663 = vector.broadcast %broadcast_in_dim3A_1662 : vector<128x1xi1> to vector<128x128xi1>
    %select_n3A_1664 = arith.select %broadcast_in_dim3A_1663, %mul3A_1661, %get3A_1659 : vector<128x128xi1>, vector<128x128xf32>
    %swap3A_1665 = arith.constant 14080 : index
    %swap3A_1666 = arith.constant 0 : index
    %swap3A_1667 = vector.load %arg6[%swap3A_1665, %swap3A_1666] : memref<14336x128xf32, #tpu.memory_space<vmem>>, vector<128x128xf32>
    tpu.vector_store %arg6[%swap3A_1665, %swap3A_1666], %select_n3A_1664 {strides = array<i32>} : memref<14336x128xf32, #tpu.memory_space<vmem>>, vector<128x128xf32>,
    %slice3A_1668 = vector.extract_strided_slice %get3A_8 {offsets = [0, 111], sizes = [128, 1], strides = [1, 1]} : vector<128x112xf32> to vector<128x1xf32>
    %ne3A_1669 = arith.constant 0.000000e+00 : f32
    %ne3A_1670 = vector.broadcast %ne3A_1669 : f32 to vector<128x1xf32>
    %ne3A_1671 = arith.cmpf one, %slice3A_1668, %ne3A_1670 : vector<128x1xf32>
    %get3A_1672 = arith.constant 14208 : index
    %get3A_1673 = arith.constant 0 : index
    %get3A_1674 = vector.load %arg4[%get3A_1672, %get3A_1673] : memref<14336x128xf32, #tpu.memory_space<vmem>>, vector<128x128xf32>
    %mul3A_1675 = vector.broadcast %get3A_3 : vector<1x128xf32> to vector<128x128xf32>
    %mul3A_1676 = arith.mulf %get3A_1674, %mul3A_1675 : vector<128x128xf32>
    %broadcast_in_dim3A_1677 = vector.shape_cast %ne3A_1671 : vector<128x1xi1> to vector<128x1xi1>
    %broadcast_in_dim3A_1678 = vector.broadcast %broadcast_in_dim3A_1677 : vector<128x1xi1> to vector<128x128xi1>
    %select_n3A_1679 = arith.select %broadcast_in_dim3A_1678, %mul3A_1676, %get3A_1674 : vector<128x128xi1>, vector<128x128xf32>
    %swap3A_1680 = arith.constant 14208 : index
    %swap3A_1681 = arith.constant 0 : index
    %swap3A_1682 = vector.load %arg6[%swap3A_1680, %swap3A_1681] : memref<14336x128xf32, #tpu.memory_space<vmem>>, vector<128x128xf32>
    tpu.vector_store %arg6[%swap3A_1680, %swap3A_1681], %select_n3A_1679 {strides = array<i32>} : memref<14336x128xf32, #tpu.memory_space<vmem>>, vector<128x128xf32>,
    return
  }
  func.func @transform_0(%arg0: i32) -> (i32, i32) {
    %c0_i32 = arith.constant 0 : i32
    %c0_i32_0 = arith.constant 0 : i32
    %c0_i32_1 = arith.constant 0 : i32
    return %c0_i32, %c0_i32_0 : i32, i32
  }
  func.func @transform_1(%arg0: i32) -> (i32, i32) {
    %c0_i32 = arith.constant 0 : i32
    %c0_i32_0 = arith.constant 0 : i32
    %c0_i32_1 = arith.constant 0 : i32
    return %c0_i32, %c0_i32_0 : i32, i32
  }
  func.func @transform_2(%arg0: i32) -> (i32, i32) {
    %c0_i32 = arith.constant 0 : i32
    %c0_i32_0 = arith.constant 0 : i32
    %c0_i32_1 = arith.constant 0 : i32
    return %c0_i32, %c0_i32_0 : i32, i32
  }
  func.func @transform_3(%arg0: i32) -> (i32, i32) {
    %c0_i32 = arith.constant 0 : i32
    %c0_i32_0 = arith.constant 0 : i32
    return %arg0, %c0_i32 : i32, i32
  }
  func.func @transform_4(%arg0: i32) -> (i32, i32) {
    %c0_i32 = arith.constant 0 : i32
    %c0_i32_0 = arith.constant 0 : i32
    %c0_i32_1 = arith.constant 0 : i32
    return %c0_i32, %c0_i32_0 : i32, i32
  }
  func.func @transform_5(%arg0: i32) -> (i32, i32) {
    %c0_i32 = arith.constant 0 : i32
    %c0_i32_0 = arith.constant 0 : i32
    return %arg0, %c0_i32 : i32, i32
  }
}

</mosaic_0001>

<sc_bundles>
// kernel: kernel.4.cloned.1.call-start
scs
__scs_entry_jumppad:
0x0: {  	(pc) =	sbr.rel $0x88, $3  }
0x1: {  	(tag) =	ssettag $0x0;
	lr =	simm.s32 $0x1  }
0x2: {  	[smem:$0x3F9C] =	sst lr;
	_ =	strace $0xD0000000  }
0x3: {  	_ = 	snop  }
0x4: {  	_ = 	snop  }
0x5: {  	_ = 	snop  }
0x6: {  	_ = 	snop  }
0x7: {  	_ = 	snop  }
__scs_overlays_trampoline_lowered:
0x8: {  	[smem:$0x3FAB] =	sst s0  }
0x9: {  	[smem:$0x3FAC] =	sst s1  }
0xa: {  	[smem:$0x3FAD] =	sst s2  }
0xb: {  	[smem:$0x3FAE] =	sst s3  }
0xc: {  	[smem:$0x3FAF] =	sst s4  }
0xd: {  	[smem:$0x3FB0] =	sst s5  }
0xe: {  	[smem:$0x3FB1] =	sst s6  }
0xf: {  	[smem:$0x3FB2] =	sst s7  }
0x10: {  	[smem:$0x3FB3] =	sst s8  }
0x11: {  	[smem:$0x3FB4] =	sst s9;
	s0 =	simm.s32 @!p0 $0x0  }
0x12: {  	s1 =	sld [smem:$0x3F9A];
	s0 =	simm.s32 @p0 $0x1  }
0x13: {  	[smem:$0x3FB5] =	sst s0;
	s0 =	simm.s32 @!p1 $0x0  }
0x14: {  	s2 =	sld [smem:$0x3F99];
	s0 =	simm.s32 @p1 $0x1  }
0x15: {  	[smem:$0x3FB6] =	sst s0;
	s0 =	simm.s32 @!p2 $0x0  }
0x16: {  	s3 =	sld [smem:$0x3FDB];
	s0 =	simm.s32 @p2 $0x1  }
0x17: {  	s4 =	simm.s32 $0x1BF5;
	[smem:$0x3FB8] =	sst s0  }
0x18: {  	s0 =	sld [smem:$0x3F9B];
	_ =	swait.ge [sflag:s4], $0x0  }
0x19: {  	s7 =	sld [smem:$0x3F9C]  }
0x1a: {  	s8 =	sadd.s32 $0xFFFFE003, lr  }
0x1b: {  	s9 =	sadd.s32 $0xFFFFFEF7, lr;
	s5 =	simm.s32 $0xFFFFFFFF;
	p2 =	slt.u32 s8, $0xFFFFF086  }
0x1c: {  	p1 =	slt.u32 s9, $0xF7A;
	s5 =	simm.s32 @!p2 $0x0  }
0x1d: {  	s5 =	simm.s32 @p1 $0x1;
	p0 =	seq.s32 s7, s2  }
0x1e: {  	s7 =	smul.u32 @!p0 $0xF7A, s2;
	p2 =	seq.s32 @!p0 s5, $0x0  }
0x1f: {  	s9 =	smul.u32 $0xF7A, s1;
	s8 =	simm.s32 @!p0 $0x1BF5;
	p2 =	por !p2, p0  }
0x20: {  	[sflag:s8] =	ssyncset.s32 @!p0 $0xFFFFF086;
	s6 =	sadd.s32 @!p0 s3, s7;
	s7 =	simm.s32 @!p0 $0x108  }
0x21: {  	s3 =	sadd.s32 s3, s9;
	s6 =	sadd.s32 @!p0 $0x88, s6;
	s7 =	simm.s32 @p2 $0x1082  }
0x22: {  	[simem:s7], [sflag:s8] =	dma.local @!p0 [hbm:s6], $0xF7A  }
0x23: {  	s9 =	sor.u32 $0xD0000000, s2;
	s6 =	simm.s32 $0x108;
	_ =	swait.ge @!p0 [sflag:s8], $0x0  }
0x24: {  	s3 =	sadd.s32 $0x88, s3;
	s6 =	simm.s32 @!p1 $0x1082;
	[sflag:s4] =	ssyncset.s32 $0xFFFFF086  }
0x25: {  	[simem:s6], [sflag:s4] =	dma.local [hbm:s3], $0xF7A  }
0x26: {  	[smem:$0x3F9C] =	sst s1;
	(tag) =	ssettag s2;
	_ =	strace s9  }
0x27: {  	s1 =	sld [smem:$0x3FAC]  }
0x28: {  	s2 =	sld [smem:$0x3FAD]  }
0x29: {  	s4 =	sld [smem:$0x3FAF]  }
0x2a: {  	p0 =	seq.s32 s5, $0x0;
	s5 =	sld [smem:$0x3FB0]  }
0x2b: {  	s6 =	sld [smem:$0x3FB1]  }
0x2c: {  	s7 =	sld [smem:$0x3FB2]  }
0x2d: {  	s3 =	simm.s32 $0x108;
	s8 =	sld [smem:$0x3FB3]  }
0x2e: {  	s3 =	simm.s32 @!p0 $0x1082;
	s9 =	sld [smem:$0x3FB4]  }
0x2f: {  	lr =	sadd.s32 s0, s3;
	s0 =	sld [smem:$0x3FAB]  }
0x30: {  	s3 =	sld [smem:$0x3FAE]  }
0x31: {  	[smem:$0x3FB7] =	sst s10  }
0x32: {  	s10 =	sld [smem:$0x3FB5];
	_ =	sdelay $0x3  }
0x33: {  	p0 =	seq.s32 s10, $0x1;
	s10 =	sld [smem:$0x3FB7];
	_ =	sdelay $0x3  }
0x34: {  	[smem:$0x3FB7] =	sst s10  }
0x35: {  	s10 =	sld [smem:$0x3FB6];
	_ =	sdelay $0x3  }
0x36: {  	p1 =	seq.s32 s10, $0x1;
	s10 =	sld [smem:$0x3FB7];
	_ =	sdelay $0x3  }
0x37: {  	[smem:$0x3FB7] =	sst s10  }
0x38: {  	s10 =	sld [smem:$0x3FB8]  }
0x39: {  	_ = 	snop;
	(pc) =	sbr.ind lr, $3  }
0x3a: {  	_ = 	snop  }
0x3b: {  	_ = 	snop  }
0x3c: {  	p2 =	seq.s32 s10, $0x1;
	s10 =	sld [smem:$0x3FB7]  }
0x3d: {  	_ =	shalt  }
0x3e: {  	_ =	shalt  }
0x3f: {  	_ =	shalt  }
0x40: {  	_ =	shalt  }
0x41: {  	_ =	shalt  }
0x42: {  	_ =	shalt  }
0x43: {  	_ =	shalt  }
0x44: {  	_ =	shalt  }
0x45: {  	_ =	shalt  }
0x46: {  	_ =	shalt  }
0x47: {  	_ =	shalt  }
0x48: {  	_ =	shalt  }
0x49: {  	_ =	shalt  }
0x4a: {  	_ =	shalt  }
0x4b: {  	_ =	shalt  }
0x4c: {  	_ =	shalt  }
0x4d: {  	_ =	shalt  }
0x4e: {  	_ =	shalt  }
0x4f: {  	_ =	shalt  }
0x50: {  	_ =	shalt  }
0x51: {  	_ =	shalt  }
0x52: {  	_ =	shalt  }
0x53: {  	_ =	shalt  }
0x54: {  	_ =	shalt  }
0x55: {  	_ =	shalt  }
0x56: {  	_ =	shalt  }
0x57: {  	_ =	shalt  }
0x58: {  	_ =	shalt  }
0x59: {  	_ =	shalt  }
0x5a: {  	_ =	shalt  }
0x5b: {  	_ =	shalt  }
0x5c: {  	_ =	shalt  }
0x5d: {  	_ =	shalt  }
0x5e: {  	_ =	shalt  }
0x5f: {  	_ =	shalt  }
0x60: {  	_ =	shalt  }
0x61: {  	_ =	shalt  }
0x62: {  	_ =	shalt  }
0x63: {  	_ =	shalt  }
0x64: {  	_ =	shalt  }
0x65: {  	_ =	shalt  }
0x66: {  	_ =	shalt  }
0x67: {  	_ =	shalt  }
0x68: {  	_ =	shalt  }
0x69: {  	_ =	shalt  }
0x6a: {  	_ =	shalt  }
0x6b: {  	_ =	shalt  }
0x6c: {  	_ =	shalt  }
0x6d: {  	_ =	shalt  }
0x6e: {  	_ =	shalt  }
0x6f: {  	_ =	shalt  }
0x70: {  	_ =	shalt  }
0x71: {  	_ =	shalt  }
0x72: {  	_ =	shalt  }
0x73: {  	_ =	shalt  }
0x74: {  	_ =	shalt  }
0x75: {  	_ =	shalt  }
0x76: {  	_ =	shalt  }
0x77: {  	_ =	shalt  }
0x78: {  	_ =	shalt  }
0x79: {  	_ =	shalt  }
0x7a: {  	_ =	shalt  }
0x7b: {  	_ =	shalt  }
0x7c: {  	_ =	shalt  }
0x7d: {  	_ =	shalt  }
0x7e: {  	_ =	shalt  }
0x7f: {  	_ =	shalt  }
0x80: {  	_ =	shalt  }
0x81: {  	_ =	shalt  }
0x82: {  	_ =	shalt  }
0x83: {  	_ =	shalt  }
0x84: {  	_ =	shalt  }
0x85: {  	_ =	shalt  }
0x86: {  	_ =	shalt  }
0x87: {  	_ =	shalt  }
.Lfunc_end0:
.L_simem_size_0:
called_computation_lowered:
.L_overlay_start_0:
0x88: {  	s2 =	sld [smem:$0x3FD9]  }
0x89: {  	s3 =	sld [smem:$0x3FFE];
	_ =	sdelay $0x1  }
0x8a: {  	s1 =	srdreg.scid  }
0x8b: {  	s0 =	sand.u32 $0x1, s1  }
0x8c: {  	s17 =	sshll.u32 s0, $0xA;
	s2 =	sadd.s32 s3, s2  }
0x8d: {  	s2 =	sadd.s32 s2, s17  }
0x8e: {  	[smem:$0x3FC3] =	sst s2  }
0x8f: {  	_ = 	snop  }
0x90: {  	s2 =	sld [smem:$0x3FD0];
	(tm) =	ssettm $0x1  }
0x91: {  	s18 =	sld [smem:$0x3FFB];
	_ =	sdelay $0x3  }
0x92: {  	_ =	strace s18  }
0x93: {  	s3 =	sld [smem:$0x3FFC];
	_ =	sdelay $0x3  }
0x94: {  	_ =	strace s3  }
0x95: {  	s3 =	sld [smem:$0x3FFD];
	_ =	sdelay $0x3  }
0x96: {  	_ =	strace s3  }
0x97: {  	_ =	strace $0x8FFFFFFF  }
0x98: {  	s19 =	sld [smem:$0x3FDB];
	_ =	sdelay $0x1  }
0x99: {  	s4 =	simm.s32 $_scs_section_size  }
0x9a: {  	s5 =	simm.s32 $_size__tile_overlayer_lowered;
	s6 =	simm.s32 $_tile_overlayer_lowered  }
0x9b: {  	s22 =	simm.s32 $0x1BFF;
	s21 =	sshll.u32 s6, $0x1;
	s3 =	sadd.s32 s4, s19  }
0x9c: {  	s7 =	simm.s32 $0x0;
	s20 =	sshll.u32 s5, $0x1;
	s5 =	sadd.s32 s21, s3  }
0x9d: {  	[timem:s7], [sflag:s22] =	dma.local [hbm:s5], s20  }
0x9e: {  	_ =	swait.ge [sflag:s22], s20  }
0x9f: {  	s4 =	ssub.s32 $0x0, s20;
	[sflag:s22] =	ssyncset.done $0x0  }
0xa0: {  	[sflag:s22] =	ssyncadd.s32 s4;
	_ =	sdelay $0x1  }
0xa1: {  	s23 =	simm.s32 $0x1B8B  }
0xa2: {  	_ =	swait.ge [sflag:s23], $0x1  }
0xa3: {  	[sflag:s23] =	ssyncset.done $0x0  }
0xa4: {  	s25 =	simm.s32 $0x1B8E;
	s24 =	sld [smem:$0x3FFE];
	[sflag:s23] =	ssyncadd.s32 $0xFFFFFFFF  }
0xa5: {  	s26 =	simm.s32 $execute0_lowered;
	[smem:$0x3FD2] =	sst s25  }
0xa6: {  	s5 =	sshll.u32 s26, $0x1;
	_ =	strace $0x80000046;
	[dreg:$0x1] =	wrdreg $0xFFFFFFFF  }
0xa7: {  	s28 =	simm.s32 $_size_execute0_lowered;
	s3 =	sadd.s32 s3, s5;
	[dreg:$0x0] =	wrdreg $0x0  }
0xa8: {  	s5 =	sshll.u32 s28, $0x1;
	[dreg:$0x2] =	wrdreg s3  }
0xa9: {  	[dreg:$0x3] =	wrdreg s5  }
0xaa: {  	[dreg:$0x4] =	wrdreg $0xC0  }
0xab: {  	_ =	task [dreg:s7], $0x5FFFF  }
0xac: {  	[dreg:$0x1] =	wrdreg $0xFFFFFFFF  }
0xad: {  	[dreg:$0x0] =	wrdreg $0x60  }
0xae: {  	[dreg:$0x2] =	wrdreg s24  }
0xaf: {  	[dreg:$0x3] =	wrdreg s2  }
0xb0: {  	[dreg:$0x4] =	wrdreg $0x9  }
0xb1: {  	_ =	task.clear_ibuf [dreg:s7], $0x5FFFF;
	_ =	strace $0x90000046  }
0xb2: {  	s29 =	simm.s32 $0x9;
	_ =	strace $0x80000048  }
0xb3: {  	_ =	swait.ge [sflag:s29], $0x1  }
0xb4: {  	[sflag:s29] =	ssyncadd.s32 $0xFFFFFFFF  }
0xb5: {  	_ =	strace $0x90000048  }
0xb6: {  	_ =	sfence  }
0xb7: {  	s30 =	sld [smem:$0x0];
	_ =	sdelay $0x2  }
0xb8: {  	s31 =	sshll.u32 s1, $0xD;
	s1 =	sshrl.u32 s1, $0x2  }
0xb9: {  	s3 =	sand.u32 $0x4000, s31;
	s1 =	sadd.s32 s1, s30  }
0xba: {  	s0 =	sor.u32 s3, s0;
	s1 =	sshll.u32 s1, $0x11  }
0xbb: {  	s0 =	sor.u32 s1, s0  }
0xbc: {  	s0 =	sadd.s32 $0x8F2B, s0  }
0xbd: {  	[sflag:s0] =	ssyncadd.remote.s32 $0x1  }
0xbe: {  	_ =	sfence.sel $0xFFFF  }
0xbf: {  	[dreg:$0x0] =	wrdreg $0xFFFFFFFF;
	(pc) =	sbr.abs _section_cstart, $3  }
0xc0: {  	[dreg:$0x1] =	wrdreg $0xFFFFFFFF  }
0xc1: {  	_ =	task.clear_ibuf [dreg:s7], $0x2FFFF;
	_ =	strace $0x9FFFFFFF  }
0xc2: {  	(tm) =	ssettm $0x7FFFFFFF  }
0xc3: {  	_ =	shalt  }
tec
execute0_lowered:
.L_overlay_start_1:
0x0: {  	(tag) =	ssettag $0x1  }
0x1: {  	s3 =	rddreg [dreg:$0x0]  }
0x2: {  	s4 =	rddreg [dreg:$0x1]  }
0x3: {  	s0 =	rddreg [dreg:$0x2]  }
0x4: {  	s2 =	simm.s32 $0x0;
	s5 =	srdreg.scid;
	s1 =	stileid.u32  }
0x5: {  	s9 =	simm.s32 $0x0;
	[smem:$0x7FF] =	sst s2;
	s5 =	sand.u32 $0x1, s5  }
0x6: {  	s6 =	sshll.u32 s1, $0x1;
	s3 =	sadd.s32 $0xA00, s3;
	s7 =	ssub.s32 $0x2, s5  }
0x7: {  	_ =	strace $0x80000047;
	s5 =	sor.u32 s5, s6;
	s30 =	sshrl.u32 s7, $0x1  }
0x8: {  	s8 =	sshll.u32 s5, $0xC;
	s5 =	sshll.u32 s5, $0x9;
	s6 =	ssub.s32 s7, s30  }
0x9: {  	v2 =	vimm.f32 $0.0e+00;
	s31 =	sadd.s32 $0x1000, s8;
	s4 =	sadd.s32 s4, s5;
	s7 =	simm.s32 $0x1400  }
0xa: {  	v3 =	vimm.f32 $1.000000000e+00;
	v0 =	vmov s8;
	s8 =	simm.s32 $0x2;
	s5 =	smax.u32 s6, $0x1;
	s6 =	simm.s32 $0x1;
	v1 =	vmov s31  }
.LBB2_1:
0xb: {  	[tilespmem:s2], [sflag:$0x1] =	stream.linear.gather [hbm4b:s3+s2], $0x1400, $0x38;
	[tilespmem:$0x2400] =	vst v63  }
0xc: {  	s10 =	simm.s32 $0x1440  }
0xd: {  	[tilespmem:s10+$0xFFFFFFC0] =	vst v2  }
0xe: {  	[tilespmem:s10+$0x30] =	vst v2  }
0xf: {  	[tilespmem:s10+$0x20] =	vst v2  }
0x10: {  	[tilespmem:s10+$0x10] =	vst v2  }
0x11: {  	[tilespmem:s10+$0x0] =	vst v2  }
0x12: {  	[tilespmem:s10+$0xFFFFFFF0] =	vst v2  }
0x13: {  	s11 =	simm.s32 $0x0;
	[tilespmem:s10+$0xFFFFFFE0] =	vst v2  }
.LBB2_2:
0x14: {  	s11 =	sadd.s32 $0x8, s11;
	[tilespmem:s10+$0xFFFFFFD0] =	vst v2;
	s10 =	sadd.s32 $0x80, s10  }
0x15: {  	[tilespmem:s10+$0xFFFFFFC0] =	vst v2;
	p0 =	slt.u32 s11, $0xF8  }
0x16: {  	[tilespmem:s10+$0x30] =	vst v2  }
.Ltmp0:
0x17: {  	[tilespmem:s10+$0x20] =	vst v2;
	(pc) =	sbr.rel @p0 .LBB2_2-.Ltmp0, $4  }
0x18: {  	[tilespmem:s10+$0x10] =	vst v2  }
0x19: {  	[tilespmem:s10+$0x0] =	vst v2  }
0x1a: {  	[tilespmem:s10+$0xFFFFFFF0] =	vst v2  }
0x1b: {  	[tilespmem:s10+$0xFFFFFFE0] =	vst v2  }
0x1c: {  	[tilespmem:s10+$0xFFFFFFD0] =	vst v2  }
0x1d: {  	_ =	swait.ge [sflag:s6], $0x1400  }
0x1e: {  	[sflag:s6] =	ssyncset.done $0x0  }
0x1f: {  	s10 =	simm.s32 $0xFFFFFFF8;
	s11 =	simm.s32 $0x40;
	[sflag:s6] =	ssyncadd.s32 $0xFFFFEC00  }
.LBB2_4:
0x20: {  	v4 =	vld [tilespmem:s11+$0xFFFFFFC0];
	_ =	sdelay $0x4  }
0x21: {  	vm0 =	vge.s32 v4, v0;
	vm1 =	vlt.s32 v4, v1  }
0x22: {  	v4 =	vsub.s32 v4, v0;
	vm0 =	vmand vm0, vm1  }
0x23: {  	v4 =	vnsel vm0, $0x0, v4;
	_ =	sdelay $0x4  }
0x24: {  	[tilespmem:v4+s7+$0x0] =	vst.idx.msk vm0, v3  }
0x25: {  	v4 =	vld [tilespmem:s11+$0xFFFFFFD0];
	_ =	sdelay $0x4  }
0x26: {  	vm14 =	vge.s32 v4, v0;
	vm15 =	vlt.s32 v4, v1  }
0x27: {  	v4 =	vsub.s32 v4, v0;
	vm0 =	vmand vm14, vm15  }
0x28: {  	v4 =	vnsel vm0, $0x0, v4;
	_ =	sdelay $0x4  }
0x29: {  	[tilespmem:v4+s7+$0x0] =	vst.idx.msk vm0, v3  }
0x2a: {  	v4 =	vld [tilespmem:s11+$0xFFFFFFE0];
	_ =	sdelay $0x4  }
0x2b: {  	vm4 =	vge.s32 v4, v0;
	vm5 =	vlt.s32 v4, v1  }
0x2c: {  	v4 =	vsub.s32 v4, v0;
	vm0 =	vmand vm4, vm5  }
0x2d: {  	v4 =	vnsel vm0, $0x0, v4;
	_ =	sdelay $0x4  }
0x2e: {  	[tilespmem:v4+s7+$0x0] =	vst.idx.msk vm0, v3  }
0x2f: {  	v4 =	vld [tilespmem:s11+$0xFFFFFFF0];
	_ =	sdelay $0x4  }
0x30: {  	vm6 =	vge.s32 v4, v0;
	vm7 =	vlt.s32 v4, v1  }
0x31: {  	v4 =	vsub.s32 v4, v0;
	vm0 =	vmand vm6, vm7  }
0x32: {  	v4 =	vnsel vm0, $0x0, v4;
	_ =	sdelay $0x4  }
0x33: {  	[tilespmem:v4+s7+$0x0] =	vst.idx.msk vm0, v3  }
0x34: {  	v4 =	vld [tilespmem:s11+$0x0];
	_ =	sdelay $0x4  }
0x35: {  	vm8 =	vge.s32 v4, v0;
	vm9 =	vlt.s32 v4, v1  }
0x36: {  	v4 =	vsub.s32 v4, v0;
	vm0 =	vmand vm8, vm9  }
0x37: {  	v4 =	vnsel vm0, $0x0, v4;
	_ =	sdelay $0x4  }
0x38: {  	[tilespmem:v4+s7+$0x0] =	vst.idx.msk vm0, v3  }
0x39: {  	v4 =	vld [tilespmem:s11+$0x10];
	_ =	sdelay $0x4  }
0x3a: {  	vm10 =	vge.s32 v4, v0;
	vm11 =	vlt.s32 v4, v1  }
0x3b: {  	v4 =	vsub.s32 v4, v0;
	vm0 =	vmand vm10, vm11  }
0x3c: {  	v4 =	vnsel vm0, $0x0, v4;
	_ =	sdelay $0x4  }
0x3d: {  	[tilespmem:v4+s7+$0x0] =	vst.idx.msk vm0, v3  }
0x3e: {  	v4 =	vld [tilespmem:s11+$0x20];
	_ =	sdelay $0x4  }
0x3f: {  	vm12 =	vge.s32 v4, v0;
	vm13 =	vlt.s32 v4, v1  }
0x40: {  	v4 =	vsub.s32 v4, v0;
	vm0 =	vmand vm12, vm13  }
0x41: {  	v4 =	vnsel vm0, $0x0, v4;
	_ =	sdelay $0x4  }
0x42: {  	[tilespmem:v4+s7+$0x0] =	vst.idx.msk vm0, v3  }
0x43: {  	v4 =	vld [tilespmem:s11+$0x30];
	_ =	sdelay $0x4  }
0x44: {  	vm14 =	vge.s32 v4, v0;
	vm15 =	vlt.s32 v4, v1  }
0x45: {  	s10 =	sadd.s32 $0x8, s10;
	v4 =	vsub.s32 v4, v0;
	vm0 =	vmand vm14, vm15  }
0x46: {  	p0 =	slt.u32 s10, $0x138;
	v4 =	vnsel vm0, $0x0, v4  }
.Ltmp1:
0x47: {  	_ = 	snop;
	(pc) =	sbr.rel @p0 .LBB2_4-.Ltmp1, $2  }
0x48: {  	_ =	sdelay $0x2  }
0x49: {  	s11 =	sadd.s32 $0x80, s11;
	[tilespmem:v4+s7+$0x0] =	vst.idx.msk vm0, v3  }
0x4a: {  	s9 =	sadd.s32 $0x1, s9  }
0x4b: {  	p0 =	sne.s32 s9, s5  }
.Ltmp2:
0x4c: {  	_ = 	snop;
	(pc) =	sbr.rel @p0 .LBB2_1-.Ltmp2, $4  }
0x4d: {  	[hbm4b:s4+s2] =	stream.linear.scatter [tilespmem:s7], [sflag:$0x2], $0x1000, $0x38;
	[tilespmem:$0x2400] =	vst v63  }
0x4e: {  	_ =	swait.ge [sflag:s8], $0x1000  }
0x4f: {  	[sflag:s8] =	ssyncset.done $0x0  }
0x50: {  	[sflag:s8] =	ssyncadd.s32 $0xFFFFF000  }
0x51: {  	_ =	sfence.sel $0x180000  }
0x52: {  	[bflag:$0x0] =	sbarrier.arrive $0xFFFF  }
0x53: {  	p0 =	sne.s32 s1, $0x0;
	_ =	strace $0x90000047  }
0x54: {  	s0 =	sadd.s32 @!p0 $0x100000, s0;
	[bflag:$0x2] =	sbarrier.arrive $0xFFFF  }
0x55: {  	[sflag:s0] =	ssyncadd.tile.s32 @!p0 $0x1;
	_ =	shalt  }
.Lfunc_end2:
_tile_overlayer_lowered:
.L_overlay_start_2:
0x56: {  	(tag) =	ssettag $0x2  }
0x57: {  	s0 =	rddreg [dreg:$0x0];
	s2 =	stileid.u32  }
0x58: {  	s1 =	rddreg [dreg:$0x1];
	p0 =	sne.s32 s2, $0x0  }
0x59: {  	s3 =	rddreg [dreg:$0x2];
	[bflag:$0x3] =	sbarrier.arrive $0xFFFF;
	s2 =	simm.s32 @!p0 $0x1C02  }
0x5a: {  	[timem:s3], [sflag:s2] =	dma.local @!p0 [hbm:s0], s1  }
0x5b: {  	s0 =	simm.s32 @!p0 $0x2  }
0x5c: {  	_ =	swait.ge @!p0 [sflag:s0], s1  }
0x5d: {  	s1 =	ssub.s32 @!p0 $0x0, s1;
	[sflag:s0] =	ssyncset.done @!p0 $0x0  }
0x5e: {  	[sflag:s0] =	ssyncadd.s32 @!p0 s1  }
0x5f: {  	[bflag:$0x3] =	sbarrier.arrive $0xFFFF  }
0x60: {  	_ =	shalt  }

</sc_bundles>
